<compile_context>
chip_gen: v7x
topology: tpu7x:2x2x1
jax: 0.10.2.dev20260603
libtpu: 0.0.44.dev20260713+nightly
codegen_flags: <defaults>
</compile_context>

<pallas_src>
import functools
import math

import jax
import jax.numpy as jnp
from jax import lax
from jax.experimental import pallas as pl
from jax.experimental.pallas import tpu as pltpu
from jax.experimental.pallas import tpu_sc as plsc

ALPHA = 0.5
_S_EDGE = math.sqrt(ALPHA)
_S_LOOP = math.sqrt(1.0 - ALPHA)


def _prep_body(n, feat_ref, w_ref, et_ref, src_ref, table_ref, g_ref):
    x = feat_ref[...]
    r_count = w_ref.shape[0]
    for r in range(r_count):
        table_ref[r] = (
            jnp.dot(x, w_ref[r], preferred_element_type=jnp.float32) * _S_EDGE
        )

    @pl.when(pl.program_id(0) == 0)
    def _():
        g_ref[...] = et_ref[...] * n + src_ref[...]


def _prepare(feat, weight, etypes, src, blk):
    n, d_in = feat.shape
    r_count, _, d_out = weight.shape
    e = etypes.shape[0]
    grid = n // blk
    erows = e // 128
    et2 = etypes.reshape(erows, 128)
    src2 = src.reshape(erows, 128)
    table, g2 = pl.pallas_call(
        functools.partial(_prep_body, n),
        grid=(grid,),
        in_specs=[
            pl.BlockSpec((blk, d_in), lambda i: (i, 0)),
            pl.BlockSpec((r_count, d_in, d_out), lambda i: (0, 0, 0)),
            pl.BlockSpec((erows, 128), lambda i: (0, 0)),
            pl.BlockSpec((erows, 128), lambda i: (0, 0)),
        ],
        out_specs=(
            pl.BlockSpec((r_count, blk, d_out), lambda i: (0, i, 0)),
            pl.BlockSpec((erows, 128), lambda i: (0, 0)),
        ),
        out_shape=(
            jax.ShapeDtypeStruct((r_count, n, d_out), jnp.float32),
            jax.ShapeDtypeStruct((erows, 128), jnp.int32),
        ),
    )(feat, weight, et2, src2)
    return table, g2.reshape(e)


def _make_sc_kernel(n, e, d, nc, ns, ch, zrows, nlanes=4):
    nw = nc * ns
    ep = e // nw
    nchunk = ep // ch
    ring = 2 * nlanes
    pre = nchunk % nlanes
    rows_base = (n // (8 * ns)) * 8
    tail = n - ns * rows_base
    mesh = plsc.VectorSubcoreMesh(core_axis_name="c", subcore_axis_name="s")

    @functools.partial(
        pl.kernel,
        out_type=jax.ShapeDtypeStruct((nc, n, d), jnp.float32),
        mesh=mesh,
        scratch_types=(
            [
                pltpu.VMEM((ring, ch), jnp.int32),
                pltpu.VMEM((ring, ch), jnp.int32),
            ]
            + [pltpu.VMEM((ch, d), jnp.float32) for _ in range(nlanes)]
            + [
                pltpu.VMEM((zrows, d), jnp.float32),
                pltpu.VMEM_SHARED((n, d), jnp.float32),
            ]
            + [pltpu.SemaphoreType.DMA] * (3 * nlanes + 1)
        ),
    )
    def sc_fn(g_h, dst_h, table, out, gidx, didx, *rest):
        rows = list(rest[:nlanes])
        zbuf = rest[nlanes]
        acc = rest[nlanes + 1]
        sems = rest[nlanes + 2:]
        lsems = list(sems[:nlanes])
        gsems = list(sems[nlanes:2 * nlanes])
        ssems = list(sems[2 * nlanes:3 * nlanes])
        zsem = sems[3 * nlanes]

        c = lax.axis_index("c")
        s = lax.axis_index("s")
        wid = s * nc + c
        base_e = pl.multiple_of(wid * ep, 8)

        def load_idx(j, lsem):
            slot = lax.rem(j, ring)
            off = pl.multiple_of(base_e + j * ch, 8)
            pltpu.async_copy(g_h.at[pl.ds(off, ch)], gidx.at[slot], lsem)
            pltpu.async_copy(dst_h.at[pl.ds(off, ch)], didx.at[slot], lsem)

        def wait_idx(lsem):
            pltpu.make_async_copy(
                g_h.at[pl.ds(0, ch)], gidx.at[0], lsem).wait()
            pltpu.make_async_copy(
                dst_h.at[pl.ds(0, ch)], didx.at[0], lsem).wait()

        def gather(j, rows_l, sem):
            pltpu.async_copy(table.at[gidx.at[lax.rem(j, ring)]], rows_l, sem)

        def wait_gather(rows_l, sem):
            pltpu.make_async_copy(table.at[gidx.at[0]], rows_l, sem).wait()

        def scat(j, rows_l, sem):
            pltpu.async_copy(
                rows_l, acc.at[didx.at[lax.rem(j, ring)]], sem, add=True)

        def wait_scat(rows_l, sem):
            pltpu.make_async_copy(rows_l, acc.at[didx.at[0]], sem).wait()

        for j in range(pre):
            load_idx(j, lsems[j])

        def zero_row(i, carry):
            for k in range(d // 16):
                zbuf[i, pl.ds(k * 16, 16)] = jnp.zeros((16,), jnp.float32)
            return carry

        lax.fori_loop(0, zrows, zero_row, 0)
        r0 = s * rows_base
        for k in range(rows_base // zrows):
            pltpu.async_copy(zbuf, acc.at[pl.ds(r0 + k * zrows, zrows)], zsem)
        if tail:
            @pl.when(s == ns - 1)
            def _init_tail():
                pltpu.async_copy(
                    zbuf.at[pl.ds(0, tail)],
                    acc.at[pl.ds(ns * rows_base, tail)],
                    zsem,
                )
        for j in range(pre):
            wait_idx(lsems[j])
            gather(j, rows[j], gsems[j])
        for lane in range(nlanes):
            load_idx(pre + lane, lsems[lane])
        for k in range(rows_base // zrows):
            pltpu.make_async_copy(
                zbuf, acc.at[pl.ds(r0 + k * zrows, zrows)], zsem).wait()
        if tail:
            @pl.when(s == ns - 1)
            def _drain_tail():
                pltpu.make_async_copy(
                    zbuf.at[pl.ds(0, tail)],
                    acc.at[pl.ds(ns * rows_base, tail)],
                    zsem,
                ).wait()
        plsc.subcore_barrier()
        for j in range(pre):
            wait_gather(rows[j], gsems[j])
            scat(j, rows[j], ssems[j])

        def body(i, carry):
            chunks = [pre + nlanes * i + lane for lane in range(nlanes)]
            for lane in range(nlanes):
                x = chunks[lane]
                wait_idx(lsems[lane])
                if lane < pre:
                    wait_scat(rows[lane], ssems[lane])
                else:
                    @pl.when(i > 0)
                    def _(lane=lane):
                        wait_scat(rows[lane], ssems[lane])
                gather(x, rows[lane], gsems[lane])
            for lane in range(nlanes):
                x = chunks[lane]

                @pl.when(x + nlanes < nchunk)
                def _(lane=lane, x=x):
                    load_idx(x + nlanes, lsems[lane])
            for lane in range(nlanes):
                x = chunks[lane]
                wait_gather(rows[lane], gsems[lane])
                scat(x, rows[lane], ssems[lane])
            return carry

        lax.fori_loop(0, (nchunk - pre) // nlanes, body, 0)
        for lane in range(nlanes):
            wait_scat(rows[lane], ssems[lane])
        plsc.subcore_barrier()

        pltpu.sync_copy(
            acc.at[pl.ds(r0, rows_base)],
            out.at[c, pl.ds(r0, rows_base)],
        )
        if tail:
            @pl.when(s == ns - 1)
            def _out_tail():
                pltpu.sync_copy(
                    acc.at[pl.ds(ns * rows_base, tail)],
                    out.at[c, pl.ds(ns * rows_base, tail)],
                )

    return sc_fn


def _combine_body(p_ref, feat_ref, lw_ref, b_ref, out_ref):
    loop_msg = jnp.dot(
        feat_ref[...], lw_ref[...], preferred_element_type=jnp.float32
    )
    acc = p_ref[0]
    for c in range(1, p_ref.shape[0]):
        acc = acc + p_ref[c]
    out_ref[...] = acc + loop_msg * _S_LOOP + b_ref[...]


def _combine(partials, feat, loop_weight, h_bias, blk):
    n, d_in = feat.shape
    d_out = loop_weight.shape[1]
    nc = partials.shape[0]
    grid = n // blk
    return pl.pallas_call(
        _combine_body,
        grid=(grid,),
        in_specs=[
            pl.BlockSpec((nc, blk, d_out), lambda i: (0, i, 0)),
            pl.BlockSpec((blk, d_in), lambda i: (i, 0)),
            pl.BlockSpec((d_in, d_out), lambda i: (0, 0)),
            pl.BlockSpec((1, d_out), lambda i: (0, 0)),
        ],
        out_specs=pl.BlockSpec((blk, d_out), lambda i: (i, 0)),
        out_shape=jax.ShapeDtypeStruct((n, d_out), jnp.float32),
    )(partials, feat, loop_weight, h_bias.reshape(1, d_out))


def kernel(feat, edge_index, etypes, weight, h_bias, loop_weight):
    n, d_in = feat.shape
    r_count, _, d_out = weight.shape
    e = etypes.shape[0]

    info = plsc.get_sparse_core_info()
    nc, ns = info.num_cores, info.num_subcores

    src = edge_index[0]
    dst = edge_index[1]
    table, g = _prepare(feat, weight, etypes, src, blk=1000)
    table2d = table.reshape(r_count * n, d_out)

    sc_fn = _make_sc_kernel(n, e, d_out, nc, ns, ch=40, zrows=24, nlanes=6)
    partials = sc_fn(g, dst, table2d)

    return _combine(partials, feat, loop_weight, h_bias, blk=1000)

# --- scband reference (transcript-rebuilt; emitter-appended) ---
"""Pipeline reference for scband-rel-gcn-59365037965371 (READ-ONLY COPY).

The authoritative reference and input builder live on the scoring server;
editing this copy changes nothing except your own understanding.
"""

import jax, jax.numpy as jnp
import numpy as np
import math

N = 10000
E = 320000
D_IN = 128
D_OUT = 128
R = 2
ALPHA = 0.5

def _xavier_uniform(key, shape, gain):
    fan_in, fan_out = shape[-2], shape[-1]
    bound = gain * math.sqrt(6.0 / (fan_in + fan_out))
    return jax.random.uniform(key, shape, dtype=jnp.float32, minval=-bound, maxval=bound)

def setup_inputs(seed: int = 0) -> dict:
    key = jax.random.key(seed)
    k1, k2, k3, k4, k5 = jax.random.split(key, 5)
    feat = jax.random.normal(k1, (N, D_IN), dtype=jnp.float32)
    edge_index = jax.random.randint(k2, (2, E), 0, N, dtype=jnp.int32)
    etypes = jax.random.randint(k3, (E,), 0, R, dtype=jnp.int32)
    gain = math.sqrt(2.0)  # calculate_gain('relu')
    weight = _xavier_uniform(k4, (R, D_IN, D_OUT), gain)
    loop_weight = _xavier_uniform(k5, (D_IN, D_OUT), gain)
    h_bias = jnp.zeros((D_OUT,), dtype=jnp.float32)
    return {"feat": feat, "edge_index": edge_index, "etypes": etypes,
            "weight": weight, "h_bias": h_bias, "loop_weight": loop_weight}

def reference(feat, edge_index, etypes, weight, h_bias, loop_weight):
    src = edge_index[0]
    dst = edge_index[1]
    n_nodes = feat.shape[0]
    # per-edge message: msg_e = h_src[e] @ weight[etypes[e]]
    # (computed as per-relation transform then edge gather; mathematically identical)
    xW = jnp.einsum('nd,rdo->rno', feat, weight)      # [R, N, D_OUT]
    msg = xW[etypes, src]                              # gather: [E, D_OUT]
    # fn.sum aggregation over destination nodes
    agg = jax.ops.segment_sum(msg, dst, num_segments=n_nodes)  # [N, D_OUT]
    node_repr = agg * math.sqrt(ALPHA)
    node_repr = node_repr + h_bias
    loop_message = feat @ loop_weight
    node_repr = node_repr + loop_message * math.sqrt(1.0 - ALPHA)
    # activation=None, dropout=0.0 (eval) -> identity
    return node_repr

if __name__ == "__main__":
    import jax
    _d = setup_inputs()
    print(jax.jit(kernel)(*tuple(_d.values())))

</pallas_src>

<mosaic_0001>
#map = affine_map<(d0, d1) -> (0)>
#map1 = affine_map<(d0, d1) -> (0, 0)>
#map2 = affine_map<(d0, d1) -> (0, 0, 0)>
module attributes {stable_mosaic.version = 14 : i64} {
  func.func @sc_fn(%arg0: i32, %arg1: i32, %arg2: memref<320000xi32, #tpu.memory_space<hbm>>, %arg3: memref<320000xi32, #tpu.memory_space<hbm>>, %arg4: memref<20000x128xf32, #tpu.memory_space<hbm>>, %arg5: memref<2x10000x128xf32, #tpu.memory_space<hbm>>, %arg6: memref<12x40xi32, #tpu.memory_space<vmem>>, %arg7: memref<12x40xi32, #tpu.memory_space<vmem>>, %arg8: memref<40x128xf32, #tpu.memory_space<vmem>>, %arg9: memref<40x128xf32, #tpu.memory_space<vmem>>, %arg10: memref<40x128xf32, #tpu.memory_space<vmem>>, %arg11: memref<40x128xf32, #tpu.memory_space<vmem>>, %arg12: memref<40x128xf32, #tpu.memory_space<vmem>>, %arg13: memref<40x128xf32, #tpu.memory_space<vmem>>, %arg14: memref<24x128xf32, #tpu.memory_space<vmem>>, %arg15: memref<10000x128xf32, #tpu.memory_space<vmem_shared>>, %arg16: memref<!tpu.dma_semaphore, #tpu.memory_space<semaphore_mem>>, %arg17: memref<!tpu.dma_semaphore, #tpu.memory_space<semaphore_mem>>, %arg18: memref<!tpu.dma_semaphore, #tpu.memory_space<semaphore_mem>>, %arg19: memref<!tpu.dma_semaphore, #tpu.memory_space<semaphore_mem>>, %arg20: memref<!tpu.dma_semaphore, #tpu.memory_space<semaphore_mem>>, %arg21: memref<!tpu.dma_semaphore, #tpu.memory_space<semaphore_mem>>, %arg22: memref<!tpu.dma_semaphore, #tpu.memory_space<semaphore_mem>>, %arg23: memref<!tpu.dma_semaphore, #tpu.memory_space<semaphore_mem>>, %arg24: memref<!tpu.dma_semaphore, #tpu.memory_space<semaphore_mem>>, %arg25: memref<!tpu.dma_semaphore, #tpu.memory_space<semaphore_mem>>, %arg26: memref<!tpu.dma_semaphore, #tpu.memory_space<semaphore_mem>>, %arg27: memref<!tpu.dma_semaphore, #tpu.memory_space<semaphore_mem>>, %arg28: memref<!tpu.dma_semaphore, #tpu.memory_space<semaphore_mem>>, %arg29: memref<!tpu.dma_semaphore, #tpu.memory_space<semaphore_mem>>, %arg30: memref<!tpu.dma_semaphore, #tpu.memory_space<semaphore_mem>>, %arg31: memref<!tpu.dma_semaphore, #tpu.memory_space<semaphore_mem>>, %arg32: memref<!tpu.dma_semaphore, #tpu.memory_space<semaphore_mem>>, %arg33: memref<!tpu.dma_semaphore, #tpu.memory_space<semaphore_mem>>, %arg34: memref<!tpu.dma_semaphore, #tpu.memory_space<semaphore_mem>>) attributes {dimension_semantics = [#tpu.dimension_semantics<core_parallel>, #tpu.dimension_semantics<subcore_parallel>], iteration_bounds = array<i64: 2, 16>, scalar_prefetch = 0 : i64, scratch_operands = 29 : i64, tpu.core_type = #tpu.core_type<sc_vector_subcore>, window_params = [{transform_indices = #map}, {transform_indices = #map}, {transform_indices = #map1}, {transform_indices = #map2}]} {
    %mul3A = arith.constant 2 : i32
    %mul3A_0 = arith.muli %arg1, %mul3A : i32
    %add3A = arith.addi %mul3A_0, %arg0 : i32
    %mul3A_1 = arith.constant 10000 : i32
    %mul3A_2 = arith.muli %add3A, %mul3A_1 : i32
    %multiple_of3A = tpu.assume_multiple %mul3A_2, 8 : i32
    %rem3A = arith.constant 0 : i32
    %rem3A_3 = arith.constant 12 : i32
    %rem3A_4 = arith.remsi %rem3A, %rem3A_3 : i32
    %add3A_5 = arith.constant 0 : i32
    %add3A_6 = arith.addi %multiple_of3A, %add3A_5 : i32
    %multiple_of3A_7 = tpu.assume_multiple %add3A_6, 8 : i32
    %dma_start3A = arith.constant 0 : i32
    %dma_start3A_8 = tpu.memref_slice %arg6[%rem3A_4, %dma_start3A] : memref<12x40xi32, #tpu.memory_space<vmem>> -> memref<1x40xi32, #tpu.memory_space<vmem>>
    %dma_start3A_9 = tpu.memref_squeeze %dma_start3A_8 : memref<1x40xi32, #tpu.memory_space<vmem>> -> memref<40xi32, #tpu.memory_space<vmem>>
    %dma_start3A_10 = tpu.memref_slice %arg2[%multiple_of3A_7] : memref<320000xi32, #tpu.memory_space<hbm>> -> memref<40xi32, #tpu.memory_space<hbm>>
    %dma_start3A_11 = arith.constant 0 : i32
    %dma_start3A_12 = tpu.memref_slice %arg6[%rem3A_4, %dma_start3A_11] : memref<12x40xi32, #tpu.memory_space<vmem>> -> memref<1x40xi32, #tpu.memory_space<vmem>>
    %dma_start3A_13 = tpu.memref_squeeze %dma_start3A_12 : memref<1x40xi32, #tpu.memory_space<vmem>> -> memref<40xi32, #tpu.memory_space<vmem>>
    %dma_start3A_14 = tpu.memref_slice %arg2[%multiple_of3A_7] : memref<320000xi32, #tpu.memory_space<hbm>> -> memref<40xi32, #tpu.memory_space<hbm>>
    tpu.enqueue_dma source(%dma_start3A_14 : memref<40xi32, #tpu.memory_space<hbm>>) target(%dma_start3A_13 : memref<40xi32, #tpu.memory_space<vmem>>) target_semaphore(%arg16 : memref<!tpu.dma_semaphore, #tpu.memory_space<semaphore_mem>>)
    %dma_start3A_15 = arith.constant 0 : i32
    %dma_start3A_16 = tpu.memref_slice %arg7[%rem3A_4, %dma_start3A_15] : memref<12x40xi32, #tpu.memory_space<vmem>> -> memref<1x40xi32, #tpu.memory_space<vmem>>
    %dma_start3A_17 = tpu.memref_squeeze %dma_start3A_16 : memref<1x40xi32, #tpu.memory_space<vmem>> -> memref<40xi32, #tpu.memory_space<vmem>>
    %dma_start3A_18 = tpu.memref_slice %arg3[%multiple_of3A_7] : memref<320000xi32, #tpu.memory_space<hbm>> -> memref<40xi32, #tpu.memory_space<hbm>>
    %dma_start3A_19 = arith.constant 0 : i32
    %dma_start3A_20 = tpu.memref_slice %arg7[%rem3A_4, %dma_start3A_19] : memref<12x40xi32, #tpu.memory_space<vmem>> -> memref<1x40xi32, #tpu.memory_space<vmem>>
    %dma_start3A_21 = tpu.memref_squeeze %dma_start3A_20 : memref<1x40xi32, #tpu.memory_space<vmem>> -> memref<40xi32, #tpu.memory_space<vmem>>
    %dma_start3A_22 = tpu.memref_slice %arg3[%multiple_of3A_7] : memref<320000xi32, #tpu.memory_space<hbm>> -> memref<40xi32, #tpu.memory_space<hbm>>
    tpu.enqueue_dma source(%dma_start3A_22 : memref<40xi32, #tpu.memory_space<hbm>>) target(%dma_start3A_21 : memref<40xi32, #tpu.memory_space<vmem>>) target_semaphore(%arg16 : memref<!tpu.dma_semaphore, #tpu.memory_space<semaphore_mem>>)
    %rem3A_23 = arith.constant 1 : i32
    %rem3A_24 = arith.constant 12 : i32
    %rem3A_25 = arith.remsi %rem3A_23, %rem3A_24 : i32
    %add3A_26 = arith.constant 40 : i32
    %add3A_27 = arith.addi %multiple_of3A, %add3A_26 : i32
    %multiple_of3A_28 = tpu.assume_multiple %add3A_27, 8 : i32
    %dma_start3A_29 = arith.constant 0 : i32
    %dma_start3A_30 = tpu.memref_slice %arg6[%rem3A_25, %dma_start3A_29] : memref<12x40xi32, #tpu.memory_space<vmem>> -> memref<1x40xi32, #tpu.memory_space<vmem>>
    %dma_start3A_31 = tpu.memref_squeeze %dma_start3A_30 : memref<1x40xi32, #tpu.memory_space<vmem>> -> memref<40xi32, #tpu.memory_space<vmem>>
    %dma_start3A_32 = tpu.memref_slice %arg2[%multiple_of3A_28] : memref<320000xi32, #tpu.memory_space<hbm>> -> memref<40xi32, #tpu.memory_space<hbm>>
    %dma_start3A_33 = arith.constant 0 : i32
    %dma_start3A_34 = tpu.memref_slice %arg6[%rem3A_25, %dma_start3A_33] : memref<12x40xi32, #tpu.memory_space<vmem>> -> memref<1x40xi32, #tpu.memory_space<vmem>>
    %dma_start3A_35 = tpu.memref_squeeze %dma_start3A_34 : memref<1x40xi32, #tpu.memory_space<vmem>> -> memref<40xi32, #tpu.memory_space<vmem>>
    %dma_start3A_36 = tpu.memref_slice %arg2[%multiple_of3A_28] : memref<320000xi32, #tpu.memory_space<hbm>> -> memref<40xi32, #tpu.memory_space<hbm>>
    tpu.enqueue_dma source(%dma_start3A_36 : memref<40xi32, #tpu.memory_space<hbm>>) target(%dma_start3A_35 : memref<40xi32, #tpu.memory_space<vmem>>) target_semaphore(%arg17 : memref<!tpu.dma_semaphore, #tpu.memory_space<semaphore_mem>>)
    %dma_start3A_37 = arith.constant 0 : i32
    %dma_start3A_38 = tpu.memref_slice %arg7[%rem3A_25, %dma_start3A_37] : memref<12x40xi32, #tpu.memory_space<vmem>> -> memref<1x40xi32, #tpu.memory_space<vmem>>
    %dma_start3A_39 = tpu.memref_squeeze %dma_start3A_38 : memref<1x40xi32, #tpu.memory_space<vmem>> -> memref<40xi32, #tpu.memory_space<vmem>>
    %dma_start3A_40 = tpu.memref_slice %arg3[%multiple_of3A_28] : memref<320000xi32, #tpu.memory_space<hbm>> -> memref<40xi32, #tpu.memory_space<hbm>>
    %dma_start3A_41 = arith.constant 0 : i32
    %dma_start3A_42 = tpu.memref_slice %arg7[%rem3A_25, %dma_start3A_41] : memref<12x40xi32, #tpu.memory_space<vmem>> -> memref<1x40xi32, #tpu.memory_space<vmem>>
    %dma_start3A_43 = tpu.memref_squeeze %dma_start3A_42 : memref<1x40xi32, #tpu.memory_space<vmem>> -> memref<40xi32, #tpu.memory_space<vmem>>
    %dma_start3A_44 = tpu.memref_slice %arg3[%multiple_of3A_28] : memref<320000xi32, #tpu.memory_space<hbm>> -> memref<40xi32, #tpu.memory_space<hbm>>
    tpu.enqueue_dma source(%dma_start3A_44 : memref<40xi32, #tpu.memory_space<hbm>>) target(%dma_start3A_43 : memref<40xi32, #tpu.memory_space<vmem>>) target_semaphore(%arg17 : memref<!tpu.dma_semaphore, #tpu.memory_space<semaphore_mem>>)
    %rem3A_45 = arith.constant 2 : i32
    %rem3A_46 = arith.constant 12 : i32
    %rem3A_47 = arith.remsi %rem3A_45, %rem3A_46 : i32
    %add3A_48 = arith.constant 80 : i32
    %add3A_49 = arith.addi %multiple_of3A, %add3A_48 : i32
    %multiple_of3A_50 = tpu.assume_multiple %add3A_49, 8 : i32
    %dma_start3A_51 = arith.constant 0 : i32
    %dma_start3A_52 = tpu.memref_slice %arg6[%rem3A_47, %dma_start3A_51] : memref<12x40xi32, #tpu.memory_space<vmem>> -> memref<1x40xi32, #tpu.memory_space<vmem>>
    %dma_start3A_53 = tpu.memref_squeeze %dma_start3A_52 : memref<1x40xi32, #tpu.memory_space<vmem>> -> memref<40xi32, #tpu.memory_space<vmem>>
    %dma_start3A_54 = tpu.memref_slice %arg2[%multiple_of3A_50] : memref<320000xi32, #tpu.memory_space<hbm>> -> memref<40xi32, #tpu.memory_space<hbm>>
    %dma_start3A_55 = arith.constant 0 : i32
    %dma_start3A_56 = tpu.memref_slice %arg6[%rem3A_47, %dma_start3A_55] : memref<12x40xi32, #tpu.memory_space<vmem>> -> memref<1x40xi32, #tpu.memory_space<vmem>>
    %dma_start3A_57 = tpu.memref_squeeze %dma_start3A_56 : memref<1x40xi32, #tpu.memory_space<vmem>> -> memref<40xi32, #tpu.memory_space<vmem>>
    %dma_start3A_58 = tpu.memref_slice %arg2[%multiple_of3A_50] : memref<320000xi32, #tpu.memory_space<hbm>> -> memref<40xi32, #tpu.memory_space<hbm>>
    tpu.enqueue_dma source(%dma_start3A_58 : memref<40xi32, #tpu.memory_space<hbm>>) target(%dma_start3A_57 : memref<40xi32, #tpu.memory_space<vmem>>) target_semaphore(%arg18 : memref<!tpu.dma_semaphore, #tpu.memory_space<semaphore_mem>>)
    %dma_start3A_59 = arith.constant 0 : i32
    %dma_start3A_60 = tpu.memref_slice %arg7[%rem3A_47, %dma_start3A_59] : memref<12x40xi32, #tpu.memory_space<vmem>> -> memref<1x40xi32, #tpu.memory_space<vmem>>
    %dma_start3A_61 = tpu.memref_squeeze %dma_start3A_60 : memref<1x40xi32, #tpu.memory_space<vmem>> -> memref<40xi32, #tpu.memory_space<vmem>>
    %dma_start3A_62 = tpu.memref_slice %arg3[%multiple_of3A_50] : memref<320000xi32, #tpu.memory_space<hbm>> -> memref<40xi32, #tpu.memory_space<hbm>>
    %dma_start3A_63 = arith.constant 0 : i32
    %dma_start3A_64 = tpu.memref_slice %arg7[%rem3A_47, %dma_start3A_63] : memref<12x40xi32, #tpu.memory_space<vmem>> -> memref<1x40xi32, #tpu.memory_space<vmem>>
    %dma_start3A_65 = tpu.memref_squeeze %dma_start3A_64 : memref<1x40xi32, #tpu.memory_space<vmem>> -> memref<40xi32, #tpu.memory_space<vmem>>
    %dma_start3A_66 = tpu.memref_slice %arg3[%multiple_of3A_50] : memref<320000xi32, #tpu.memory_space<hbm>> -> memref<40xi32, #tpu.memory_space<hbm>>
    tpu.enqueue_dma source(%dma_start3A_66 : memref<40xi32, #tpu.memory_space<hbm>>) target(%dma_start3A_65 : memref<40xi32, #tpu.memory_space<vmem>>) target_semaphore(%arg18 : memref<!tpu.dma_semaphore, #tpu.memory_space<semaphore_mem>>)
    %rem3A_67 = arith.constant 3 : i32
    %rem3A_68 = arith.constant 12 : i32
    %rem3A_69 = arith.remsi %rem3A_67, %rem3A_68 : i32
    %add3A_70 = arith.constant 120 : i32
    %add3A_71 = arith.addi %multiple_of3A, %add3A_70 : i32
    %multiple_of3A_72 = tpu.assume_multiple %add3A_71, 8 : i32
    %dma_start3A_73 = arith.constant 0 : i32
    %dma_start3A_74 = tpu.memref_slice %arg6[%rem3A_69, %dma_start3A_73] : memref<12x40xi32, #tpu.memory_space<vmem>> -> memref<1x40xi32, #tpu.memory_space<vmem>>
    %dma_start3A_75 = tpu.memref_squeeze %dma_start3A_74 : memref<1x40xi32, #tpu.memory_space<vmem>> -> memref<40xi32, #tpu.memory_space<vmem>>
    %dma_start3A_76 = tpu.memref_slice %arg2[%multiple_of3A_72] : memref<320000xi32, #tpu.memory_space<hbm>> -> memref<40xi32, #tpu.memory_space<hbm>>
    %dma_start3A_77 = arith.constant 0 : i32
    %dma_start3A_78 = tpu.memref_slice %arg6[%rem3A_69, %dma_start3A_77] : memref<12x40xi32, #tpu.memory_space<vmem>> -> memref<1x40xi32, #tpu.memory_space<vmem>>
    %dma_start3A_79 = tpu.memref_squeeze %dma_start3A_78 : memref<1x40xi32, #tpu.memory_space<vmem>> -> memref<40xi32, #tpu.memory_space<vmem>>
    %dma_start3A_80 = tpu.memref_slice %arg2[%multiple_of3A_72] : memref<320000xi32, #tpu.memory_space<hbm>> -> memref<40xi32, #tpu.memory_space<hbm>>
    tpu.enqueue_dma source(%dma_start3A_80 : memref<40xi32, #tpu.memory_space<hbm>>) target(%dma_start3A_79 : memref<40xi32, #tpu.memory_space<vmem>>) target_semaphore(%arg19 : memref<!tpu.dma_semaphore, #tpu.memory_space<semaphore_mem>>)
    %dma_start3A_81 = arith.constant 0 : i32
    %dma_start3A_82 = tpu.memref_slice %arg7[%rem3A_69, %dma_start3A_81] : memref<12x40xi32, #tpu.memory_space<vmem>> -> memref<1x40xi32, #tpu.memory_space<vmem>>
    %dma_start3A_83 = tpu.memref_squeeze %dma_start3A_82 : memref<1x40xi32, #tpu.memory_space<vmem>> -> memref<40xi32, #tpu.memory_space<vmem>>
    %dma_start3A_84 = tpu.memref_slice %arg3[%multiple_of3A_72] : memref<320000xi32, #tpu.memory_space<hbm>> -> memref<40xi32, #tpu.memory_space<hbm>>
    %dma_start3A_85 = arith.constant 0 : i32
    %dma_start3A_86 = tpu.memref_slice %arg7[%rem3A_69, %dma_start3A_85] : memref<12x40xi32, #tpu.memory_space<vmem>> -> memref<1x40xi32, #tpu.memory_space<vmem>>
    %dma_start3A_87 = tpu.memref_squeeze %dma_start3A_86 : memref<1x40xi32, #tpu.memory_space<vmem>> -> memref<40xi32, #tpu.memory_space<vmem>>
    %dma_start3A_88 = tpu.memref_slice %arg3[%multiple_of3A_72] : memref<320000xi32, #tpu.memory_space<hbm>> -> memref<40xi32, #tpu.memory_space<hbm>>
    tpu.enqueue_dma source(%dma_start3A_88 : memref<40xi32, #tpu.memory_space<hbm>>) target(%dma_start3A_87 : memref<40xi32, #tpu.memory_space<vmem>>) target_semaphore(%arg19 : memref<!tpu.dma_semaphore, #tpu.memory_space<semaphore_mem>>)
    %scan3A = arith.constant 0 : i32
    %scan3A_89 = arith.constant 0 : i32
    %scan3A_90 = arith.constant 24 : i32
    %scan3A_91 = arith.addi %scan3A_89, %scan3A_90 : i32
    %scan3A_92 = arith.constant 1 : i32
    scf.for %scan3A_788 = %scan3A_89 to %scan3A_91 step %scan3A_92  : i32 {
      %broadcast_in_dim3A = arith.constant 0.000000e+00 : f32
      %broadcast_in_dim3A_789 = vector.broadcast %broadcast_in_dim3A : f32 to vector<16xf32>
      %swap3A = arith.index_cast %scan3A_788 : i32 to index
      %swap3A_790 = arith.constant 0 : index
      %swap3A_791 = tpu.vector_load %arg14[%swap3A, %swap3A_790] {strides = array<i32>} : memref<24x128xf32, #tpu.memory_space<vmem>>, vector<1x16xf32>,
      %swap3A_792 = vector.shape_cast %swap3A_791 : vector<1x16xf32> to vector<16xf32>
      %swap3A_793 = vector.shape_cast %broadcast_in_dim3A_789 : vector<16xf32> to vector<1x16xf32>
      tpu.vector_store %arg14[%swap3A, %swap3A_790], %swap3A_793 {strides = array<i32>} : memref<24x128xf32, #tpu.memory_space<vmem>>, vector<1x16xf32>,
      %broadcast_in_dim3A_794 = arith.constant 0.000000e+00 : f32
      %broadcast_in_dim3A_795 = vector.broadcast %broadcast_in_dim3A_794 : f32 to vector<16xf32>
      %swap3A_796 = arith.index_cast %scan3A_788 : i32 to index
      %swap3A_797 = arith.constant 16 : index
      %swap3A_798 = tpu.vector_load %arg14[%swap3A_796, %swap3A_797] {strides = array<i32>} : memref<24x128xf32, #tpu.memory_space<vmem>>, vector<1x16xf32>,
      %swap3A_799 = vector.shape_cast %swap3A_798 : vector<1x16xf32> to vector<16xf32>
      %swap3A_800 = vector.shape_cast %broadcast_in_dim3A_795 : vector<16xf32> to vector<1x16xf32>
      tpu.vector_store %arg14[%swap3A_796, %swap3A_797], %swap3A_800 {strides = array<i32>} : memref<24x128xf32, #tpu.memory_space<vmem>>, vector<1x16xf32>,
      %broadcast_in_dim3A_801 = arith.constant 0.000000e+00 : f32
      %broadcast_in_dim3A_802 = vector.broadcast %broadcast_in_dim3A_801 : f32 to vector<16xf32>
      %swap3A_803 = arith.index_cast %scan3A_788 : i32 to index
      %swap3A_804 = arith.constant 32 : index
      %swap3A_805 = tpu.vector_load %arg14[%swap3A_803, %swap3A_804] {strides = array<i32>} : memref<24x128xf32, #tpu.memory_space<vmem>>, vector<1x16xf32>,
      %swap3A_806 = vector.shape_cast %swap3A_805 : vector<1x16xf32> to vector<16xf32>
      %swap3A_807 = vector.shape_cast %broadcast_in_dim3A_802 : vector<16xf32> to vector<1x16xf32>
      tpu.vector_store %arg14[%swap3A_803, %swap3A_804], %swap3A_807 {strides = array<i32>} : memref<24x128xf32, #tpu.memory_space<vmem>>, vector<1x16xf32>,
      %broadcast_in_dim3A_808 = arith.constant 0.000000e+00 : f32
      %broadcast_in_dim3A_809 = vector.broadcast %broadcast_in_dim3A_808 : f32 to vector<16xf32>
      %swap3A_810 = arith.index_cast %scan3A_788 : i32 to index
      %swap3A_811 = arith.constant 48 : index
      %swap3A_812 = tpu.vector_load %arg14[%swap3A_810, %swap3A_811] {strides = array<i32>} : memref<24x128xf32, #tpu.memory_space<vmem>>, vector<1x16xf32>,
      %swap3A_813 = vector.shape_cast %swap3A_812 : vector<1x16xf32> to vector<16xf32>
      %swap3A_814 = vector.shape_cast %broadcast_in_dim3A_809 : vector<16xf32> to vector<1x16xf32>
      tpu.vector_store %arg14[%swap3A_810, %swap3A_811], %swap3A_814 {strides = array<i32>} : memref<24x128xf32, #tpu.memory_space<vmem>>, vector<1x16xf32>,
      %broadcast_in_dim3A_815 = arith.constant 0.000000e+00 : f32
      %broadcast_in_dim3A_816 = vector.broadcast %broadcast_in_dim3A_815 : f32 to vector<16xf32>
      %swap3A_817 = arith.index_cast %scan3A_788 : i32 to index
      %swap3A_818 = arith.constant 64 : index
      %swap3A_819 = tpu.vector_load %arg14[%swap3A_817, %swap3A_818] {strides = array<i32>} : memref<24x128xf32, #tpu.memory_space<vmem>>, vector<1x16xf32>,
      %swap3A_820 = vector.shape_cast %swap3A_819 : vector<1x16xf32> to vector<16xf32>
      %swap3A_821 = vector.shape_cast %broadcast_in_dim3A_816 : vector<16xf32> to vector<1x16xf32>
      tpu.vector_store %arg14[%swap3A_817, %swap3A_818], %swap3A_821 {strides = array<i32>} : memref<24x128xf32, #tpu.memory_space<vmem>>, vector<1x16xf32>,
      %broadcast_in_dim3A_822 = arith.constant 0.000000e+00 : f32
      %broadcast_in_dim3A_823 = vector.broadcast %broadcast_in_dim3A_822 : f32 to vector<16xf32>
      %swap3A_824 = arith.index_cast %scan3A_788 : i32 to index
      %swap3A_825 = arith.constant 80 : index
      %swap3A_826 = tpu.vector_load %arg14[%swap3A_824, %swap3A_825] {strides = array<i32>} : memref<24x128xf32, #tpu.memory_space<vmem>>, vector<1x16xf32>,
      %swap3A_827 = vector.shape_cast %swap3A_826 : vector<1x16xf32> to vector<16xf32>
      %swap3A_828 = vector.shape_cast %broadcast_in_dim3A_823 : vector<16xf32> to vector<1x16xf32>
      tpu.vector_store %arg14[%swap3A_824, %swap3A_825], %swap3A_828 {strides = array<i32>} : memref<24x128xf32, #tpu.memory_space<vmem>>, vector<1x16xf32>,
      %broadcast_in_dim3A_829 = arith.constant 0.000000e+00 : f32
      %broadcast_in_dim3A_830 = vector.broadcast %broadcast_in_dim3A_829 : f32 to vector<16xf32>
      %swap3A_831 = arith.index_cast %scan3A_788 : i32 to index
      %swap3A_832 = arith.constant 96 : index
      %swap3A_833 = tpu.vector_load %arg14[%swap3A_831, %swap3A_832] {strides = array<i32>} : memref<24x128xf32, #tpu.memory_space<vmem>>, vector<1x16xf32>,
      %swap3A_834 = vector.shape_cast %swap3A_833 : vector<1x16xf32> to vector<16xf32>
      %swap3A_835 = vector.shape_cast %broadcast_in_dim3A_830 : vector<16xf32> to vector<1x16xf32>
      tpu.vector_store %arg14[%swap3A_831, %swap3A_832], %swap3A_835 {strides = array<i32>} : memref<24x128xf32, #tpu.memory_space<vmem>>, vector<1x16xf32>,
      %broadcast_in_dim3A_836 = arith.constant 0.000000e+00 : f32
      %broadcast_in_dim3A_837 = vector.broadcast %broadcast_in_dim3A_836 : f32 to vector<16xf32>
      %swap3A_838 = arith.index_cast %scan3A_788 : i32 to index
      %swap3A_839 = arith.constant 112 : index
      %swap3A_840 = tpu.vector_load %arg14[%swap3A_838, %swap3A_839] {strides = array<i32>} : memref<24x128xf32, #tpu.memory_space<vmem>>, vector<1x16xf32>,
      %swap3A_841 = vector.shape_cast %swap3A_840 : vector<1x16xf32> to vector<16xf32>
      %swap3A_842 = vector.shape_cast %broadcast_in_dim3A_837 : vector<16xf32> to vector<1x16xf32>
      tpu.vector_store %arg14[%swap3A_838, %swap3A_839], %swap3A_842 {strides = array<i32>} : memref<24x128xf32, #tpu.memory_space<vmem>>, vector<1x16xf32>,
    }
    %scan3A_93 = arith.constant 24 : i32
    %mul3A_94 = arith.constant 624 : i32
    %mul3A_95 = arith.muli %arg1, %mul3A_94 : i32
    %add3A_96 = arith.constant 0 : i32
    %add3A_97 = arith.addi %mul3A_95, %add3A_96 : i32
    %dma_start3A_98 = arith.constant 0 : i32
    %dma_start3A_99 = tpu.memref_slice %arg15[%add3A_97, %dma_start3A_98] : memref<10000x128xf32, #tpu.memory_space<vmem_shared>> -> memref<24x128xf32, #tpu.memory_space<vmem_shared>>
    %dma_start3A_100 = arith.constant 0 : i32
    %dma_start3A_101 = tpu.memref_slice %arg15[%add3A_97, %dma_start3A_100] : memref<10000x128xf32, #tpu.memory_space<vmem_shared>> -> memref<24x128xf32, #tpu.memory_space<vmem_shared>>
    tpu.enqueue_dma source(%arg14 : memref<24x128xf32, #tpu.memory_space<vmem>>) target(%dma_start3A_101 : memref<24x128xf32, #tpu.memory_space<vmem_shared>>) target_semaphore(%arg34 : memref<!tpu.dma_semaphore, #tpu.memory_space<semaphore_mem>>)
    %add3A_102 = arith.constant 24 : i32
    %add3A_103 = arith.addi %mul3A_95, %add3A_102 : i32
    %dma_start3A_104 = arith.constant 0 : i32
    %dma_start3A_105 = tpu.memref_slice %arg15[%add3A_103, %dma_start3A_104] : memref<10000x128xf32, #tpu.memory_space<vmem_shared>> -> memref<24x128xf32, #tpu.memory_space<vmem_shared>>
    %dma_start3A_106 = arith.constant 0 : i32
    %dma_start3A_107 = tpu.memref_slice %arg15[%add3A_103, %dma_start3A_106] : memref<10000x128xf32, #tpu.memory_space<vmem_shared>> -> memref<24x128xf32, #tpu.memory_space<vmem_shared>>
    tpu.enqueue_dma source(%arg14 : memref<24x128xf32, #tpu.memory_space<vmem>>) target(%dma_start3A_107 : memref<24x128xf32, #tpu.memory_space<vmem_shared>>) target_semaphore(%arg34 : memref<!tpu.dma_semaphore, #tpu.memory_space<semaphore_mem>>)
    %add3A_108 = arith.constant 48 : i32
    %add3A_109 = arith.addi %mul3A_95, %add3A_108 : i32
    %dma_start3A_110 = arith.constant 0 : i32
    %dma_start3A_111 = tpu.memref_slice %arg15[%add3A_109, %dma_start3A_110] : memref<10000x128xf32, #tpu.memory_space<vmem_shared>> -> memref<24x128xf32, #tpu.memory_space<vmem_shared>>
    %dma_start3A_112 = arith.constant 0 : i32
    %dma_start3A_113 = tpu.memref_slice %arg15[%add3A_109, %dma_start3A_112] : memref<10000x128xf32, #tpu.memory_space<vmem_shared>> -> memref<24x128xf32, #tpu.memory_space<vmem_shared>>
    tpu.enqueue_dma source(%arg14 : memref<24x128xf32, #tpu.memory_space<vmem>>) target(%dma_start3A_113 : memref<24x128xf32, #tpu.memory_space<vmem_shared>>) target_semaphore(%arg34 : memref<!tpu.dma_semaphore, #tpu.memory_space<semaphore_mem>>)
    %add3A_114 = arith.constant 72 : i32
    %add3A_115 = arith.addi %mul3A_95, %add3A_114 : i32
    %dma_start3A_116 = arith.constant 0 : i32
    %dma_start3A_117 = tpu.memref_slice %arg15[%add3A_115, %dma_start3A_116] : memref<10000x128xf32, #tpu.memory_space<vmem_shared>> -> memref<24x128xf32, #tpu.memory_space<vmem_shared>>
    %dma_start3A_118 = arith.constant 0 : i32
    %dma_start3A_119 = tpu.memref_slice %arg15[%add3A_115, %dma_start3A_118] : memref<10000x128xf32, #tpu.memory_space<vmem_shared>> -> memref<24x128xf32, #tpu.memory_space<vmem_shared>>
    tpu.enqueue_dma source(%arg14 : memref<24x128xf32, #tpu.memory_space<vmem>>) target(%dma_start3A_119 : memref<24x128xf32, #tpu.memory_space<vmem_shared>>) target_semaphore(%arg34 : memref<!tpu.dma_semaphore, #tpu.memory_space<semaphore_mem>>)
    %add3A_120 = arith.constant 96 : i32
    %add3A_121 = arith.addi %mul3A_95, %add3A_120 : i32
    %dma_start3A_122 = arith.constant 0 : i32
    %dma_start3A_123 = tpu.memref_slice %arg15[%add3A_121, %dma_start3A_122] : memref<10000x128xf32, #tpu.memory_space<vmem_shared>> -> memref<24x128xf32, #tpu.memory_space<vmem_shared>>
    %dma_start3A_124 = arith.constant 0 : i32
    %dma_start3A_125 = tpu.memref_slice %arg15[%add3A_121, %dma_start3A_124] : memref<10000x128xf32, #tpu.memory_space<vmem_shared>> -> memref<24x128xf32, #tpu.memory_space<vmem_shared>>
    tpu.enqueue_dma source(%arg14 : memref<24x128xf32, #tpu.memory_space<vmem>>) target(%dma_start3A_125 : memref<24x128xf32, #tpu.memory_space<vmem_shared>>) target_semaphore(%arg34 : memref<!tpu.dma_semaphore, #tpu.memory_space<semaphore_mem>>)
    %add3A_126 = arith.constant 120 : i32
    %add3A_127 = arith.addi %mul3A_95, %add3A_126 : i32
    %dma_start3A_128 = arith.constant 0 : i32
    %dma_start3A_129 = tpu.memref_slice %arg15[%add3A_127, %dma_start3A_128] : memref<10000x128xf32, #tpu.memory_space<vmem_shared>> -> memref<24x128xf32, #tpu.memory_space<vmem_shared>>
    %dma_start3A_130 = arith.constant 0 : i32
    %dma_start3A_131 = tpu.memref_slice %arg15[%add3A_127, %dma_start3A_130] : memref<10000x128xf32, #tpu.memory_space<vmem_shared>> -> memref<24x128xf32, #tpu.memory_space<vmem_shared>>
    tpu.enqueue_dma source(%arg14 : memref<24x128xf32, #tpu.memory_space<vmem>>) target(%dma_start3A_131 : memref<24x128xf32, #tpu.memory_space<vmem_shared>>) target_semaphore(%arg34 : memref<!tpu.dma_semaphore, #tpu.memory_space<semaphore_mem>>)
    %add3A_132 = arith.constant 144 : i32
    %add3A_133 = arith.addi %mul3A_95, %add3A_132 : i32
    %dma_start3A_134 = arith.constant 0 : i32
    %dma_start3A_135 = tpu.memref_slice %arg15[%add3A_133, %dma_start3A_134] : memref<10000x128xf32, #tpu.memory_space<vmem_shared>> -> memref<24x128xf32, #tpu.memory_space<vmem_shared>>
    %dma_start3A_136 = arith.constant 0 : i32
    %dma_start3A_137 = tpu.memref_slice %arg15[%add3A_133, %dma_start3A_136] : memref<10000x128xf32, #tpu.memory_space<vmem_shared>> -> memref<24x128xf32, #tpu.memory_space<vmem_shared>>
    tpu.enqueue_dma source(%arg14 : memref<24x128xf32, #tpu.memory_space<vmem>>) target(%dma_start3A_137 : memref<24x128xf32, #tpu.memory_space<vmem_shared>>) target_semaphore(%arg34 : memref<!tpu.dma_semaphore, #tpu.memory_space<semaphore_mem>>)
    %add3A_138 = arith.constant 168 : i32
    %add3A_139 = arith.addi %mul3A_95, %add3A_138 : i32
    %dma_start3A_140 = arith.constant 0 : i32
    %dma_start3A_141 = tpu.memref_slice %arg15[%add3A_139, %dma_start3A_140] : memref<10000x128xf32, #tpu.memory_space<vmem_shared>> -> memref<24x128xf32, #tpu.memory_space<vmem_shared>>
    %dma_start3A_142 = arith.constant 0 : i32
    %dma_start3A_143 = tpu.memref_slice %arg15[%add3A_139, %dma_start3A_142] : memref<10000x128xf32, #tpu.memory_space<vmem_shared>> -> memref<24x128xf32, #tpu.memory_space<vmem_shared>>
    tpu.enqueue_dma source(%arg14 : memref<24x128xf32, #tpu.memory_space<vmem>>) target(%dma_start3A_143 : memref<24x128xf32, #tpu.memory_space<vmem_shared>>) target_semaphore(%arg34 : memref<!tpu.dma_semaphore, #tpu.memory_space<semaphore_mem>>)
    %add3A_144 = arith.constant 192 : i32
    %add3A_145 = arith.addi %mul3A_95, %add3A_144 : i32
    %dma_start3A_146 = arith.constant 0 : i32
    %dma_start3A_147 = tpu.memref_slice %arg15[%add3A_145, %dma_start3A_146] : memref<10000x128xf32, #tpu.memory_space<vmem_shared>> -> memref<24x128xf32, #tpu.memory_space<vmem_shared>>
    %dma_start3A_148 = arith.constant 0 : i32
    %dma_start3A_149 = tpu.memref_slice %arg15[%add3A_145, %dma_start3A_148] : memref<10000x128xf32, #tpu.memory_space<vmem_shared>> -> memref<24x128xf32, #tpu.memory_space<vmem_shared>>
    tpu.enqueue_dma source(%arg14 : memref<24x128xf32, #tpu.memory_space<vmem>>) target(%dma_start3A_149 : memref<24x128xf32, #tpu.memory_space<vmem_shared>>) target_semaphore(%arg34 : memref<!tpu.dma_semaphore, #tpu.memory_space<semaphore_mem>>)
    %add3A_150 = arith.constant 216 : i32
    %add3A_151 = arith.addi %mul3A_95, %add3A_150 : i32
    %dma_start3A_152 = arith.constant 0 : i32
    %dma_start3A_153 = tpu.memref_slice %arg15[%add3A_151, %dma_start3A_152] : memref<10000x128xf32, #tpu.memory_space<vmem_shared>> -> memref<24x128xf32, #tpu.memory_space<vmem_shared>>
    %dma_start3A_154 = arith.constant 0 : i32
    %dma_start3A_155 = tpu.memref_slice %arg15[%add3A_151, %dma_start3A_154] : memref<10000x128xf32, #tpu.memory_space<vmem_shared>> -> memref<24x128xf32, #tpu.memory_space<vmem_shared>>
    tpu.enqueue_dma source(%arg14 : memref<24x128xf32, #tpu.memory_space<vmem>>) target(%dma_start3A_155 : memref<24x128xf32, #tpu.memory_space<vmem_shared>>) target_semaphore(%arg34 : memref<!tpu.dma_semaphore, #tpu.memory_space<semaphore_mem>>)
    %add3A_156 = arith.constant 240 : i32
    %add3A_157 = arith.addi %mul3A_95, %add3A_156 : i32
    %dma_start3A_158 = arith.constant 0 : i32
    %dma_start3A_159 = tpu.memref_slice %arg15[%add3A_157, %dma_start3A_158] : memref<10000x128xf32, #tpu.memory_space<vmem_shared>> -> memref<24x128xf32, #tpu.memory_space<vmem_shared>>
    %dma_start3A_160 = arith.constant 0 : i32
    %dma_start3A_161 = tpu.memref_slice %arg15[%add3A_157, %dma_start3A_160] : memref<10000x128xf32, #tpu.memory_space<vmem_shared>> -> memref<24x128xf32, #tpu.memory_space<vmem_shared>>
    tpu.enqueue_dma source(%arg14 : memref<24x128xf32, #tpu.memory_space<vmem>>) target(%dma_start3A_161 : memref<24x128xf32, #tpu.memory_space<vmem_shared>>) target_semaphore(%arg34 : memref<!tpu.dma_semaphore, #tpu.memory_space<semaphore_mem>>)
    %add3A_162 = arith.constant 264 : i32
    %add3A_163 = arith.addi %mul3A_95, %add3A_162 : i32
    %dma_start3A_164 = arith.constant 0 : i32
    %dma_start3A_165 = tpu.memref_slice %arg15[%add3A_163, %dma_start3A_164] : memref<10000x128xf32, #tpu.memory_space<vmem_shared>> -> memref<24x128xf32, #tpu.memory_space<vmem_shared>>
    %dma_start3A_166 = arith.constant 0 : i32
    %dma_start3A_167 = tpu.memref_slice %arg15[%add3A_163, %dma_start3A_166] : memref<10000x128xf32, #tpu.memory_space<vmem_shared>> -> memref<24x128xf32, #tpu.memory_space<vmem_shared>>
    tpu.enqueue_dma source(%arg14 : memref<24x128xf32, #tpu.memory_space<vmem>>) target(%dma_start3A_167 : memref<24x128xf32, #tpu.memory_space<vmem_shared>>) target_semaphore(%arg34 : memref<!tpu.dma_semaphore, #tpu.memory_space<semaphore_mem>>)
    %add3A_168 = arith.constant 288 : i32
    %add3A_169 = arith.addi %mul3A_95, %add3A_168 : i32
    %dma_start3A_170 = arith.constant 0 : i32
    %dma_start3A_171 = tpu.memref_slice %arg15[%add3A_169, %dma_start3A_170] : memref<10000x128xf32, #tpu.memory_space<vmem_shared>> -> memref<24x128xf32, #tpu.memory_space<vmem_shared>>
    %dma_start3A_172 = arith.constant 0 : i32
    %dma_start3A_173 = tpu.memref_slice %arg15[%add3A_169, %dma_start3A_172] : memref<10000x128xf32, #tpu.memory_space<vmem_shared>> -> memref<24x128xf32, #tpu.memory_space<vmem_shared>>
    tpu.enqueue_dma source(%arg14 : memref<24x128xf32, #tpu.memory_space<vmem>>) target(%dma_start3A_173 : memref<24x128xf32, #tpu.memory_space<vmem_shared>>) target_semaphore(%arg34 : memref<!tpu.dma_semaphore, #tpu.memory_space<semaphore_mem>>)
    %add3A_174 = arith.constant 312 : i32
    %add3A_175 = arith.addi %mul3A_95, %add3A_174 : i32
    %dma_start3A_176 = arith.constant 0 : i32
    %dma_start3A_177 = tpu.memref_slice %arg15[%add3A_175, %dma_start3A_176] : memref<10000x128xf32, #tpu.memory_space<vmem_shared>> -> memref<24x128xf32, #tpu.memory_space<vmem_shared>>
    %dma_start3A_178 = arith.constant 0 : i32
    %dma_start3A_179 = tpu.memref_slice %arg15[%add3A_175, %dma_start3A_178] : memref<10000x128xf32, #tpu.memory_space<vmem_shared>> -> memref<24x128xf32, #tpu.memory_space<vmem_shared>>
    tpu.enqueue_dma source(%arg14 : memref<24x128xf32, #tpu.memory_space<vmem>>) target(%dma_start3A_179 : memref<24x128xf32, #tpu.memory_space<vmem_shared>>) target_semaphore(%arg34 : memref<!tpu.dma_semaphore, #tpu.memory_space<semaphore_mem>>)
    %add3A_180 = arith.constant 336 : i32
    %add3A_181 = arith.addi %mul3A_95, %add3A_180 : i32
    %dma_start3A_182 = arith.constant 0 : i32
    %dma_start3A_183 = tpu.memref_slice %arg15[%add3A_181, %dma_start3A_182] : memref<10000x128xf32, #tpu.memory_space<vmem_shared>> -> memref<24x128xf32, #tpu.memory_space<vmem_shared>>
    %dma_start3A_184 = arith.constant 0 : i32
    %dma_start3A_185 = tpu.memref_slice %arg15[%add3A_181, %dma_start3A_184] : memref<10000x128xf32, #tpu.memory_space<vmem_shared>> -> memref<24x128xf32, #tpu.memory_space<vmem_shared>>
    tpu.enqueue_dma source(%arg14 : memref<24x128xf32, #tpu.memory_space<vmem>>) target(%dma_start3A_185 : memref<24x128xf32, #tpu.memory_space<vmem_shared>>) target_semaphore(%arg34 : memref<!tpu.dma_semaphore, #tpu.memory_space<semaphore_mem>>)
    %add3A_186 = arith.constant 360 : i32
    %add3A_187 = arith.addi %mul3A_95, %add3A_186 : i32
    %dma_start3A_188 = arith.constant 0 : i32
    %dma_start3A_189 = tpu.memref_slice %arg15[%add3A_187, %dma_start3A_188] : memref<10000x128xf32, #tpu.memory_space<vmem_shared>> -> memref<24x128xf32, #tpu.memory_space<vmem_shared>>
    %dma_start3A_190 = arith.constant 0 : i32
    %dma_start3A_191 = tpu.memref_slice %arg15[%add3A_187, %dma_start3A_190] : memref<10000x128xf32, #tpu.memory_space<vmem_shared>> -> memref<24x128xf32, #tpu.memory_space<vmem_shared>>
    tpu.enqueue_dma source(%arg14 : memref<24x128xf32, #tpu.memory_space<vmem>>) target(%dma_start3A_191 : memref<24x128xf32, #tpu.memory_space<vmem_shared>>) target_semaphore(%arg34 : memref<!tpu.dma_semaphore, #tpu.memory_space<semaphore_mem>>)
    %add3A_192 = arith.constant 384 : i32
    %add3A_193 = arith.addi %mul3A_95, %add3A_192 : i32
    %dma_start3A_194 = arith.constant 0 : i32
    %dma_start3A_195 = tpu.memref_slice %arg15[%add3A_193, %dma_start3A_194] : memref<10000x128xf32, #tpu.memory_space<vmem_shared>> -> memref<24x128xf32, #tpu.memory_space<vmem_shared>>
    %dma_start3A_196 = arith.constant 0 : i32
    %dma_start3A_197 = tpu.memref_slice %arg15[%add3A_193, %dma_start3A_196] : memref<10000x128xf32, #tpu.memory_space<vmem_shared>> -> memref<24x128xf32, #tpu.memory_space<vmem_shared>>
    tpu.enqueue_dma source(%arg14 : memref<24x128xf32, #tpu.memory_space<vmem>>) target(%dma_start3A_197 : memref<24x128xf32, #tpu.memory_space<vmem_shared>>) target_semaphore(%arg34 : memref<!tpu.dma_semaphore, #tpu.memory_space<semaphore_mem>>)
    %add3A_198 = arith.constant 408 : i32
    %add3A_199 = arith.addi %mul3A_95, %add3A_198 : i32
    %dma_start3A_200 = arith.constant 0 : i32
    %dma_start3A_201 = tpu.memref_slice %arg15[%add3A_199, %dma_start3A_200] : memref<10000x128xf32, #tpu.memory_space<vmem_shared>> -> memref<24x128xf32, #tpu.memory_space<vmem_shared>>
    %dma_start3A_202 = arith.constant 0 : i32
    %dma_start3A_203 = tpu.memref_slice %arg15[%add3A_199, %dma_start3A_202] : memref<10000x128xf32, #tpu.memory_space<vmem_shared>> -> memref<24x128xf32, #tpu.memory_space<vmem_shared>>
    tpu.enqueue_dma source(%arg14 : memref<24x128xf32, #tpu.memory_space<vmem>>) target(%dma_start3A_203 : memref<24x128xf32, #tpu.memory_space<vmem_shared>>) target_semaphore(%arg34 : memref<!tpu.dma_semaphore, #tpu.memory_space<semaphore_mem>>)
    %add3A_204 = arith.constant 432 : i32
    %add3A_205 = arith.addi %mul3A_95, %add3A_204 : i32
    %dma_start3A_206 = arith.constant 0 : i32
    %dma_start3A_207 = tpu.memref_slice %arg15[%add3A_205, %dma_start3A_206] : memref<10000x128xf32, #tpu.memory_space<vmem_shared>> -> memref<24x128xf32, #tpu.memory_space<vmem_shared>>
    %dma_start3A_208 = arith.constant 0 : i32
    %dma_start3A_209 = tpu.memref_slice %arg15[%add3A_205, %dma_start3A_208] : memref<10000x128xf32, #tpu.memory_space<vmem_shared>> -> memref<24x128xf32, #tpu.memory_space<vmem_shared>>
    tpu.enqueue_dma source(%arg14 : memref<24x128xf32, #tpu.memory_space<vmem>>) target(%dma_start3A_209 : memref<24x128xf32, #tpu.memory_space<vmem_shared>>) target_semaphore(%arg34 : memref<!tpu.dma_semaphore, #tpu.memory_space<semaphore_mem>>)
    %add3A_210 = arith.constant 456 : i32
    %add3A_211 = arith.addi %mul3A_95, %add3A_210 : i32
    %dma_start3A_212 = arith.constant 0 : i32
    %dma_start3A_213 = tpu.memref_slice %arg15[%add3A_211, %dma_start3A_212] : memref<10000x128xf32, #tpu.memory_space<vmem_shared>> -> memref<24x128xf32, #tpu.memory_space<vmem_shared>>
    %dma_start3A_214 = arith.constant 0 : i32
    %dma_start3A_215 = tpu.memref_slice %arg15[%add3A_211, %dma_start3A_214] : memref<10000x128xf32, #tpu.memory_space<vmem_shared>> -> memref<24x128xf32, #tpu.memory_space<vmem_shared>>
    tpu.enqueue_dma source(%arg14 : memref<24x128xf32, #tpu.memory_space<vmem>>) target(%dma_start3A_215 : memref<24x128xf32, #tpu.memory_space<vmem_shared>>) target_semaphore(%arg34 : memref<!tpu.dma_semaphore, #tpu.memory_space<semaphore_mem>>)
    %add3A_216 = arith.constant 480 : i32
    %add3A_217 = arith.addi %mul3A_95, %add3A_216 : i32
    %dma_start3A_218 = arith.constant 0 : i32
    %dma_start3A_219 = tpu.memref_slice %arg15[%add3A_217, %dma_start3A_218] : memref<10000x128xf32, #tpu.memory_space<vmem_shared>> -> memref<24x128xf32, #tpu.memory_space<vmem_shared>>
    %dma_start3A_220 = arith.constant 0 : i32
    %dma_start3A_221 = tpu.memref_slice %arg15[%add3A_217, %dma_start3A_220] : memref<10000x128xf32, #tpu.memory_space<vmem_shared>> -> memref<24x128xf32, #tpu.memory_space<vmem_shared>>
    tpu.enqueue_dma source(%arg14 : memref<24x128xf32, #tpu.memory_space<vmem>>) target(%dma_start3A_221 : memref<24x128xf32, #tpu.memory_space<vmem_shared>>) target_semaphore(%arg34 : memref<!tpu.dma_semaphore, #tpu.memory_space<semaphore_mem>>)
    %add3A_222 = arith.constant 504 : i32
    %add3A_223 = arith.addi %mul3A_95, %add3A_222 : i32
    %dma_start3A_224 = arith.constant 0 : i32
    %dma_start3A_225 = tpu.memref_slice %arg15[%add3A_223, %dma_start3A_224] : memref<10000x128xf32, #tpu.memory_space<vmem_shared>> -> memref<24x128xf32, #tpu.memory_space<vmem_shared>>
    %dma_start3A_226 = arith.constant 0 : i32
    %dma_start3A_227 = tpu.memref_slice %arg15[%add3A_223, %dma_start3A_226] : memref<10000x128xf32, #tpu.memory_space<vmem_shared>> -> memref<24x128xf32, #tpu.memory_space<vmem_shared>>
    tpu.enqueue_dma source(%arg14 : memref<24x128xf32, #tpu.memory_space<vmem>>) target(%dma_start3A_227 : memref<24x128xf32, #tpu.memory_space<vmem_shared>>) target_semaphore(%arg34 : memref<!tpu.dma_semaphore, #tpu.memory_space<semaphore_mem>>)
    %add3A_228 = arith.constant 528 : i32
    %add3A_229 = arith.addi %mul3A_95, %add3A_228 : i32
    %dma_start3A_230 = arith.constant 0 : i32
    %dma_start3A_231 = tpu.memref_slice %arg15[%add3A_229, %dma_start3A_230] : memref<10000x128xf32, #tpu.memory_space<vmem_shared>> -> memref<24x128xf32, #tpu.memory_space<vmem_shared>>
    %dma_start3A_232 = arith.constant 0 : i32
    %dma_start3A_233 = tpu.memref_slice %arg15[%add3A_229, %dma_start3A_232] : memref<10000x128xf32, #tpu.memory_space<vmem_shared>> -> memref<24x128xf32, #tpu.memory_space<vmem_shared>>
    tpu.enqueue_dma source(%arg14 : memref<24x128xf32, #tpu.memory_space<vmem>>) target(%dma_start3A_233 : memref<24x128xf32, #tpu.memory_space<vmem_shared>>) target_semaphore(%arg34 : memref<!tpu.dma_semaphore, #tpu.memory_space<semaphore_mem>>)
    %add3A_234 = arith.constant 552 : i32
    %add3A_235 = arith.addi %mul3A_95, %add3A_234 : i32
    %dma_start3A_236 = arith.constant 0 : i32
    %dma_start3A_237 = tpu.memref_slice %arg15[%add3A_235, %dma_start3A_236] : memref<10000x128xf32, #tpu.memory_space<vmem_shared>> -> memref<24x128xf32, #tpu.memory_space<vmem_shared>>
    %dma_start3A_238 = arith.constant 0 : i32
    %dma_start3A_239 = tpu.memref_slice %arg15[%add3A_235, %dma_start3A_238] : memref<10000x128xf32, #tpu.memory_space<vmem_shared>> -> memref<24x128xf32, #tpu.memory_space<vmem_shared>>
    tpu.enqueue_dma source(%arg14 : memref<24x128xf32, #tpu.memory_space<vmem>>) target(%dma_start3A_239 : memref<24x128xf32, #tpu.memory_space<vmem_shared>>) target_semaphore(%arg34 : memref<!tpu.dma_semaphore, #tpu.memory_space<semaphore_mem>>)
    %add3A_240 = arith.constant 576 : i32
    %add3A_241 = arith.addi %mul3A_95, %add3A_240 : i32
    %dma_start3A_242 = arith.constant 0 : i32
    %dma_start3A_243 = tpu.memref_slice %arg15[%add3A_241, %dma_start3A_242] : memref<10000x128xf32, #tpu.memory_space<vmem_shared>> -> memref<24x128xf32, #tpu.memory_space<vmem_shared>>
    %dma_start3A_244 = arith.constant 0 : i32
    %dma_start3A_245 = tpu.memref_slice %arg15[%add3A_241, %dma_start3A_244] : memref<10000x128xf32, #tpu.memory_space<vmem_shared>> -> memref<24x128xf32, #tpu.memory_space<vmem_shared>>
    tpu.enqueue_dma source(%arg14 : memref<24x128xf32, #tpu.memory_space<vmem>>) target(%dma_start3A_245 : memref<24x128xf32, #tpu.memory_space<vmem_shared>>) target_semaphore(%arg34 : memref<!tpu.dma_semaphore, #tpu.memory_space<semaphore_mem>>)
    %add3A_246 = arith.constant 600 : i32
    %add3A_247 = arith.addi %mul3A_95, %add3A_246 : i32
    %dma_start3A_248 = arith.constant 0 : i32
    %dma_start3A_249 = tpu.memref_slice %arg15[%add3A_247, %dma_start3A_248] : memref<10000x128xf32, #tpu.memory_space<vmem_shared>> -> memref<24x128xf32, #tpu.memory_space<vmem_shared>>
    %dma_start3A_250 = arith.constant 0 : i32
    %dma_start3A_251 = tpu.memref_slice %arg15[%add3A_247, %dma_start3A_250] : memref<10000x128xf32, #tpu.memory_space<vmem_shared>> -> memref<24x128xf32, #tpu.memory_space<vmem_shared>>
    tpu.enqueue_dma source(%arg14 : memref<24x128xf32, #tpu.memory_space<vmem>>) target(%dma_start3A_251 : memref<24x128xf32, #tpu.memory_space<vmem_shared>>) target_semaphore(%arg34 : memref<!tpu.dma_semaphore, #tpu.memory_space<semaphore_mem>>)
    %eq3A = arith.constant 15 : i32
    %eq3A_252 = arith.cmpi eq, %arg1, %eq3A : i32
    %convert_element_type3A = arith.extui %eq3A_252 : i1 to i32
    %cond3A = arith.constant 0 : i32
    %cond3A_253 = arith.cmpi ne, %convert_element_type3A, %cond3A : i32
    scf.if %cond3A_253 {
      %dma_start3A_788 = arith.constant 0 : i32
      %dma_start3A_789 = arith.constant 0 : i32
      %dma_start3A_790 = tpu.memref_slice %arg14[%dma_start3A_788, %dma_start3A_789] : memref<24x128xf32, #tpu.memory_space<vmem>> -> memref<16x128xf32, #tpu.memory_space<vmem>>
      %dma_start3A_791 = arith.constant 9984 : i32
      %dma_start3A_792 = arith.constant 0 : i32
      %dma_start3A_793 = tpu.memref_slice %arg15[%dma_start3A_791, %dma_start3A_792] : memref<10000x128xf32, #tpu.memory_space<vmem_shared>> -> memref<16x128xf32, #tpu.memory_space<vmem_shared>>
      %dma_start3A_794 = arith.constant 9984 : i32
      %dma_start3A_795 = arith.constant 0 : i32
      %dma_start3A_796 = tpu.memref_slice %arg15[%dma_start3A_794, %dma_start3A_795] : memref<10000x128xf32, #tpu.memory_space<vmem_shared>> -> memref<16x128xf32, #tpu.memory_space<vmem_shared>>
      %dma_start3A_797 = arith.constant 0 : i32
      %dma_start3A_798 = arith.constant 0 : i32
      %dma_start3A_799 = tpu.memref_slice %arg14[%dma_start3A_797, %dma_start3A_798] : memref<24x128xf32, #tpu.memory_space<vmem>> -> memref<16x128xf32, #tpu.memory_space<vmem>>
      tpu.enqueue_dma source(%dma_start3A_799 : memref<16x128xf32, #tpu.memory_space<vmem>>) target(%dma_start3A_796 : memref<16x128xf32, #tpu.memory_space<vmem_shared>>) target_semaphore(%arg34 : memref<!tpu.dma_semaphore, #tpu.memory_space<semaphore_mem>>)
    } else {
    }
    %dma_wait3A = arith.constant 0 : i32
    %dma_wait3A_254 = arith.constant 0 : i32
    %dma_wait3A_255 = tpu.memref_slice %arg6[%dma_wait3A, %dma_wait3A_254] : memref<12x40xi32, #tpu.memory_space<vmem>> -> memref<1x40xi32, #tpu.memory_space<vmem>>
    %dma_wait3A_256 = tpu.memref_squeeze %dma_wait3A_255 : memref<1x40xi32, #tpu.memory_space<vmem>> -> memref<40xi32, #tpu.memory_space<vmem>>
    %dma_wait3A_257 = arith.constant 0 : i32
    %dma_wait3A_258 = tpu.memref_slice %arg2[%dma_wait3A_257] : memref<320000xi32, #tpu.memory_space<hbm>> -> memref<40xi32, #tpu.memory_space<hbm>>
    %dma_wait3A_259 = arith.constant 0 : i32
    %dma_wait3A_260 = tpu.memref_slice %arg6[%dma_wait3A, %dma_wait3A_259] : memref<12x40xi32, #tpu.memory_space<vmem>> -> memref<1x40xi32, #tpu.memory_space<vmem>>
    %dma_wait3A_261 = tpu.memref_squeeze %dma_wait3A_260 : memref<1x40xi32, #tpu.memory_space<vmem>> -> memref<40xi32, #tpu.memory_space<vmem>>
    %dma_wait3A_262 = arith.constant 0 : i32
    %dma_wait3A_263 = tpu.memref_slice %arg2[%dma_wait3A_262] : memref<320000xi32, #tpu.memory_space<hbm>> -> memref<40xi32, #tpu.memory_space<hbm>>
    tpu.wait_dma2 semaphore(%arg16 : memref<!tpu.dma_semaphore, #tpu.memory_space<semaphore_mem>>) src(%dma_wait3A_263 : memref<40xi32, #tpu.memory_space<hbm>>) dst(%dma_wait3A_261 : memref<40xi32, #tpu.memory_space<vmem>>)
    %dma_wait3A_264 = arith.constant 0 : i32
    %dma_wait3A_265 = arith.constant 0 : i32
    %dma_wait3A_266 = tpu.memref_slice %arg7[%dma_wait3A_264, %dma_wait3A_265] : memref<12x40xi32, #tpu.memory_space<vmem>> -> memref<1x40xi32, #tpu.memory_space<vmem>>
    %dma_wait3A_267 = tpu.memref_squeeze %dma_wait3A_266 : memref<1x40xi32, #tpu.memory_space<vmem>> -> memref<40xi32, #tpu.memory_space<vmem>>
    %dma_wait3A_268 = arith.constant 0 : i32
    %dma_wait3A_269 = tpu.memref_slice %arg3[%dma_wait3A_268] : memref<320000xi32, #tpu.memory_space<hbm>> -> memref<40xi32, #tpu.memory_space<hbm>>
    %dma_wait3A_270 = arith.constant 0 : i32
    %dma_wait3A_271 = tpu.memref_slice %arg7[%dma_wait3A_264, %dma_wait3A_270] : memref<12x40xi32, #tpu.memory_space<vmem>> -> memref<1x40xi32, #tpu.memory_space<vmem>>
    %dma_wait3A_272 = tpu.memref_squeeze %dma_wait3A_271 : memref<1x40xi32, #tpu.memory_space<vmem>> -> memref<40xi32, #tpu.memory_space<vmem>>
    %dma_wait3A_273 = arith.constant 0 : i32
    %dma_wait3A_274 = tpu.memref_slice %arg3[%dma_wait3A_273] : memref<320000xi32, #tpu.memory_space<hbm>> -> memref<40xi32, #tpu.memory_space<hbm>>
    tpu.wait_dma2 semaphore(%arg16 : memref<!tpu.dma_semaphore, #tpu.memory_space<semaphore_mem>>) src(%dma_wait3A_274 : memref<40xi32, #tpu.memory_space<hbm>>) dst(%dma_wait3A_272 : memref<40xi32, #tpu.memory_space<vmem>>)
    %rem3A_275 = arith.constant 0 : i32
    %rem3A_276 = arith.constant 12 : i32
    %rem3A_277 = arith.remsi %rem3A_275, %rem3A_276 : i32
    %dma_start3A_278 = arith.constant 0 : i32
    %dma_start3A_279 = tpu.memref_slice %arg6[%rem3A_277, %dma_start3A_278] : memref<12x40xi32, #tpu.memory_space<vmem>> -> memref<1x40xi32, #tpu.memory_space<vmem>>
    %dma_start3A_280 = tpu.memref_squeeze %dma_start3A_279 : memref<1x40xi32, #tpu.memory_space<vmem>> -> memref<40xi32, #tpu.memory_space<vmem>>
    %dma_start3A_281 = arith.constant 0 : i32
    %dma_start3A_282 = arith.constant 0 : i32
    %dma_start3A_283 = tpu.memref_slice %arg4[%dma_start3A_281, %dma_start3A_282] : memref<20000x128xf32, #tpu.memory_space<hbm>> -> memref<20000x128xf32, #tpu.memory_space<hbm>>
    tpu.enqueue_indirect_dma source(%dma_start3A_283 : memref<20000x128xf32, #tpu.memory_space<hbm>>) target(%arg8 : memref<40x128xf32, #tpu.memory_space<vmem>>) offsets(%dma_start3A_280 : memref<40xi32, #tpu.memory_space<vmem>>) semaphore(%arg22 : memref<!tpu.dma_semaphore, #tpu.memory_space<semaphore_mem>>)
    %dma_wait3A_284 = arith.constant 0 : i32
    %dma_wait3A_285 = arith.constant 0 : i32
    %dma_wait3A_286 = tpu.memref_slice %arg6[%dma_wait3A_284, %dma_wait3A_285] : memref<12x40xi32, #tpu.memory_space<vmem>> -> memref<1x40xi32, #tpu.memory_space<vmem>>
    %dma_wait3A_287 = tpu.memref_squeeze %dma_wait3A_286 : memref<1x40xi32, #tpu.memory_space<vmem>> -> memref<40xi32, #tpu.memory_space<vmem>>
    %dma_wait3A_288 = arith.constant 0 : i32
    %dma_wait3A_289 = tpu.memref_slice %arg2[%dma_wait3A_288] : memref<320000xi32, #tpu.memory_space<hbm>> -> memref<40xi32, #tpu.memory_space<hbm>>
    %dma_wait3A_290 = arith.constant 0 : i32
    %dma_wait3A_291 = tpu.memref_slice %arg6[%dma_wait3A_284, %dma_wait3A_290] : memref<12x40xi32, #tpu.memory_space<vmem>> -> memref<1x40xi32, #tpu.memory_space<vmem>>
    %dma_wait3A_292 = tpu.memref_squeeze %dma_wait3A_291 : memref<1x40xi32, #tpu.memory_space<vmem>> -> memref<40xi32, #tpu.memory_space<vmem>>
    %dma_wait3A_293 = arith.constant 0 : i32
    %dma_wait3A_294 = tpu.memref_slice %arg2[%dma_wait3A_293] : memref<320000xi32, #tpu.memory_space<hbm>> -> memref<40xi32, #tpu.memory_space<hbm>>
    tpu.wait_dma2 semaphore(%arg17 : memref<!tpu.dma_semaphore, #tpu.memory_space<semaphore_mem>>) src(%dma_wait3A_294 : memref<40xi32, #tpu.memory_space<hbm>>) dst(%dma_wait3A_292 : memref<40xi32, #tpu.memory_space<vmem>>)
    %dma_wait3A_295 = arith.constant 0 : i32
    %dma_wait3A_296 = arith.constant 0 : i32
    %dma_wait3A_297 = tpu.memref_slice %arg7[%dma_wait3A_295, %dma_wait3A_296] : memref<12x40xi32, #tpu.memory_space<vmem>> -> memref<1x40xi32, #tpu.memory_space<vmem>>
    %dma_wait3A_298 = tpu.memref_squeeze %dma_wait3A_297 : memref<1x40xi32, #tpu.memory_space<vmem>> -> memref<40xi32, #tpu.memory_space<vmem>>
    %dma_wait3A_299 = arith.constant 0 : i32
    %dma_wait3A_300 = tpu.memref_slice %arg3[%dma_wait3A_299] : memref<320000xi32, #tpu.memory_space<hbm>> -> memref<40xi32, #tpu.memory_space<hbm>>
    %dma_wait3A_301 = arith.constant 0 : i32
    %dma_wait3A_302 = tpu.memref_slice %arg7[%dma_wait3A_295, %dma_wait3A_301] : memref<12x40xi32, #tpu.memory_space<vmem>> -> memref<1x40xi32, #tpu.memory_space<vmem>>
    %dma_wait3A_303 = tpu.memref_squeeze %dma_wait3A_302 : memref<1x40xi32, #tpu.memory_space<vmem>> -> memref<40xi32, #tpu.memory_space<vmem>>
    %dma_wait3A_304 = arith.constant 0 : i32
    %dma_wait3A_305 = tpu.memref_slice %arg3[%dma_wait3A_304] : memref<320000xi32, #tpu.memory_space<hbm>> -> memref<40xi32, #tpu.memory_space<hbm>>
    tpu.wait_dma2 semaphore(%arg17 : memref<!tpu.dma_semaphore, #tpu.memory_space<semaphore_mem>>) src(%dma_wait3A_305 : memref<40xi32, #tpu.memory_space<hbm>>) dst(%dma_wait3A_303 : memref<40xi32, #tpu.memory_space<vmem>>)
    %rem3A_306 = arith.constant 1 : i32
    %rem3A_307 = arith.constant 12 : i32
    %rem3A_308 = arith.remsi %rem3A_306, %rem3A_307 : i32
    %dma_start3A_309 = arith.constant 0 : i32
    %dma_start3A_310 = tpu.memref_slice %arg6[%rem3A_308, %dma_start3A_309] : memref<12x40xi32, #tpu.memory_space<vmem>> -> memref<1x40xi32, #tpu.memory_space<vmem>>
    %dma_start3A_311 = tpu.memref_squeeze %dma_start3A_310 : memref<1x40xi32, #tpu.memory_space<vmem>> -> memref<40xi32, #tpu.memory_space<vmem>>
    %dma_start3A_312 = arith.constant 0 : i32
    %dma_start3A_313 = arith.constant 0 : i32
    %dma_start3A_314 = tpu.memref_slice %arg4[%dma_start3A_312, %dma_start3A_313] : memref<20000x128xf32, #tpu.memory_space<hbm>> -> memref<20000x128xf32, #tpu.memory_space<hbm>>
    tpu.enqueue_indirect_dma source(%dma_start3A_314 : memref<20000x128xf32, #tpu.memory_space<hbm>>) target(%arg9 : memref<40x128xf32, #tpu.memory_space<vmem>>) offsets(%dma_start3A_311 : memref<40xi32, #tpu.memory_space<vmem>>) semaphore(%arg23 : memref<!tpu.dma_semaphore, #tpu.memory_space<semaphore_mem>>)
    %dma_wait3A_315 = arith.constant 0 : i32
    %dma_wait3A_316 = arith.constant 0 : i32
    %dma_wait3A_317 = tpu.memref_slice %arg6[%dma_wait3A_315, %dma_wait3A_316] : memref<12x40xi32, #tpu.memory_space<vmem>> -> memref<1x40xi32, #tpu.memory_space<vmem>>
    %dma_wait3A_318 = tpu.memref_squeeze %dma_wait3A_317 : memref<1x40xi32, #tpu.memory_space<vmem>> -> memref<40xi32, #tpu.memory_space<vmem>>
    %dma_wait3A_319 = arith.constant 0 : i32
    %dma_wait3A_320 = tpu.memref_slice %arg2[%dma_wait3A_319] : memref<320000xi32, #tpu.memory_space<hbm>> -> memref<40xi32, #tpu.memory_space<hbm>>
    %dma_wait3A_321 = arith.constant 0 : i32
    %dma_wait3A_322 = tpu.memref_slice %arg6[%dma_wait3A_315, %dma_wait3A_321] : memref<12x40xi32, #tpu.memory_space<vmem>> -> memref<1x40xi32, #tpu.memory_space<vmem>>
    %dma_wait3A_323 = tpu.memref_squeeze %dma_wait3A_322 : memref<1x40xi32, #tpu.memory_space<vmem>> -> memref<40xi32, #tpu.memory_space<vmem>>
    %dma_wait3A_324 = arith.constant 0 : i32
    %dma_wait3A_325 = tpu.memref_slice %arg2[%dma_wait3A_324] : memref<320000xi32, #tpu.memory_space<hbm>> -> memref<40xi32, #tpu.memory_space<hbm>>
    tpu.wait_dma2 semaphore(%arg18 : memref<!tpu.dma_semaphore, #tpu.memory_space<semaphore_mem>>) src(%dma_wait3A_325 : memref<40xi32, #tpu.memory_space<hbm>>) dst(%dma_wait3A_323 : memref<40xi32, #tpu.memory_space<vmem>>)
    %dma_wait3A_326 = arith.constant 0 : i32
    %dma_wait3A_327 = arith.constant 0 : i32
    %dma_wait3A_328 = tpu.memref_slice %arg7[%dma_wait3A_326, %dma_wait3A_327] : memref<12x40xi32, #tpu.memory_space<vmem>> -> memref<1x40xi32, #tpu.memory_space<vmem>>
    %dma_wait3A_329 = tpu.memref_squeeze %dma_wait3A_328 : memref<1x40xi32, #tpu.memory_space<vmem>> -> memref<40xi32, #tpu.memory_space<vmem>>
    %dma_wait3A_330 = arith.constant 0 : i32
    %dma_wait3A_331 = tpu.memref_slice %arg3[%dma_wait3A_330] : memref<320000xi32, #tpu.memory_space<hbm>> -> memref<40xi32, #tpu.memory_space<hbm>>
    %dma_wait3A_332 = arith.constant 0 : i32
    %dma_wait3A_333 = tpu.memref_slice %arg7[%dma_wait3A_326, %dma_wait3A_332] : memref<12x40xi32, #tpu.memory_space<vmem>> -> memref<1x40xi32, #tpu.memory_space<vmem>>
    %dma_wait3A_334 = tpu.memref_squeeze %dma_wait3A_333 : memref<1x40xi32, #tpu.memory_space<vmem>> -> memref<40xi32, #tpu.memory_space<vmem>>
    %dma_wait3A_335 = arith.constant 0 : i32
    %dma_wait3A_336 = tpu.memref_slice %arg3[%dma_wait3A_335] : memref<320000xi32, #tpu.memory_space<hbm>> -> memref<40xi32, #tpu.memory_space<hbm>>
    tpu.wait_dma2 semaphore(%arg18 : memref<!tpu.dma_semaphore, #tpu.memory_space<semaphore_mem>>) src(%dma_wait3A_336 : memref<40xi32, #tpu.memory_space<hbm>>) dst(%dma_wait3A_334 : memref<40xi32, #tpu.memory_space<vmem>>)
    %rem3A_337 = arith.constant 2 : i32
    %rem3A_338 = arith.constant 12 : i32
    %rem3A_339 = arith.remsi %rem3A_337, %rem3A_338 : i32
    %dma_start3A_340 = arith.constant 0 : i32
    %dma_start3A_341 = tpu.memref_slice %arg6[%rem3A_339, %dma_start3A_340] : memref<12x40xi32, #tpu.memory_space<vmem>> -> memref<1x40xi32, #tpu.memory_space<vmem>>
    %dma_start3A_342 = tpu.memref_squeeze %dma_start3A_341 : memref<1x40xi32, #tpu.memory_space<vmem>> -> memref<40xi32, #tpu.memory_space<vmem>>
    %dma_start3A_343 = arith.constant 0 : i32
    %dma_start3A_344 = arith.constant 0 : i32
    %dma_start3A_345 = tpu.memref_slice %arg4[%dma_start3A_343, %dma_start3A_344] : memref<20000x128xf32, #tpu.memory_space<hbm>> -> memref<20000x128xf32, #tpu.memory_space<hbm>>
    tpu.enqueue_indirect_dma source(%dma_start3A_345 : memref<20000x128xf32, #tpu.memory_space<hbm>>) target(%arg10 : memref<40x128xf32, #tpu.memory_space<vmem>>) offsets(%dma_start3A_342 : memref<40xi32, #tpu.memory_space<vmem>>) semaphore(%arg24 : memref<!tpu.dma_semaphore, #tpu.memory_space<semaphore_mem>>)
    %dma_wait3A_346 = arith.constant 0 : i32
    %dma_wait3A_347 = arith.constant 0 : i32
    %dma_wait3A_348 = tpu.memref_slice %arg6[%dma_wait3A_346, %dma_wait3A_347] : memref<12x40xi32, #tpu.memory_space<vmem>> -> memref<1x40xi32, #tpu.memory_space<vmem>>
    %dma_wait3A_349 = tpu.memref_squeeze %dma_wait3A_348 : memref<1x40xi32, #tpu.memory_space<vmem>> -> memref<40xi32, #tpu.memory_space<vmem>>
    %dma_wait3A_350 = arith.constant 0 : i32
    %dma_wait3A_351 = tpu.memref_slice %arg2[%dma_wait3A_350] : memref<320000xi32, #tpu.memory_space<hbm>> -> memref<40xi32, #tpu.memory_space<hbm>>
    %dma_wait3A_352 = arith.constant 0 : i32
    %dma_wait3A_353 = tpu.memref_slice %arg6[%dma_wait3A_346, %dma_wait3A_352] : memref<12x40xi32, #tpu.memory_space<vmem>> -> memref<1x40xi32, #tpu.memory_space<vmem>>
    %dma_wait3A_354 = tpu.memref_squeeze %dma_wait3A_353 : memref<1x40xi32, #tpu.memory_space<vmem>> -> memref<40xi32, #tpu.memory_space<vmem>>
    %dma_wait3A_355 = arith.constant 0 : i32
    %dma_wait3A_356 = tpu.memref_slice %arg2[%dma_wait3A_355] : memref<320000xi32, #tpu.memory_space<hbm>> -> memref<40xi32, #tpu.memory_space<hbm>>
    tpu.wait_dma2 semaphore(%arg19 : memref<!tpu.dma_semaphore, #tpu.memory_space<semaphore_mem>>) src(%dma_wait3A_356 : memref<40xi32, #tpu.memory_space<hbm>>) dst(%dma_wait3A_354 : memref<40xi32, #tpu.memory_space<vmem>>)
    %dma_wait3A_357 = arith.constant 0 : i32
    %dma_wait3A_358 = arith.constant 0 : i32
    %dma_wait3A_359 = tpu.memref_slice %arg7[%dma_wait3A_357, %dma_wait3A_358] : memref<12x40xi32, #tpu.memory_space<vmem>> -> memref<1x40xi32, #tpu.memory_space<vmem>>
    %dma_wait3A_360 = tpu.memref_squeeze %dma_wait3A_359 : memref<1x40xi32, #tpu.memory_space<vmem>> -> memref<40xi32, #tpu.memory_space<vmem>>
    %dma_wait3A_361 = arith.constant 0 : i32
    %dma_wait3A_362 = tpu.memref_slice %arg3[%dma_wait3A_361] : memref<320000xi32, #tpu.memory_space<hbm>> -> memref<40xi32, #tpu.memory_space<hbm>>
    %dma_wait3A_363 = arith.constant 0 : i32
    %dma_wait3A_364 = tpu.memref_slice %arg7[%dma_wait3A_357, %dma_wait3A_363] : memref<12x40xi32, #tpu.memory_space<vmem>> -> memref<1x40xi32, #tpu.memory_space<vmem>>
    %dma_wait3A_365 = tpu.memref_squeeze %dma_wait3A_364 : memref<1x40xi32, #tpu.memory_space<vmem>> -> memref<40xi32, #tpu.memory_space<vmem>>
    %dma_wait3A_366 = arith.constant 0 : i32
    %dma_wait3A_367 = tpu.memref_slice %arg3[%dma_wait3A_366] : memref<320000xi32, #tpu.memory_space<hbm>> -> memref<40xi32, #tpu.memory_space<hbm>>
    tpu.wait_dma2 semaphore(%arg19 : memref<!tpu.dma_semaphore, #tpu.memory_space<semaphore_mem>>) src(%dma_wait3A_367 : memref<40xi32, #tpu.memory_space<hbm>>) dst(%dma_wait3A_365 : memref<40xi32, #tpu.memory_space<vmem>>)
    %rem3A_368 = arith.constant 3 : i32
    %rem3A_369 = arith.constant 12 : i32
    %rem3A_370 = arith.remsi %rem3A_368, %rem3A_369 : i32
    %dma_start3A_371 = arith.constant 0 : i32
    %dma_start3A_372 = tpu.memref_slice %arg6[%rem3A_370, %dma_start3A_371] : memref<12x40xi32, #tpu.memory_space<vmem>> -> memref<1x40xi32, #tpu.memory_space<vmem>>
    %dma_start3A_373 = tpu.memref_squeeze %dma_start3A_372 : memref<1x40xi32, #tpu.memory_space<vmem>> -> memref<40xi32, #tpu.memory_space<vmem>>
    %dma_start3A_374 = arith.constant 0 : i32
    %dma_start3A_375 = arith.constant 0 : i32
    %dma_start3A_376 = tpu.memref_slice %arg4[%dma_start3A_374, %dma_start3A_375] : memref<20000x128xf32, #tpu.memory_space<hbm>> -> memref<20000x128xf32, #tpu.memory_space<hbm>>
    tpu.enqueue_indirect_dma source(%dma_start3A_376 : memref<20000x128xf32, #tpu.memory_space<hbm>>) target(%arg11 : memref<40x128xf32, #tpu.memory_space<vmem>>) offsets(%dma_start3A_373 : memref<40xi32, #tpu.memory_space<vmem>>) semaphore(%arg25 : memref<!tpu.dma_semaphore, #tpu.memory_space<semaphore_mem>>)
    %rem3A_377 = arith.constant 4 : i32
    %rem3A_378 = arith.constant 12 : i32
    %rem3A_379 = arith.remsi %rem3A_377, %rem3A_378 : i32
    %add3A_380 = arith.constant 160 : i32
    %add3A_381 = arith.addi %multiple_of3A, %add3A_380 : i32
    %multiple_of3A_382 = tpu.assume_multiple %add3A_381, 8 : i32
    %dma_start3A_383 = arith.constant 0 : i32
    %dma_start3A_384 = tpu.memref_slice %arg6[%rem3A_379, %dma_start3A_383] : memref<12x40xi32, #tpu.memory_space<vmem>> -> memref<1x40xi32, #tpu.memory_space<vmem>>
    %dma_start3A_385 = tpu.memref_squeeze %dma_start3A_384 : memref<1x40xi32, #tpu.memory_space<vmem>> -> memref<40xi32, #tpu.memory_space<vmem>>
    %dma_start3A_386 = tpu.memref_slice %arg2[%multiple_of3A_382] : memref<320000xi32, #tpu.memory_space<hbm>> -> memref<40xi32, #tpu.memory_space<hbm>>
    %dma_start3A_387 = arith.constant 0 : i32
    %dma_start3A_388 = tpu.memref_slice %arg6[%rem3A_379, %dma_start3A_387] : memref<12x40xi32, #tpu.memory_space<vmem>> -> memref<1x40xi32, #tpu.memory_space<vmem>>
    %dma_start3A_389 = tpu.memref_squeeze %dma_start3A_388 : memref<1x40xi32, #tpu.memory_space<vmem>> -> memref<40xi32, #tpu.memory_space<vmem>>
    %dma_start3A_390 = tpu.memref_slice %arg2[%multiple_of3A_382] : memref<320000xi32, #tpu.memory_space<hbm>> -> memref<40xi32, #tpu.memory_space<hbm>>
    tpu.enqueue_dma source(%dma_start3A_390 : memref<40xi32, #tpu.memory_space<hbm>>) target(%dma_start3A_389 : memref<40xi32, #tpu.memory_space<vmem>>) target_semaphore(%arg16 : memref<!tpu.dma_semaphore, #tpu.memory_space<semaphore_mem>>)
    %dma_start3A_391 = arith.constant 0 : i32
    %dma_start3A_392 = tpu.memref_slice %arg7[%rem3A_379, %dma_start3A_391] : memref<12x40xi32, #tpu.memory_space<vmem>> -> memref<1x40xi32, #tpu.memory_space<vmem>>
    %dma_start3A_393 = tpu.memref_squeeze %dma_start3A_392 : memref<1x40xi32, #tpu.memory_space<vmem>> -> memref<40xi32, #tpu.memory_space<vmem>>
    %dma_start3A_394 = tpu.memref_slice %arg3[%multiple_of3A_382] : memref<320000xi32, #tpu.memory_space<hbm>> -> memref<40xi32, #tpu.memory_space<hbm>>
    %dma_start3A_395 = arith.constant 0 : i32
    %dma_start3A_396 = tpu.memref_slice %arg7[%rem3A_379, %dma_start3A_395] : memref<12x40xi32, #tpu.memory_space<vmem>> -> memref<1x40xi32, #tpu.memory_space<vmem>>
    %dma_start3A_397 = tpu.memref_squeeze %dma_start3A_396 : memref<1x40xi32, #tpu.memory_space<vmem>> -> memref<40xi32, #tpu.memory_space<vmem>>
    %dma_start3A_398 = tpu.memref_slice %arg3[%multiple_of3A_382] : memref<320000xi32, #tpu.memory_space<hbm>> -> memref<40xi32, #tpu.memory_space<hbm>>
    tpu.enqueue_dma source(%dma_start3A_398 : memref<40xi32, #tpu.memory_space<hbm>>) target(%dma_start3A_397 : memref<40xi32, #tpu.memory_space<vmem>>) target_semaphore(%arg16 : memref<!tpu.dma_semaphore, #tpu.memory_space<semaphore_mem>>)
    %rem3A_399 = arith.constant 5 : i32
    %rem3A_400 = arith.constant 12 : i32
    %rem3A_401 = arith.remsi %rem3A_399, %rem3A_400 : i32
    %add3A_402 = arith.constant 200 : i32
    %add3A_403 = arith.addi %multiple_of3A, %add3A_402 : i32
    %multiple_of3A_404 = tpu.assume_multiple %add3A_403, 8 : i32
    %dma_start3A_405 = arith.constant 0 : i32
    %dma_start3A_406 = tpu.memref_slice %arg6[%rem3A_401, %dma_start3A_405] : memref<12x40xi32, #tpu.memory_space<vmem>> -> memref<1x40xi32, #tpu.memory_space<vmem>>
    %dma_start3A_407 = tpu.memref_squeeze %dma_start3A_406 : memref<1x40xi32, #tpu.memory_space<vmem>> -> memref<40xi32, #tpu.memory_space<vmem>>
    %dma_start3A_408 = tpu.memref_slice %arg2[%multiple_of3A_404] : memref<320000xi32, #tpu.memory_space<hbm>> -> memref<40xi32, #tpu.memory_space<hbm>>
    %dma_start3A_409 = arith.constant 0 : i32
    %dma_start3A_410 = tpu.memref_slice %arg6[%rem3A_401, %dma_start3A_409] : memref<12x40xi32, #tpu.memory_space<vmem>> -> memref<1x40xi32, #tpu.memory_space<vmem>>
    %dma_start3A_411 = tpu.memref_squeeze %dma_start3A_410 : memref<1x40xi32, #tpu.memory_space<vmem>> -> memref<40xi32, #tpu.memory_space<vmem>>
    %dma_start3A_412 = tpu.memref_slice %arg2[%multiple_of3A_404] : memref<320000xi32, #tpu.memory_space<hbm>> -> memref<40xi32, #tpu.memory_space<hbm>>
    tpu.enqueue_dma source(%dma_start3A_412 : memref<40xi32, #tpu.memory_space<hbm>>) target(%dma_start3A_411 : memref<40xi32, #tpu.memory_space<vmem>>) target_semaphore(%arg17 : memref<!tpu.dma_semaphore, #tpu.memory_space<semaphore_mem>>)
    %dma_start3A_413 = arith.constant 0 : i32
    %dma_start3A_414 = tpu.memref_slice %arg7[%rem3A_401, %dma_start3A_413] : memref<12x40xi32, #tpu.memory_space<vmem>> -> memref<1x40xi32, #tpu.memory_space<vmem>>
    %dma_start3A_415 = tpu.memref_squeeze %dma_start3A_414 : memref<1x40xi32, #tpu.memory_space<vmem>> -> memref<40xi32, #tpu.memory_space<vmem>>
    %dma_start3A_416 = tpu.memref_slice %arg3[%multiple_of3A_404] : memref<320000xi32, #tpu.memory_space<hbm>> -> memref<40xi32, #tpu.memory_space<hbm>>
    %dma_start3A_417 = arith.constant 0 : i32
    %dma_start3A_418 = tpu.memref_slice %arg7[%rem3A_401, %dma_start3A_417] : memref<12x40xi32, #tpu.memory_space<vmem>> -> memref<1x40xi32, #tpu.memory_space<vmem>>
    %dma_start3A_419 = tpu.memref_squeeze %dma_start3A_418 : memref<1x40xi32, #tpu.memory_space<vmem>> -> memref<40xi32, #tpu.memory_space<vmem>>
    %dma_start3A_420 = tpu.memref_slice %arg3[%multiple_of3A_404] : memref<320000xi32, #tpu.memory_space<hbm>> -> memref<40xi32, #tpu.memory_space<hbm>>
    tpu.enqueue_dma source(%dma_start3A_420 : memref<40xi32, #tpu.memory_space<hbm>>) target(%dma_start3A_419 : memref<40xi32, #tpu.memory_space<vmem>>) target_semaphore(%arg17 : memref<!tpu.dma_semaphore, #tpu.memory_space<semaphore_mem>>)
    %rem3A_421 = arith.constant 6 : i32
    %rem3A_422 = arith.constant 12 : i32
    %rem3A_423 = arith.remsi %rem3A_421, %rem3A_422 : i32
    %add3A_424 = arith.constant 240 : i32
    %add3A_425 = arith.addi %multiple_of3A, %add3A_424 : i32
    %multiple_of3A_426 = tpu.assume_multiple %add3A_425, 8 : i32
    %dma_start3A_427 = arith.constant 0 : i32
    %dma_start3A_428 = tpu.memref_slice %arg6[%rem3A_423, %dma_start3A_427] : memref<12x40xi32, #tpu.memory_space<vmem>> -> memref<1x40xi32, #tpu.memory_space<vmem>>
    %dma_start3A_429 = tpu.memref_squeeze %dma_start3A_428 : memref<1x40xi32, #tpu.memory_space<vmem>> -> memref<40xi32, #tpu.memory_space<vmem>>
    %dma_start3A_430 = tpu.memref_slice %arg2[%multiple_of3A_426] : memref<320000xi32, #tpu.memory_space<hbm>> -> memref<40xi32, #tpu.memory_space<hbm>>
    %dma_start3A_431 = arith.constant 0 : i32
    %dma_start3A_432 = tpu.memref_slice %arg6[%rem3A_423, %dma_start3A_431] : memref<12x40xi32, #tpu.memory_space<vmem>> -> memref<1x40xi32, #tpu.memory_space<vmem>>
    %dma_start3A_433 = tpu.memref_squeeze %dma_start3A_432 : memref<1x40xi32, #tpu.memory_space<vmem>> -> memref<40xi32, #tpu.memory_space<vmem>>
    %dma_start3A_434 = tpu.memref_slice %arg2[%multiple_of3A_426] : memref<320000xi32, #tpu.memory_space<hbm>> -> memref<40xi32, #tpu.memory_space<hbm>>
    tpu.enqueue_dma source(%dma_start3A_434 : memref<40xi32, #tpu.memory_space<hbm>>) target(%dma_start3A_433 : memref<40xi32, #tpu.memory_space<vmem>>) target_semaphore(%arg18 : memref<!tpu.dma_semaphore, #tpu.memory_space<semaphore_mem>>)
    %dma_start3A_435 = arith.constant 0 : i32
    %dma_start3A_436 = tpu.memref_slice %arg7[%rem3A_423, %dma_start3A_435] : memref<12x40xi32, #tpu.memory_space<vmem>> -> memref<1x40xi32, #tpu.memory_space<vmem>>
    %dma_start3A_437 = tpu.memref_squeeze %dma_start3A_436 : memref<1x40xi32, #tpu.memory_space<vmem>> -> memref<40xi32, #tpu.memory_space<vmem>>
    %dma_start3A_438 = tpu.memref_slice %arg3[%multiple_of3A_426] : memref<320000xi32, #tpu.memory_space<hbm>> -> memref<40xi32, #tpu.memory_space<hbm>>
    %dma_start3A_439 = arith.constant 0 : i32
    %dma_start3A_440 = tpu.memref_slice %arg7[%rem3A_423, %dma_start3A_439] : memref<12x40xi32, #tpu.memory_space<vmem>> -> memref<1x40xi32, #tpu.memory_space<vmem>>
    %dma_start3A_441 = tpu.memref_squeeze %dma_start3A_440 : memref<1x40xi32, #tpu.memory_space<vmem>> -> memref<40xi32, #tpu.memory_space<vmem>>
    %dma_start3A_442 = tpu.memref_slice %arg3[%multiple_of3A_426] : memref<320000xi32, #tpu.memory_space<hbm>> -> memref<40xi32, #tpu.memory_space<hbm>>
    tpu.enqueue_dma source(%dma_start3A_442 : memref<40xi32, #tpu.memory_space<hbm>>) target(%dma_start3A_441 : memref<40xi32, #tpu.memory_space<vmem>>) target_semaphore(%arg18 : memref<!tpu.dma_semaphore, #tpu.memory_space<semaphore_mem>>)
    %rem3A_443 = arith.constant 7 : i32
    %rem3A_444 = arith.constant 12 : i32
    %rem3A_445 = arith.remsi %rem3A_443, %rem3A_444 : i32
    %add3A_446 = arith.constant 280 : i32
    %add3A_447 = arith.addi %multiple_of3A, %add3A_446 : i32
    %multiple_of3A_448 = tpu.assume_multiple %add3A_447, 8 : i32
    %dma_start3A_449 = arith.constant 0 : i32
    %dma_start3A_450 = tpu.memref_slice %arg6[%rem3A_445, %dma_start3A_449] : memref<12x40xi32, #tpu.memory_space<vmem>> -> memref<1x40xi32, #tpu.memory_space<vmem>>
    %dma_start3A_451 = tpu.memref_squeeze %dma_start3A_450 : memref<1x40xi32, #tpu.memory_space<vmem>> -> memref<40xi32, #tpu.memory_space<vmem>>
    %dma_start3A_452 = tpu.memref_slice %arg2[%multiple_of3A_448] : memref<320000xi32, #tpu.memory_space<hbm>> -> memref<40xi32, #tpu.memory_space<hbm>>
    %dma_start3A_453 = arith.constant 0 : i32
    %dma_start3A_454 = tpu.memref_slice %arg6[%rem3A_445, %dma_start3A_453] : memref<12x40xi32, #tpu.memory_space<vmem>> -> memref<1x40xi32, #tpu.memory_space<vmem>>
    %dma_start3A_455 = tpu.memref_squeeze %dma_start3A_454 : memref<1x40xi32, #tpu.memory_space<vmem>> -> memref<40xi32, #tpu.memory_space<vmem>>
    %dma_start3A_456 = tpu.memref_slice %arg2[%multiple_of3A_448] : memref<320000xi32, #tpu.memory_space<hbm>> -> memref<40xi32, #tpu.memory_space<hbm>>
    tpu.enqueue_dma source(%dma_start3A_456 : memref<40xi32, #tpu.memory_space<hbm>>) target(%dma_start3A_455 : memref<40xi32, #tpu.memory_space<vmem>>) target_semaphore(%arg19 : memref<!tpu.dma_semaphore, #tpu.memory_space<semaphore_mem>>)
    %dma_start3A_457 = arith.constant 0 : i32
    %dma_start3A_458 = tpu.memref_slice %arg7[%rem3A_445, %dma_start3A_457] : memref<12x40xi32, #tpu.memory_space<vmem>> -> memref<1x40xi32, #tpu.memory_space<vmem>>
    %dma_start3A_459 = tpu.memref_squeeze %dma_start3A_458 : memref<1x40xi32, #tpu.memory_space<vmem>> -> memref<40xi32, #tpu.memory_space<vmem>>
    %dma_start3A_460 = tpu.memref_slice %arg3[%multiple_of3A_448] : memref<320000xi32, #tpu.memory_space<hbm>> -> memref<40xi32, #tpu.memory_space<hbm>>
    %dma_start3A_461 = arith.constant 0 : i32
    %dma_start3A_462 = tpu.memref_slice %arg7[%rem3A_445, %dma_start3A_461] : memref<12x40xi32, #tpu.memory_space<vmem>> -> memref<1x40xi32, #tpu.memory_space<vmem>>
    %dma_start3A_463 = tpu.memref_squeeze %dma_start3A_462 : memref<1x40xi32, #tpu.memory_space<vmem>> -> memref<40xi32, #tpu.memory_space<vmem>>
    %dma_start3A_464 = tpu.memref_slice %arg3[%multiple_of3A_448] : memref<320000xi32, #tpu.memory_space<hbm>> -> memref<40xi32, #tpu.memory_space<hbm>>
    tpu.enqueue_dma source(%dma_start3A_464 : memref<40xi32, #tpu.memory_space<hbm>>) target(%dma_start3A_463 : memref<40xi32, #tpu.memory_space<vmem>>) target_semaphore(%arg19 : memref<!tpu.dma_semaphore, #tpu.memory_space<semaphore_mem>>)
    %rem3A_465 = arith.constant 8 : i32
    %rem3A_466 = arith.constant 12 : i32
    %rem3A_467 = arith.remsi %rem3A_465, %rem3A_466 : i32
    %add3A_468 = arith.constant 320 : i32
    %add3A_469 = arith.addi %multiple_of3A, %add3A_468 : i32
    %multiple_of3A_470 = tpu.assume_multiple %add3A_469, 8 : i32
    %dma_start3A_471 = arith.constant 0 : i32
    %dma_start3A_472 = tpu.memref_slice %arg6[%rem3A_467, %dma_start3A_471] : memref<12x40xi32, #tpu.memory_space<vmem>> -> memref<1x40xi32, #tpu.memory_space<vmem>>
    %dma_start3A_473 = tpu.memref_squeeze %dma_start3A_472 : memref<1x40xi32, #tpu.memory_space<vmem>> -> memref<40xi32, #tpu.memory_space<vmem>>
    %dma_start3A_474 = tpu.memref_slice %arg2[%multiple_of3A_470] : memref<320000xi32, #tpu.memory_space<hbm>> -> memref<40xi32, #tpu.memory_space<hbm>>
    %dma_start3A_475 = arith.constant 0 : i32
    %dma_start3A_476 = tpu.memref_slice %arg6[%rem3A_467, %dma_start3A_475] : memref<12x40xi32, #tpu.memory_space<vmem>> -> memref<1x40xi32, #tpu.memory_space<vmem>>
    %dma_start3A_477 = tpu.memref_squeeze %dma_start3A_476 : memref<1x40xi32, #tpu.memory_space<vmem>> -> memref<40xi32, #tpu.memory_space<vmem>>
    %dma_start3A_478 = tpu.memref_slice %arg2[%multiple_of3A_470] : memref<320000xi32, #tpu.memory_space<hbm>> -> memref<40xi32, #tpu.memory_space<hbm>>
    tpu.enqueue_dma source(%dma_start3A_478 : memref<40xi32, #tpu.memory_space<hbm>>) target(%dma_start3A_477 : memref<40xi32, #tpu.memory_space<vmem>>) target_semaphore(%arg20 : memref<!tpu.dma_semaphore, #tpu.memory_space<semaphore_mem>>)
    %dma_start3A_479 = arith.constant 0 : i32
    %dma_start3A_480 = tpu.memref_slice %arg7[%rem3A_467, %dma_start3A_479] : memref<12x40xi32, #tpu.memory_space<vmem>> -> memref<1x40xi32, #tpu.memory_space<vmem>>
    %dma_start3A_481 = tpu.memref_squeeze %dma_start3A_480 : memref<1x40xi32, #tpu.memory_space<vmem>> -> memref<40xi32, #tpu.memory_space<vmem>>
    %dma_start3A_482 = tpu.memref_slice %arg3[%multiple_of3A_470] : memref<320000xi32, #tpu.memory_space<hbm>> -> memref<40xi32, #tpu.memory_space<hbm>>
    %dma_start3A_483 = arith.constant 0 : i32
    %dma_start3A_484 = tpu.memref_slice %arg7[%rem3A_467, %dma_start3A_483] : memref<12x40xi32, #tpu.memory_space<vmem>> -> memref<1x40xi32, #tpu.memory_space<vmem>>
    %dma_start3A_485 = tpu.memref_squeeze %dma_start3A_484 : memref<1x40xi32, #tpu.memory_space<vmem>> -> memref<40xi32, #tpu.memory_space<vmem>>
    %dma_start3A_486 = tpu.memref_slice %arg3[%multiple_of3A_470] : memref<320000xi32, #tpu.memory_space<hbm>> -> memref<40xi32, #tpu.memory_space<hbm>>
    tpu.enqueue_dma source(%dma_start3A_486 : memref<40xi32, #tpu.memory_space<hbm>>) target(%dma_start3A_485 : memref<40xi32, #tpu.memory_space<vmem>>) target_semaphore(%arg20 : memref<!tpu.dma_semaphore, #tpu.memory_space<semaphore_mem>>)
    %rem3A_487 = arith.constant 9 : i32
    %rem3A_488 = arith.constant 12 : i32
    %rem3A_489 = arith.remsi %rem3A_487, %rem3A_488 : i32
    %add3A_490 = arith.constant 360 : i32
    %add3A_491 = arith.addi %multiple_of3A, %add3A_490 : i32
    %multiple_of3A_492 = tpu.assume_multiple %add3A_491, 8 : i32
    %dma_start3A_493 = arith.constant 0 : i32
    %dma_start3A_494 = tpu.memref_slice %arg6[%rem3A_489, %dma_start3A_493] : memref<12x40xi32, #tpu.memory_space<vmem>> -> memref<1x40xi32, #tpu.memory_space<vmem>>
    %dma_start3A_495 = tpu.memref_squeeze %dma_start3A_494 : memref<1x40xi32, #tpu.memory_space<vmem>> -> memref<40xi32, #tpu.memory_space<vmem>>
    %dma_start3A_496 = tpu.memref_slice %arg2[%multiple_of3A_492] : memref<320000xi32, #tpu.memory_space<hbm>> -> memref<40xi32, #tpu.memory_space<hbm>>
    %dma_start3A_497 = arith.constant 0 : i32
    %dma_start3A_498 = tpu.memref_slice %arg6[%rem3A_489, %dma_start3A_497] : memref<12x40xi32, #tpu.memory_space<vmem>> -> memref<1x40xi32, #tpu.memory_space<vmem>>
    %dma_start3A_499 = tpu.memref_squeeze %dma_start3A_498 : memref<1x40xi32, #tpu.memory_space<vmem>> -> memref<40xi32, #tpu.memory_space<vmem>>
    %dma_start3A_500 = tpu.memref_slice %arg2[%multiple_of3A_492] : memref<320000xi32, #tpu.memory_space<hbm>> -> memref<40xi32, #tpu.memory_space<hbm>>
    tpu.enqueue_dma source(%dma_start3A_500 : memref<40xi32, #tpu.memory_space<hbm>>) target(%dma_start3A_499 : memref<40xi32, #tpu.memory_space<vmem>>) target_semaphore(%arg21 : memref<!tpu.dma_semaphore, #tpu.memory_space<semaphore_mem>>)
    %dma_start3A_501 = arith.constant 0 : i32
    %dma_start3A_502 = tpu.memref_slice %arg7[%rem3A_489, %dma_start3A_501] : memref<12x40xi32, #tpu.memory_space<vmem>> -> memref<1x40xi32, #tpu.memory_space<vmem>>
    %dma_start3A_503 = tpu.memref_squeeze %dma_start3A_502 : memref<1x40xi32, #tpu.memory_space<vmem>> -> memref<40xi32, #tpu.memory_space<vmem>>
    %dma_start3A_504 = tpu.memref_slice %arg3[%multiple_of3A_492] : memref<320000xi32, #tpu.memory_space<hbm>> -> memref<40xi32, #tpu.memory_space<hbm>>
    %dma_start3A_505 = arith.constant 0 : i32
    %dma_start3A_506 = tpu.memref_slice %arg7[%rem3A_489, %dma_start3A_505] : memref<12x40xi32, #tpu.memory_space<vmem>> -> memref<1x40xi32, #tpu.memory_space<vmem>>
    %dma_start3A_507 = tpu.memref_squeeze %dma_start3A_506 : memref<1x40xi32, #tpu.memory_space<vmem>> -> memref<40xi32, #tpu.memory_space<vmem>>
    %dma_start3A_508 = tpu.memref_slice %arg3[%multiple_of3A_492] : memref<320000xi32, #tpu.memory_space<hbm>> -> memref<40xi32, #tpu.memory_space<hbm>>
    tpu.enqueue_dma source(%dma_start3A_508 : memref<40xi32, #tpu.memory_space<hbm>>) target(%dma_start3A_507 : memref<40xi32, #tpu.memory_space<vmem>>) target_semaphore(%arg21 : memref<!tpu.dma_semaphore, #tpu.memory_space<semaphore_mem>>)
    %add3A_509 = arith.constant 0 : i32
    %add3A_510 = arith.addi %mul3A_95, %add3A_509 : i32
    %dma_wait3A_511 = arith.constant 0 : i32
    %dma_wait3A_512 = tpu.memref_slice %arg15[%add3A_510, %dma_wait3A_511] : memref<10000x128xf32, #tpu.memory_space<vmem_shared>> -> memref<24x128xf32, #tpu.memory_space<vmem_shared>>
    %dma_wait3A_513 = arith.constant 0 : i32
    %dma_wait3A_514 = tpu.memref_slice %arg15[%add3A_510, %dma_wait3A_513] : memref<10000x128xf32, #tpu.memory_space<vmem_shared>> -> memref<24x128xf32, #tpu.memory_space<vmem_shared>>
    tpu.wait_dma2 semaphore(%arg34 : memref<!tpu.dma_semaphore, #tpu.memory_space<semaphore_mem>>) src(%arg14 : memref<24x128xf32, #tpu.memory_space<vmem>>) dst(%dma_wait3A_514 : memref<24x128xf32, #tpu.memory_space<vmem_shared>>)
    %add3A_515 = arith.constant 24 : i32
    %add3A_516 = arith.addi %mul3A_95, %add3A_515 : i32
    %dma_wait3A_517 = arith.constant 0 : i32
    %dma_wait3A_518 = tpu.memref_slice %arg15[%add3A_516, %dma_wait3A_517] : memref<10000x128xf32, #tpu.memory_space<vmem_shared>> -> memref<24x128xf32, #tpu.memory_space<vmem_shared>>
    %dma_wait3A_519 = arith.constant 0 : i32
    %dma_wait3A_520 = tpu.memref_slice %arg15[%add3A_516, %dma_wait3A_519] : memref<10000x128xf32, #tpu.memory_space<vmem_shared>> -> memref<24x128xf32, #tpu.memory_space<vmem_shared>>
    tpu.wait_dma2 semaphore(%arg34 : memref<!tpu.dma_semaphore, #tpu.memory_space<semaphore_mem>>) src(%arg14 : memref<24x128xf32, #tpu.memory_space<vmem>>) dst(%dma_wait3A_520 : memref<24x128xf32, #tpu.memory_space<vmem_shared>>)
    %add3A_521 = arith.constant 48 : i32
    %add3A_522 = arith.addi %mul3A_95, %add3A_521 : i32
    %dma_wait3A_523 = arith.constant 0 : i32
    %dma_wait3A_524 = tpu.memref_slice %arg15[%add3A_522, %dma_wait3A_523] : memref<10000x128xf32, #tpu.memory_space<vmem_shared>> -> memref<24x128xf32, #tpu.memory_space<vmem_shared>>
    %dma_wait3A_525 = arith.constant 0 : i32
    %dma_wait3A_526 = tpu.memref_slice %arg15[%add3A_522, %dma_wait3A_525] : memref<10000x128xf32, #tpu.memory_space<vmem_shared>> -> memref<24x128xf32, #tpu.memory_space<vmem_shared>>
    tpu.wait_dma2 semaphore(%arg34 : memref<!tpu.dma_semaphore, #tpu.memory_space<semaphore_mem>>) src(%arg14 : memref<24x128xf32, #tpu.memory_space<vmem>>) dst(%dma_wait3A_526 : memref<24x128xf32, #tpu.memory_space<vmem_shared>>)
    %add3A_527 = arith.constant 72 : i32
    %add3A_528 = arith.addi %mul3A_95, %add3A_527 : i32
    %dma_wait3A_529 = arith.constant 0 : i32
    %dma_wait3A_530 = tpu.memref_slice %arg15[%add3A_528, %dma_wait3A_529] : memref<10000x128xf32, #tpu.memory_space<vmem_shared>> -> memref<24x128xf32, #tpu.memory_space<vmem_shared>>
    %dma_wait3A_531 = arith.constant 0 : i32
    %dma_wait3A_532 = tpu.memref_slice %arg15[%add3A_528, %dma_wait3A_531] : memref<10000x128xf32, #tpu.memory_space<vmem_shared>> -> memref<24x128xf32, #tpu.memory_space<vmem_shared>>
    tpu.wait_dma2 semaphore(%arg34 : memref<!tpu.dma_semaphore, #tpu.memory_space<semaphore_mem>>) src(%arg14 : memref<24x128xf32, #tpu.memory_space<vmem>>) dst(%dma_wait3A_532 : memref<24x128xf32, #tpu.memory_space<vmem_shared>>)
    %add3A_533 = arith.constant 96 : i32
    %add3A_534 = arith.addi %mul3A_95, %add3A_533 : i32
    %dma_wait3A_535 = arith.constant 0 : i32
    %dma_wait3A_536 = tpu.memref_slice %arg15[%add3A_534, %dma_wait3A_535] : memref<10000x128xf32, #tpu.memory_space<vmem_shared>> -> memref<24x128xf32, #tpu.memory_space<vmem_shared>>
    %dma_wait3A_537 = arith.constant 0 : i32
    %dma_wait3A_538 = tpu.memref_slice %arg15[%add3A_534, %dma_wait3A_537] : memref<10000x128xf32, #tpu.memory_space<vmem_shared>> -> memref<24x128xf32, #tpu.memory_space<vmem_shared>>
    tpu.wait_dma2 semaphore(%arg34 : memref<!tpu.dma_semaphore, #tpu.memory_space<semaphore_mem>>) src(%arg14 : memref<24x128xf32, #tpu.memory_space<vmem>>) dst(%dma_wait3A_538 : memref<24x128xf32, #tpu.memory_space<vmem_shared>>)
    %add3A_539 = arith.constant 120 : i32
    %add3A_540 = arith.addi %mul3A_95, %add3A_539 : i32
    %dma_wait3A_541 = arith.constant 0 : i32
    %dma_wait3A_542 = tpu.memref_slice %arg15[%add3A_540, %dma_wait3A_541] : memref<10000x128xf32, #tpu.memory_space<vmem_shared>> -> memref<24x128xf32, #tpu.memory_space<vmem_shared>>
    %dma_wait3A_543 = arith.constant 0 : i32
    %dma_wait3A_544 = tpu.memref_slice %arg15[%add3A_540, %dma_wait3A_543] : memref<10000x128xf32, #tpu.memory_space<vmem_shared>> -> memref<24x128xf32, #tpu.memory_space<vmem_shared>>
    tpu.wait_dma2 semaphore(%arg34 : memref<!tpu.dma_semaphore, #tpu.memory_space<semaphore_mem>>) src(%arg14 : memref<24x128xf32, #tpu.memory_space<vmem>>) dst(%dma_wait3A_544 : memref<24x128xf32, #tpu.memory_space<vmem_shared>>)
    %add3A_545 = arith.constant 144 : i32
    %add3A_546 = arith.addi %mul3A_95, %add3A_545 : i32
    %dma_wait3A_547 = arith.constant 0 : i32
    %dma_wait3A_548 = tpu.memref_slice %arg15[%add3A_546, %dma_wait3A_547] : memref<10000x128xf32, #tpu.memory_space<vmem_shared>> -> memref<24x128xf32, #tpu.memory_space<vmem_shared>>
    %dma_wait3A_549 = arith.constant 0 : i32
    %dma_wait3A_550 = tpu.memref_slice %arg15[%add3A_546, %dma_wait3A_549] : memref<10000x128xf32, #tpu.memory_space<vmem_shared>> -> memref<24x128xf32, #tpu.memory_space<vmem_shared>>
    tpu.wait_dma2 semaphore(%arg34 : memref<!tpu.dma_semaphore, #tpu.memory_space<semaphore_mem>>) src(%arg14 : memref<24x128xf32, #tpu.memory_space<vmem>>) dst(%dma_wait3A_550 : memref<24x128xf32, #tpu.memory_space<vmem_shared>>)
    %add3A_551 = arith.constant 168 : i32
    %add3A_552 = arith.addi %mul3A_95, %add3A_551 : i32
    %dma_wait3A_553 = arith.constant 0 : i32
    %dma_wait3A_554 = tpu.memref_slice %arg15[%add3A_552, %dma_wait3A_553] : memref<10000x128xf32, #tpu.memory_space<vmem_shared>> -> memref<24x128xf32, #tpu.memory_space<vmem_shared>>
    %dma_wait3A_555 = arith.constant 0 : i32
    %dma_wait3A_556 = tpu.memref_slice %arg15[%add3A_552, %dma_wait3A_555] : memref<10000x128xf32, #tpu.memory_space<vmem_shared>> -> memref<24x128xf32, #tpu.memory_space<vmem_shared>>
    tpu.wait_dma2 semaphore(%arg34 : memref<!tpu.dma_semaphore, #tpu.memory_space<semaphore_mem>>) src(%arg14 : memref<24x128xf32, #tpu.memory_space<vmem>>) dst(%dma_wait3A_556 : memref<24x128xf32, #tpu.memory_space<vmem_shared>>)
    %add3A_557 = arith.constant 192 : i32
    %add3A_558 = arith.addi %mul3A_95, %add3A_557 : i32
    %dma_wait3A_559 = arith.constant 0 : i32
    %dma_wait3A_560 = tpu.memref_slice %arg15[%add3A_558, %dma_wait3A_559] : memref<10000x128xf32, #tpu.memory_space<vmem_shared>> -> memref<24x128xf32, #tpu.memory_space<vmem_shared>>
    %dma_wait3A_561 = arith.constant 0 : i32
    %dma_wait3A_562 = tpu.memref_slice %arg15[%add3A_558, %dma_wait3A_561] : memref<10000x128xf32, #tpu.memory_space<vmem_shared>> -> memref<24x128xf32, #tpu.memory_space<vmem_shared>>
    tpu.wait_dma2 semaphore(%arg34 : memref<!tpu.dma_semaphore, #tpu.memory_space<semaphore_mem>>) src(%arg14 : memref<24x128xf32, #tpu.memory_space<vmem>>) dst(%dma_wait3A_562 : memref<24x128xf32, #tpu.memory_space<vmem_shared>>)
    %add3A_563 = arith.constant 216 : i32
    %add3A_564 = arith.addi %mul3A_95, %add3A_563 : i32
    %dma_wait3A_565 = arith.constant 0 : i32
    %dma_wait3A_566 = tpu.memref_slice %arg15[%add3A_564, %dma_wait3A_565] : memref<10000x128xf32, #tpu.memory_space<vmem_shared>> -> memref<24x128xf32, #tpu.memory_space<vmem_shared>>
    %dma_wait3A_567 = arith.constant 0 : i32
    %dma_wait3A_568 = tpu.memref_slice %arg15[%add3A_564, %dma_wait3A_567] : memref<10000x128xf32, #tpu.memory_space<vmem_shared>> -> memref<24x128xf32, #tpu.memory_space<vmem_shared>>
    tpu.wait_dma2 semaphore(%arg34 : memref<!tpu.dma_semaphore, #tpu.memory_space<semaphore_mem>>) src(%arg14 : memref<24x128xf32, #tpu.memory_space<vmem>>) dst(%dma_wait3A_568 : memref<24x128xf32, #tpu.memory_space<vmem_shared>>)
    %add3A_569 = arith.constant 240 : i32
    %add3A_570 = arith.addi %mul3A_95, %add3A_569 : i32
    %dma_wait3A_571 = arith.constant 0 : i32
    %dma_wait3A_572 = tpu.memref_slice %arg15[%add3A_570, %dma_wait3A_571] : memref<10000x128xf32, #tpu.memory_space<vmem_shared>> -> memref<24x128xf32, #tpu.memory_space<vmem_shared>>
    %dma_wait3A_573 = arith.constant 0 : i32
    %dma_wait3A_574 = tpu.memref_slice %arg15[%add3A_570, %dma_wait3A_573] : memref<10000x128xf32, #tpu.memory_space<vmem_shared>> -> memref<24x128xf32, #tpu.memory_space<vmem_shared>>
    tpu.wait_dma2 semaphore(%arg34 : memref<!tpu.dma_semaphore, #tpu.memory_space<semaphore_mem>>) src(%arg14 : memref<24x128xf32, #tpu.memory_space<vmem>>) dst(%dma_wait3A_574 : memref<24x128xf32, #tpu.memory_space<vmem_shared>>)
    %add3A_575 = arith.constant 264 : i32
    %add3A_576 = arith.addi %mul3A_95, %add3A_575 : i32
    %dma_wait3A_577 = arith.constant 0 : i32
    %dma_wait3A_578 = tpu.memref_slice %arg15[%add3A_576, %dma_wait3A_577] : memref<10000x128xf32, #tpu.memory_space<vmem_shared>> -> memref<24x128xf32, #tpu.memory_space<vmem_shared>>
    %dma_wait3A_579 = arith.constant 0 : i32
    %dma_wait3A_580 = tpu.memref_slice %arg15[%add3A_576, %dma_wait3A_579] : memref<10000x128xf32, #tpu.memory_space<vmem_shared>> -> memref<24x128xf32, #tpu.memory_space<vmem_shared>>
    tpu.wait_dma2 semaphore(%arg34 : memref<!tpu.dma_semaphore, #tpu.memory_space<semaphore_mem>>) src(%arg14 : memref<24x128xf32, #tpu.memory_space<vmem>>) dst(%dma_wait3A_580 : memref<24x128xf32, #tpu.memory_space<vmem_shared>>)
    %add3A_581 = arith.constant 288 : i32
    %add3A_582 = arith.addi %mul3A_95, %add3A_581 : i32
    %dma_wait3A_583 = arith.constant 0 : i32
    %dma_wait3A_584 = tpu.memref_slice %arg15[%add3A_582, %dma_wait3A_583] : memref<10000x128xf32, #tpu.memory_space<vmem_shared>> -> memref<24x128xf32, #tpu.memory_space<vmem_shared>>
    %dma_wait3A_585 = arith.constant 0 : i32
    %dma_wait3A_586 = tpu.memref_slice %arg15[%add3A_582, %dma_wait3A_585] : memref<10000x128xf32, #tpu.memory_space<vmem_shared>> -> memref<24x128xf32, #tpu.memory_space<vmem_shared>>
    tpu.wait_dma2 semaphore(%arg34 : memref<!tpu.dma_semaphore, #tpu.memory_space<semaphore_mem>>) src(%arg14 : memref<24x128xf32, #tpu.memory_space<vmem>>) dst(%dma_wait3A_586 : memref<24x128xf32, #tpu.memory_space<vmem_shared>>)
    %add3A_587 = arith.constant 312 : i32
    %add3A_588 = arith.addi %mul3A_95, %add3A_587 : i32
    %dma_wait3A_589 = arith.constant 0 : i32
    %dma_wait3A_590 = tpu.memref_slice %arg15[%add3A_588, %dma_wait3A_589] : memref<10000x128xf32, #tpu.memory_space<vmem_shared>> -> memref<24x128xf32, #tpu.memory_space<vmem_shared>>
    %dma_wait3A_591 = arith.constant 0 : i32
    %dma_wait3A_592 = tpu.memref_slice %arg15[%add3A_588, %dma_wait3A_591] : memref<10000x128xf32, #tpu.memory_space<vmem_shared>> -> memref<24x128xf32, #tpu.memory_space<vmem_shared>>
    tpu.wait_dma2 semaphore(%arg34 : memref<!tpu.dma_semaphore, #tpu.memory_space<semaphore_mem>>) src(%arg14 : memref<24x128xf32, #tpu.memory_space<vmem>>) dst(%dma_wait3A_592 : memref<24x128xf32, #tpu.memory_space<vmem_shared>>)
    %add3A_593 = arith.constant 336 : i32
    %add3A_594 = arith.addi %mul3A_95, %add3A_593 : i32
    %dma_wait3A_595 = arith.constant 0 : i32
    %dma_wait3A_596 = tpu.memref_slice %arg15[%add3A_594, %dma_wait3A_595] : memref<10000x128xf32, #tpu.memory_space<vmem_shared>> -> memref<24x128xf32, #tpu.memory_space<vmem_shared>>
    %dma_wait3A_597 = arith.constant 0 : i32
    %dma_wait3A_598 = tpu.memref_slice %arg15[%add3A_594, %dma_wait3A_597] : memref<10000x128xf32, #tpu.memory_space<vmem_shared>> -> memref<24x128xf32, #tpu.memory_space<vmem_shared>>
    tpu.wait_dma2 semaphore(%arg34 : memref<!tpu.dma_semaphore, #tpu.memory_space<semaphore_mem>>) src(%arg14 : memref<24x128xf32, #tpu.memory_space<vmem>>) dst(%dma_wait3A_598 : memref<24x128xf32, #tpu.memory_space<vmem_shared>>)
    %add3A_599 = arith.constant 360 : i32
    %add3A_600 = arith.addi %mul3A_95, %add3A_599 : i32
    %dma_wait3A_601 = arith.constant 0 : i32
    %dma_wait3A_602 = tpu.memref_slice %arg15[%add3A_600, %dma_wait3A_601] : memref<10000x128xf32, #tpu.memory_space<vmem_shared>> -> memref<24x128xf32, #tpu.memory_space<vmem_shared>>
    %dma_wait3A_603 = arith.constant 0 : i32
    %dma_wait3A_604 = tpu.memref_slice %arg15[%add3A_600, %dma_wait3A_603] : memref<10000x128xf32, #tpu.memory_space<vmem_shared>> -> memref<24x128xf32, #tpu.memory_space<vmem_shared>>
    tpu.wait_dma2 semaphore(%arg34 : memref<!tpu.dma_semaphore, #tpu.memory_space<semaphore_mem>>) src(%arg14 : memref<24x128xf32, #tpu.memory_space<vmem>>) dst(%dma_wait3A_604 : memref<24x128xf32, #tpu.memory_space<vmem_shared>>)
    %add3A_605 = arith.constant 384 : i32
    %add3A_606 = arith.addi %mul3A_95, %add3A_605 : i32
    %dma_wait3A_607 = arith.constant 0 : i32
    %dma_wait3A_608 = tpu.memref_slice %arg15[%add3A_606, %dma_wait3A_607] : memref<10000x128xf32, #tpu.memory_space<vmem_shared>> -> memref<24x128xf32, #tpu.memory_space<vmem_shared>>
    %dma_wait3A_609 = arith.constant 0 : i32
    %dma_wait3A_610 = tpu.memref_slice %arg15[%add3A_606, %dma_wait3A_609] : memref<10000x128xf32, #tpu.memory_space<vmem_shared>> -> memref<24x128xf32, #tpu.memory_space<vmem_shared>>
    tpu.wait_dma2 semaphore(%arg34 : memref<!tpu.dma_semaphore, #tpu.memory_space<semaphore_mem>>) src(%arg14 : memref<24x128xf32, #tpu.memory_space<vmem>>) dst(%dma_wait3A_610 : memref<24x128xf32, #tpu.memory_space<vmem_shared>>)
    %add3A_611 = arith.constant 408 : i32
    %add3A_612 = arith.addi %mul3A_95, %add3A_611 : i32
    %dma_wait3A_613 = arith.constant 0 : i32
    %dma_wait3A_614 = tpu.memref_slice %arg15[%add3A_612, %dma_wait3A_613] : memref<10000x128xf32, #tpu.memory_space<vmem_shared>> -> memref<24x128xf32, #tpu.memory_space<vmem_shared>>
    %dma_wait3A_615 = arith.constant 0 : i32
    %dma_wait3A_616 = tpu.memref_slice %arg15[%add3A_612, %dma_wait3A_615] : memref<10000x128xf32, #tpu.memory_space<vmem_shared>> -> memref<24x128xf32, #tpu.memory_space<vmem_shared>>
    tpu.wait_dma2 semaphore(%arg34 : memref<!tpu.dma_semaphore, #tpu.memory_space<semaphore_mem>>) src(%arg14 : memref<24x128xf32, #tpu.memory_space<vmem>>) dst(%dma_wait3A_616 : memref<24x128xf32, #tpu.memory_space<vmem_shared>>)
    %add3A_617 = arith.constant 432 : i32
    %add3A_618 = arith.addi %mul3A_95, %add3A_617 : i32
    %dma_wait3A_619 = arith.constant 0 : i32
    %dma_wait3A_620 = tpu.memref_slice %arg15[%add3A_618, %dma_wait3A_619] : memref<10000x128xf32, #tpu.memory_space<vmem_shared>> -> memref<24x128xf32, #tpu.memory_space<vmem_shared>>
    %dma_wait3A_621 = arith.constant 0 : i32
    %dma_wait3A_622 = tpu.memref_slice %arg15[%add3A_618, %dma_wait3A_621] : memref<10000x128xf32, #tpu.memory_space<vmem_shared>> -> memref<24x128xf32, #tpu.memory_space<vmem_shared>>
    tpu.wait_dma2 semaphore(%arg34 : memref<!tpu.dma_semaphore, #tpu.memory_space<semaphore_mem>>) src(%arg14 : memref<24x128xf32, #tpu.memory_space<vmem>>) dst(%dma_wait3A_622 : memref<24x128xf32, #tpu.memory_space<vmem_shared>>)
    %add3A_623 = arith.constant 456 : i32
    %add3A_624 = arith.addi %mul3A_95, %add3A_623 : i32
    %dma_wait3A_625 = arith.constant 0 : i32
    %dma_wait3A_626 = tpu.memref_slice %arg15[%add3A_624, %dma_wait3A_625] : memref<10000x128xf32, #tpu.memory_space<vmem_shared>> -> memref<24x128xf32, #tpu.memory_space<vmem_shared>>
    %dma_wait3A_627 = arith.constant 0 : i32
    %dma_wait3A_628 = tpu.memref_slice %arg15[%add3A_624, %dma_wait3A_627] : memref<10000x128xf32, #tpu.memory_space<vmem_shared>> -> memref<24x128xf32, #tpu.memory_space<vmem_shared>>
    tpu.wait_dma2 semaphore(%arg34 : memref<!tpu.dma_semaphore, #tpu.memory_space<semaphore_mem>>) src(%arg14 : memref<24x128xf32, #tpu.memory_space<vmem>>) dst(%dma_wait3A_628 : memref<24x128xf32, #tpu.memory_space<vmem_shared>>)
    %add3A_629 = arith.constant 480 : i32
    %add3A_630 = arith.addi %mul3A_95, %add3A_629 : i32
    %dma_wait3A_631 = arith.constant 0 : i32
    %dma_wait3A_632 = tpu.memref_slice %arg15[%add3A_630, %dma_wait3A_631] : memref<10000x128xf32, #tpu.memory_space<vmem_shared>> -> memref<24x128xf32, #tpu.memory_space<vmem_shared>>
    %dma_wait3A_633 = arith.constant 0 : i32
    %dma_wait3A_634 = tpu.memref_slice %arg15[%add3A_630, %dma_wait3A_633] : memref<10000x128xf32, #tpu.memory_space<vmem_shared>> -> memref<24x128xf32, #tpu.memory_space<vmem_shared>>
    tpu.wait_dma2 semaphore(%arg34 : memref<!tpu.dma_semaphore, #tpu.memory_space<semaphore_mem>>) src(%arg14 : memref<24x128xf32, #tpu.memory_space<vmem>>) dst(%dma_wait3A_634 : memref<24x128xf32, #tpu.memory_space<vmem_shared>>)
    %add3A_635 = arith.constant 504 : i32
    %add3A_636 = arith.addi %mul3A_95, %add3A_635 : i32
    %dma_wait3A_637 = arith.constant 0 : i32
    %dma_wait3A_638 = tpu.memref_slice %arg15[%add3A_636, %dma_wait3A_637] : memref<10000x128xf32, #tpu.memory_space<vmem_shared>> -> memref<24x128xf32, #tpu.memory_space<vmem_shared>>
    %dma_wait3A_639 = arith.constant 0 : i32
    %dma_wait3A_640 = tpu.memref_slice %arg15[%add3A_636, %dma_wait3A_639] : memref<10000x128xf32, #tpu.memory_space<vmem_shared>> -> memref<24x128xf32, #tpu.memory_space<vmem_shared>>
    tpu.wait_dma2 semaphore(%arg34 : memref<!tpu.dma_semaphore, #tpu.memory_space<semaphore_mem>>) src(%arg14 : memref<24x128xf32, #tpu.memory_space<vmem>>) dst(%dma_wait3A_640 : memref<24x128xf32, #tpu.memory_space<vmem_shared>>)
    %add3A_641 = arith.constant 528 : i32
    %add3A_642 = arith.addi %mul3A_95, %add3A_641 : i32
    %dma_wait3A_643 = arith.constant 0 : i32
    %dma_wait3A_644 = tpu.memref_slice %arg15[%add3A_642, %dma_wait3A_643] : memref<10000x128xf32, #tpu.memory_space<vmem_shared>> -> memref<24x128xf32, #tpu.memory_space<vmem_shared>>
    %dma_wait3A_645 = arith.constant 0 : i32
    %dma_wait3A_646 = tpu.memref_slice %arg15[%add3A_642, %dma_wait3A_645] : memref<10000x128xf32, #tpu.memory_space<vmem_shared>> -> memref<24x128xf32, #tpu.memory_space<vmem_shared>>
    tpu.wait_dma2 semaphore(%arg34 : memref<!tpu.dma_semaphore, #tpu.memory_space<semaphore_mem>>) src(%arg14 : memref<24x128xf32, #tpu.memory_space<vmem>>) dst(%dma_wait3A_646 : memref<24x128xf32, #tpu.memory_space<vmem_shared>>)
    %add3A_647 = arith.constant 552 : i32
    %add3A_648 = arith.addi %mul3A_95, %add3A_647 : i32
    %dma_wait3A_649 = arith.constant 0 : i32
    %dma_wait3A_650 = tpu.memref_slice %arg15[%add3A_648, %dma_wait3A_649] : memref<10000x128xf32, #tpu.memory_space<vmem_shared>> -> memref<24x128xf32, #tpu.memory_space<vmem_shared>>
    %dma_wait3A_651 = arith.constant 0 : i32
    %dma_wait3A_652 = tpu.memref_slice %arg15[%add3A_648, %dma_wait3A_651] : memref<10000x128xf32, #tpu.memory_space<vmem_shared>> -> memref<24x128xf32, #tpu.memory_space<vmem_shared>>
    tpu.wait_dma2 semaphore(%arg34 : memref<!tpu.dma_semaphore, #tpu.memory_space<semaphore_mem>>) src(%arg14 : memref<24x128xf32, #tpu.memory_space<vmem>>) dst(%dma_wait3A_652 : memref<24x128xf32, #tpu.memory_space<vmem_shared>>)
    %add3A_653 = arith.constant 576 : i32
    %add3A_654 = arith.addi %mul3A_95, %add3A_653 : i32
    %dma_wait3A_655 = arith.constant 0 : i32
    %dma_wait3A_656 = tpu.memref_slice %arg15[%add3A_654, %dma_wait3A_655] : memref<10000x128xf32, #tpu.memory_space<vmem_shared>> -> memref<24x128xf32, #tpu.memory_space<vmem_shared>>
    %dma_wait3A_657 = arith.constant 0 : i32
    %dma_wait3A_658 = tpu.memref_slice %arg15[%add3A_654, %dma_wait3A_657] : memref<10000x128xf32, #tpu.memory_space<vmem_shared>> -> memref<24x128xf32, #tpu.memory_space<vmem_shared>>
    tpu.wait_dma2 semaphore(%arg34 : memref<!tpu.dma_semaphore, #tpu.memory_space<semaphore_mem>>) src(%arg14 : memref<24x128xf32, #tpu.memory_space<vmem>>) dst(%dma_wait3A_658 : memref<24x128xf32, #tpu.memory_space<vmem_shared>>)
    %add3A_659 = arith.constant 600 : i32
    %add3A_660 = arith.addi %mul3A_95, %add3A_659 : i32
    %dma_wait3A_661 = arith.constant 0 : i32
    %dma_wait3A_662 = tpu.memref_slice %arg15[%add3A_660, %dma_wait3A_661] : memref<10000x128xf32, #tpu.memory_space<vmem_shared>> -> memref<24x128xf32, #tpu.memory_space<vmem_shared>>
    %dma_wait3A_663 = arith.constant 0 : i32
    %dma_wait3A_664 = tpu.memref_slice %arg15[%add3A_660, %dma_wait3A_663] : memref<10000x128xf32, #tpu.memory_space<vmem_shared>> -> memref<24x128xf32, #tpu.memory_space<vmem_shared>>
    tpu.wait_dma2 semaphore(%arg34 : memref<!tpu.dma_semaphore, #tpu.memory_space<semaphore_mem>>) src(%arg14 : memref<24x128xf32, #tpu.memory_space<vmem>>) dst(%dma_wait3A_664 : memref<24x128xf32, #tpu.memory_space<vmem_shared>>)
    %eq3A_665 = arith.constant 15 : i32
    %eq3A_666 = arith.cmpi eq, %arg1, %eq3A_665 : i32
    %convert_element_type3A_667 = arith.extui %eq3A_666 : i1 to i32
    %cond3A_668 = arith.constant 0 : i32
    %cond3A_669 = arith.cmpi ne, %convert_element_type3A_667, %cond3A_668 : i32
    scf.if %cond3A_669 {
      %dma_wait3A_788 = arith.constant 0 : i32
      %dma_wait3A_789 = arith.constant 0 : i32
      %dma_wait3A_790 = tpu.memref_slice %arg14[%dma_wait3A_788, %dma_wait3A_789] : memref<24x128xf32, #tpu.memory_space<vmem>> -> memref<16x128xf32, #tpu.memory_space<vmem>>
      %dma_wait3A_791 = arith.constant 9984 : i32
      %dma_wait3A_792 = arith.constant 0 : i32
      %dma_wait3A_793 = tpu.memref_slice %arg15[%dma_wait3A_791, %dma_wait3A_792] : memref<10000x128xf32, #tpu.memory_space<vmem_shared>> -> memref<16x128xf32, #tpu.memory_space<vmem_shared>>
      %dma_wait3A_794 = arith.constant 9984 : i32
      %dma_wait3A_795 = arith.constant 0 : i32
      %dma_wait3A_796 = tpu.memref_slice %arg15[%dma_wait3A_794, %dma_wait3A_795] : memref<10000x128xf32, #tpu.memory_space<vmem_shared>> -> memref<16x128xf32, #tpu.memory_space<vmem_shared>>
      %dma_wait3A_797 = arith.constant 0 : i32
      %dma_wait3A_798 = arith.constant 0 : i32
      %dma_wait3A_799 = tpu.memref_slice %arg14[%dma_wait3A_797, %dma_wait3A_798] : memref<24x128xf32, #tpu.memory_space<vmem>> -> memref<16x128xf32, #tpu.memory_space<vmem>>
      tpu.wait_dma2 semaphore(%arg34 : memref<!tpu.dma_semaphore, #tpu.memory_space<semaphore_mem>>) src(%dma_wait3A_799 : memref<16x128xf32, #tpu.memory_space<vmem>>) dst(%dma_wait3A_796 : memref<16x128xf32, #tpu.memory_space<vmem_shared>>)
    } else {
    }
    %barrier3A = arith.constant 0 : index
    tpu.barrier barrier_id(%barrier3A)
    %dma_wait3A_670 = arith.constant 0 : i32
    %dma_wait3A_671 = arith.constant 0 : i32
    %dma_wait3A_672 = tpu.memref_slice %arg6[%dma_wait3A_670, %dma_wait3A_671] : memref<12x40xi32, #tpu.memory_space<vmem>> -> memref<1x40xi32, #tpu.memory_space<vmem>>
    %dma_wait3A_673 = tpu.memref_squeeze %dma_wait3A_672 : memref<1x40xi32, #tpu.memory_space<vmem>> -> memref<40xi32, #tpu.memory_space<vmem>>
    %dma_wait3A_674 = arith.constant 0 : i32
    %dma_wait3A_675 = arith.constant 0 : i32
    %dma_wait3A_676 = tpu.memref_slice %arg4[%dma_wait3A_674, %dma_wait3A_675] : memref<20000x128xf32, #tpu.memory_space<hbm>> -> memref<20000x128xf32, #tpu.memory_space<hbm>>
    tpu.wait_indirect_dma semaphore(%arg22 : memref<!tpu.dma_semaphore, #tpu.memory_space<semaphore_mem>>) src(%dma_wait3A_676 : memref<20000x128xf32, #tpu.memory_space<hbm>>) dst(%arg8 : memref<40x128xf32, #tpu.memory_space<vmem>>)
    %rem3A_677 = arith.constant 0 : i32
    %rem3A_678 = arith.constant 12 : i32
    %rem3A_679 = arith.remsi %rem3A_677, %rem3A_678 : i32
    %dma_start3A_680 = arith.constant 0 : i32
    %dma_start3A_681 = tpu.memref_slice %arg7[%rem3A_679, %dma_start3A_680] : memref<12x40xi32, #tpu.memory_space<vmem>> -> memref<1x40xi32, #tpu.memory_space<vmem>>
    %dma_start3A_682 = tpu.memref_squeeze %dma_start3A_681 : memref<1x40xi32, #tpu.memory_space<vmem>> -> memref<40xi32, #tpu.memory_space<vmem>>
    %dma_start3A_683 = arith.constant 0 : i32
    %dma_start3A_684 = arith.constant 0 : i32
    %dma_start3A_685 = tpu.memref_slice %arg15[%dma_start3A_683, %dma_start3A_684] : memref<10000x128xf32, #tpu.memory_space<vmem_shared>> -> memref<10000x128xf32, #tpu.memory_space<vmem_shared>>
    tpu.enqueue_indirect_dma source(%arg8 : memref<40x128xf32, #tpu.memory_space<vmem>>) target(%dma_start3A_685 : memref<10000x128xf32, #tpu.memory_space<vmem_shared>>) offsets(%dma_start3A_682 : memref<40xi32, #tpu.memory_space<vmem>>) semaphore(%arg28 : memref<!tpu.dma_semaphore, #tpu.memory_space<semaphore_mem>>) {add = true}
    %dma_wait3A_686 = arith.constant 0 : i32
    %dma_wait3A_687 = arith.constant 0 : i32
    %dma_wait3A_688 = tpu.memref_slice %arg6[%dma_wait3A_686, %dma_wait3A_687] : memref<12x40xi32, #tpu.memory_space<vmem>> -> memref<1x40xi32, #tpu.memory_space<vmem>>
    %dma_wait3A_689 = tpu.memref_squeeze %dma_wait3A_688 : memref<1x40xi32, #tpu.memory_space<vmem>> -> memref<40xi32, #tpu.memory_space<vmem>>
    %dma_wait3A_690 = arith.constant 0 : i32
    %dma_wait3A_691 = arith.constant 0 : i32
    %dma_wait3A_692 = tpu.memref_slice %arg4[%dma_wait3A_690, %dma_wait3A_691] : memref<20000x128xf32, #tpu.memory_space<hbm>> -> memref<20000x128xf32, #tpu.memory_space<hbm>>
    tpu.wait_indirect_dma semaphore(%arg23 : memref<!tpu.dma_semaphore, #tpu.memory_space<semaphore_mem>>) src(%dma_wait3A_692 : memref<20000x128xf32, #tpu.memory_space<hbm>>) dst(%arg9 : memref<40x128xf32, #tpu.memory_space<vmem>>)
    %rem3A_693 = arith.constant 1 : i32
    %rem3A_694 = arith.constant 12 : i32
    %rem3A_695 = arith.remsi %rem3A_693, %rem3A_694 : i32
    %dma_start3A_696 = arith.constant 0 : i32
    %dma_start3A_697 = tpu.memref_slice %arg7[%rem3A_695, %dma_start3A_696] : memref<12x40xi32, #tpu.memory_space<vmem>> -> memref<1x40xi32, #tpu.memory_space<vmem>>
    %dma_start3A_698 = tpu.memref_squeeze %dma_start3A_697 : memref<1x40xi32, #tpu.memory_space<vmem>> -> memref<40xi32, #tpu.memory_space<vmem>>
    %dma_start3A_699 = arith.constant 0 : i32
    %dma_start3A_700 = arith.constant 0 : i32
    %dma_start3A_701 = tpu.memref_slice %arg15[%dma_start3A_699, %dma_start3A_700] : memref<10000x128xf32, #tpu.memory_space<vmem_shared>> -> memref<10000x128xf32, #tpu.memory_space<vmem_shared>>
    tpu.enqueue_indirect_dma source(%arg9 : memref<40x128xf32, #tpu.memory_space<vmem>>) target(%dma_start3A_701 : memref<10000x128xf32, #tpu.memory_space<vmem_shared>>) offsets(%dma_start3A_698 : memref<40xi32, #tpu.memory_space<vmem>>) semaphore(%arg29 : memref<!tpu.dma_semaphore, #tpu.memory_space<semaphore_mem>>) {add = true}
    %dma_wait3A_702 = arith.constant 0 : i32
    %dma_wait3A_703 = arith.constant 0 : i32
    %dma_wait3A_704 = tpu.memref_slice %arg6[%dma_wait3A_702, %dma_wait3A_703] : memref<12x40xi32, #tpu.memory_space<vmem>> -> memref<1x40xi32, #tpu.memory_space<vmem>>
    %dma_wait3A_705 = tpu.memref_squeeze %dma_wait3A_704 : memref<1x40xi32, #tpu.memory_space<vmem>> -> memref<40xi32, #tpu.memory_space<vmem>>
    %dma_wait3A_706 = arith.constant 0 : i32
    %dma_wait3A_707 = arith.constant 0 : i32
    %dma_wait3A_708 = tpu.memref_slice %arg4[%dma_wait3A_706, %dma_wait3A_707] : memref<20000x128xf32, #tpu.memory_space<hbm>> -> memref<20000x128xf32, #tpu.memory_space<hbm>>
    tpu.wait_indirect_dma semaphore(%arg24 : memref<!tpu.dma_semaphore, #tpu.memory_space<semaphore_mem>>) src(%dma_wait3A_708 : memref<20000x128xf32, #tpu.memory_space<hbm>>) dst(%arg10 : memref<40x128xf32, #tpu.memory_space<vmem>>)
    %rem3A_709 = arith.constant 2 : i32
    %rem3A_710 = arith.constant 12 : i32
    %rem3A_711 = arith.remsi %rem3A_709, %rem3A_710 : i32
    %dma_start3A_712 = arith.constant 0 : i32
    %dma_start3A_713 = tpu.memref_slice %arg7[%rem3A_711, %dma_start3A_712] : memref<12x40xi32, #tpu.memory_space<vmem>> -> memref<1x40xi32, #tpu.memory_space<vmem>>
    %dma_start3A_714 = tpu.memref_squeeze %dma_start3A_713 : memref<1x40xi32, #tpu.memory_space<vmem>> -> memref<40xi32, #tpu.memory_space<vmem>>
    %dma_start3A_715 = arith.constant 0 : i32
    %dma_start3A_716 = arith.constant 0 : i32
    %dma_start3A_717 = tpu.memref_slice %arg15[%dma_start3A_715, %dma_start3A_716] : memref<10000x128xf32, #tpu.memory_space<vmem_shared>> -> memref<10000x128xf32, #tpu.memory_space<vmem_shared>>
    tpu.enqueue_indirect_dma source(%arg10 : memref<40x128xf32, #tpu.memory_space<vmem>>) target(%dma_start3A_717 : memref<10000x128xf32, #tpu.memory_space<vmem_shared>>) offsets(%dma_start3A_714 : memref<40xi32, #tpu.memory_space<vmem>>) semaphore(%arg30 : memref<!tpu.dma_semaphore, #tpu.memory_space<semaphore_mem>>) {add = true}
    %dma_wait3A_718 = arith.constant 0 : i32
    %dma_wait3A_719 = arith.constant 0 : i32
    %dma_wait3A_720 = tpu.memref_slice %arg6[%dma_wait3A_718, %dma_wait3A_719] : memref<12x40xi32, #tpu.memory_space<vmem>> -> memref<1x40xi32, #tpu.memory_space<vmem>>
    %dma_wait3A_721 = tpu.memref_squeeze %dma_wait3A_720 : memref<1x40xi32, #tpu.memory_space<vmem>> -> memref<40xi32, #tpu.memory_space<vmem>>
    %dma_wait3A_722 = arith.constant 0 : i32
    %dma_wait3A_723 = arith.constant 0 : i32
    %dma_wait3A_724 = tpu.memref_slice %arg4[%dma_wait3A_722, %dma_wait3A_723] : memref<20000x128xf32, #tpu.memory_space<hbm>> -> memref<20000x128xf32, #tpu.memory_space<hbm>>
    tpu.wait_indirect_dma semaphore(%arg25 : memref<!tpu.dma_semaphore, #tpu.memory_space<semaphore_mem>>) src(%dma_wait3A_724 : memref<20000x128xf32, #tpu.memory_space<hbm>>) dst(%arg11 : memref<40x128xf32, #tpu.memory_space<vmem>>)
    %rem3A_725 = arith.constant 3 : i32
    %rem3A_726 = arith.constant 12 : i32
    %rem3A_727 = arith.remsi %rem3A_725, %rem3A_726 : i32
    %dma_start3A_728 = arith.constant 0 : i32
    %dma_start3A_729 = tpu.memref_slice %arg7[%rem3A_727, %dma_start3A_728] : memref<12x40xi32, #tpu.memory_space<vmem>> -> memref<1x40xi32, #tpu.memory_space<vmem>>
    %dma_start3A_730 = tpu.memref_squeeze %dma_start3A_729 : memref<1x40xi32, #tpu.memory_space<vmem>> -> memref<40xi32, #tpu.memory_space<vmem>>
    %dma_start3A_731 = arith.constant 0 : i32
    %dma_start3A_732 = arith.constant 0 : i32
    %dma_start3A_733 = tpu.memref_slice %arg15[%dma_start3A_731, %dma_start3A_732] : memref<10000x128xf32, #tpu.memory_space<vmem_shared>> -> memref<10000x128xf32, #tpu.memory_space<vmem_shared>>
    tpu.enqueue_indirect_dma source(%arg11 : memref<40x128xf32, #tpu.memory_space<vmem>>) target(%dma_start3A_733 : memref<10000x128xf32, #tpu.memory_space<vmem_shared>>) offsets(%dma_start3A_730 : memref<40xi32, #tpu.memory_space<vmem>>) semaphore(%arg31 : memref<!tpu.dma_semaphore, #tpu.memory_space<semaphore_mem>>) {add = true}
    %scan3A_734 = arith.constant 0 : i32
    %scan3A_735 = arith.constant 0 : i32
    %scan3A_736 = arith.constant 41 : i32
    %scan3A_737 = arith.addi %scan3A_735, %scan3A_736 : i32
    %scan3A_738 = arith.constant 1 : i32
    scf.for %scan3A_788 = %scan3A_735 to %scan3A_737 step %scan3A_738  : i32 {
      %mul3A_789 = arith.constant 6 : i32
      %mul3A_790 = arith.muli %mul3A_789, %scan3A_788 : i32
      %add3A_791 = arith.constant 4 : i32
      %add3A_792 = arith.addi %add3A_791, %mul3A_790 : i32
      %add3A_793 = arith.constant 0 : i32
      %add3A_794 = arith.addi %add3A_792, %add3A_793 : i32
      %mul3A_795 = arith.constant 6 : i32
      %mul3A_796 = arith.muli %mul3A_795, %scan3A_788 : i32
      %add3A_797 = arith.constant 4 : i32
      %add3A_798 = arith.addi %add3A_797, %mul3A_796 : i32
      %add3A_799 = arith.constant 1 : i32
      %add3A_800 = arith.addi %add3A_798, %add3A_799 : i32
      %mul3A_801 = arith.constant 6 : i32
      %mul3A_802 = arith.muli %mul3A_801, %scan3A_788 : i32
      %add3A_803 = arith.constant 4 : i32
      %add3A_804 = arith.addi %add3A_803, %mul3A_802 : i32
      %add3A_805 = arith.constant 2 : i32
      %add3A_806 = arith.addi %add3A_804, %add3A_805 : i32
      %mul3A_807 = arith.constant 6 : i32
      %mul3A_808 = arith.muli %mul3A_807, %scan3A_788 : i32
      %add3A_809 = arith.constant 4 : i32
      %add3A_810 = arith.addi %add3A_809, %mul3A_808 : i32
      %add3A_811 = arith.constant 3 : i32
      %add3A_812 = arith.addi %add3A_810, %add3A_811 : i32
      %mul3A_813 = arith.constant 6 : i32
      %mul3A_814 = arith.muli %mul3A_813, %scan3A_788 : i32
      %add3A_815 = arith.constant 4 : i32
      %add3A_816 = arith.addi %add3A_815, %mul3A_814 : i32
      %add3A_817 = arith.constant 4 : i32
      %add3A_818 = arith.addi %add3A_816, %add3A_817 : i32
      %mul3A_819 = arith.constant 6 : i32
      %mul3A_820 = arith.muli %mul3A_819, %scan3A_788 : i32
      %add3A_821 = arith.constant 4 : i32
      %add3A_822 = arith.addi %add3A_821, %mul3A_820 : i32
      %add3A_823 = arith.constant 5 : i32
      %add3A_824 = arith.addi %add3A_822, %add3A_823 : i32
      %dma_wait3A_825 = arith.constant 0 : i32
      %dma_wait3A_826 = arith.constant 0 : i32
      %dma_wait3A_827 = tpu.memref_slice %arg6[%dma_wait3A_825, %dma_wait3A_826] : memref<12x40xi32, #tpu.memory_space<vmem>> -> memref<1x40xi32, #tpu.memory_space<vmem>>
      %dma_wait3A_828 = tpu.memref_squeeze %dma_wait3A_827 : memref<1x40xi32, #tpu.memory_space<vmem>> -> memref<40xi32, #tpu.memory_space<vmem>>
      %dma_wait3A_829 = arith.constant 0 : i32
      %dma_wait3A_830 = tpu.memref_slice %arg2[%dma_wait3A_829] : memref<320000xi32, #tpu.memory_space<hbm>> -> memref<40xi32, #tpu.memory_space<hbm>>
      %dma_wait3A_831 = arith.constant 0 : i32
      %dma_wait3A_832 = tpu.memref_slice %arg6[%dma_wait3A_825, %dma_wait3A_831] : memref<12x40xi32, #tpu.memory_space<vmem>> -> memref<1x40xi32, #tpu.memory_space<vmem>>
      %dma_wait3A_833 = tpu.memref_squeeze %dma_wait3A_832 : memref<1x40xi32, #tpu.memory_space<vmem>> -> memref<40xi32, #tpu.memory_space<vmem>>
      %dma_wait3A_834 = arith.constant 0 : i32
      %dma_wait3A_835 = tpu.memref_slice %arg2[%dma_wait3A_834] : memref<320000xi32, #tpu.memory_space<hbm>> -> memref<40xi32, #tpu.memory_space<hbm>>
      tpu.wait_dma2 semaphore(%arg16 : memref<!tpu.dma_semaphore, #tpu.memory_space<semaphore_mem>>) src(%dma_wait3A_835 : memref<40xi32, #tpu.memory_space<hbm>>) dst(%dma_wait3A_833 : memref<40xi32, #tpu.memory_space<vmem>>)
      %dma_wait3A_836 = arith.constant 0 : i32
      %dma_wait3A_837 = arith.constant 0 : i32
      %dma_wait3A_838 = tpu.memref_slice %arg7[%dma_wait3A_836, %dma_wait3A_837] : memref<12x40xi32, #tpu.memory_space<vmem>> -> memref<1x40xi32, #tpu.memory_space<vmem>>
      %dma_wait3A_839 = tpu.memref_squeeze %dma_wait3A_838 : memref<1x40xi32, #tpu.memory_space<vmem>> -> memref<40xi32, #tpu.memory_space<vmem>>
      %dma_wait3A_840 = arith.constant 0 : i32
      %dma_wait3A_841 = tpu.memref_slice %arg3[%dma_wait3A_840] : memref<320000xi32, #tpu.memory_space<hbm>> -> memref<40xi32, #tpu.memory_space<hbm>>
      %dma_wait3A_842 = arith.constant 0 : i32
      %dma_wait3A_843 = tpu.memref_slice %arg7[%dma_wait3A_836, %dma_wait3A_842] : memref<12x40xi32, #tpu.memory_space<vmem>> -> memref<1x40xi32, #tpu.memory_space<vmem>>
      %dma_wait3A_844 = tpu.memref_squeeze %dma_wait3A_843 : memref<1x40xi32, #tpu.memory_space<vmem>> -> memref<40xi32, #tpu.memory_space<vmem>>
      %dma_wait3A_845 = arith.constant 0 : i32
      %dma_wait3A_846 = tpu.memref_slice %arg3[%dma_wait3A_845] : memref<320000xi32, #tpu.memory_space<hbm>> -> memref<40xi32, #tpu.memory_space<hbm>>
      tpu.wait_dma2 semaphore(%arg16 : memref<!tpu.dma_semaphore, #tpu.memory_space<semaphore_mem>>) src(%dma_wait3A_846 : memref<40xi32, #tpu.memory_space<hbm>>) dst(%dma_wait3A_844 : memref<40xi32, #tpu.memory_space<vmem>>)
      %dma_wait3A_847 = arith.constant 0 : i32
      %dma_wait3A_848 = arith.constant 0 : i32
      %dma_wait3A_849 = tpu.memref_slice %arg7[%dma_wait3A_847, %dma_wait3A_848] : memref<12x40xi32, #tpu.memory_space<vmem>> -> memref<1x40xi32, #tpu.memory_space<vmem>>
      %dma_wait3A_850 = tpu.memref_squeeze %dma_wait3A_849 : memref<1x40xi32, #tpu.memory_space<vmem>> -> memref<40xi32, #tpu.memory_space<vmem>>
      %dma_wait3A_851 = arith.constant 0 : i32
      %dma_wait3A_852 = arith.constant 0 : i32
      %dma_wait3A_853 = tpu.memref_slice %arg15[%dma_wait3A_851, %dma_wait3A_852] : memref<10000x128xf32, #tpu.memory_space<vmem_shared>> -> memref<10000x128xf32, #tpu.memory_space<vmem_shared>>
      tpu.wait_indirect_dma semaphore(%arg28 : memref<!tpu.dma_semaphore, #tpu.memory_space<semaphore_mem>>) src(%arg8 : memref<40x128xf32, #tpu.memory_space<vmem>>) dst(%dma_wait3A_853 : memref<10000x128xf32, #tpu.memory_space<vmem_shared>>)
      %rem3A_854 = arith.constant 12 : i32
      %rem3A_855 = arith.remsi %add3A_794, %rem3A_854 : i32
      %dma_start3A_856 = arith.constant 0 : i32
      %dma_start3A_857 = tpu.memref_slice %arg6[%rem3A_855, %dma_start3A_856] : memref<12x40xi32, #tpu.memory_space<vmem>> -> memref<1x40xi32, #tpu.memory_space<vmem>>
      %dma_start3A_858 = tpu.memref_squeeze %dma_start3A_857 : memref<1x40xi32, #tpu.memory_space<vmem>> -> memref<40xi32, #tpu.memory_space<vmem>>
      %dma_start3A_859 = arith.constant 0 : i32
      %dma_start3A_860 = arith.constant 0 : i32
      %dma_start3A_861 = tpu.memref_slice %arg4[%dma_start3A_859, %dma_start3A_860] : memref<20000x128xf32, #tpu.memory_space<hbm>> -> memref<20000x128xf32, #tpu.memory_space<hbm>>
      tpu.enqueue_indirect_dma source(%dma_start3A_861 : memref<20000x128xf32, #tpu.memory_space<hbm>>) target(%arg8 : memref<40x128xf32, #tpu.memory_space<vmem>>) offsets(%dma_start3A_858 : memref<40xi32, #tpu.memory_space<vmem>>) semaphore(%arg22 : memref<!tpu.dma_semaphore, #tpu.memory_space<semaphore_mem>>)
      %dma_wait3A_862 = arith.constant 0 : i32
      %dma_wait3A_863 = arith.constant 0 : i32
      %dma_wait3A_864 = tpu.memref_slice %arg6[%dma_wait3A_862, %dma_wait3A_863] : memref<12x40xi32, #tpu.memory_space<vmem>> -> memref<1x40xi32, #tpu.memory_space<vmem>>
      %dma_wait3A_865 = tpu.memref_squeeze %dma_wait3A_864 : memref<1x40xi32, #tpu.memory_space<vmem>> -> memref<40xi32, #tpu.memory_space<vmem>>
      %dma_wait3A_866 = arith.constant 0 : i32
      %dma_wait3A_867 = tpu.memref_slice %arg2[%dma_wait3A_866] : memref<320000xi32, #tpu.memory_space<hbm>> -> memref<40xi32, #tpu.memory_space<hbm>>
      %dma_wait3A_868 = arith.constant 0 : i32
      %dma_wait3A_869 = tpu.memref_slice %arg6[%dma_wait3A_862, %dma_wait3A_868] : memref<12x40xi32, #tpu.memory_space<vmem>> -> memref<1x40xi32, #tpu.memory_space<vmem>>
      %dma_wait3A_870 = tpu.memref_squeeze %dma_wait3A_869 : memref<1x40xi32, #tpu.memory_space<vmem>> -> memref<40xi32, #tpu.memory_space<vmem>>
      %dma_wait3A_871 = arith.constant 0 : i32
      %dma_wait3A_872 = tpu.memref_slice %arg2[%dma_wait3A_871] : memref<320000xi32, #tpu.memory_space<hbm>> -> memref<40xi32, #tpu.memory_space<hbm>>
      tpu.wait_dma2 semaphore(%arg17 : memref<!tpu.dma_semaphore, #tpu.memory_space<semaphore_mem>>) src(%dma_wait3A_872 : memref<40xi32, #tpu.memory_space<hbm>>) dst(%dma_wait3A_870 : memref<40xi32, #tpu.memory_space<vmem>>)
      %dma_wait3A_873 = arith.constant 0 : i32
      %dma_wait3A_874 = arith.constant 0 : i32
      %dma_wait3A_875 = tpu.memref_slice %arg7[%dma_wait3A_873, %dma_wait3A_874] : memref<12x40xi32, #tpu.memory_space<vmem>> -> memref<1x40xi32, #tpu.memory_space<vmem>>
      %dma_wait3A_876 = tpu.memref_squeeze %dma_wait3A_875 : memref<1x40xi32, #tpu.memory_space<vmem>> -> memref<40xi32, #tpu.memory_space<vmem>>
      %dma_wait3A_877 = arith.constant 0 : i32
      %dma_wait3A_878 = tpu.memref_slice %arg3[%dma_wait3A_877] : memref<320000xi32, #tpu.memory_space<hbm>> -> memref<40xi32, #tpu.memory_space<hbm>>
      %dma_wait3A_879 = arith.constant 0 : i32
      %dma_wait3A_880 = tpu.memref_slice %arg7[%dma_wait3A_873, %dma_wait3A_879] : memref<12x40xi32, #tpu.memory_space<vmem>> -> memref<1x40xi32, #tpu.memory_space<vmem>>
      %dma_wait3A_881 = tpu.memref_squeeze %dma_wait3A_880 : memref<1x40xi32, #tpu.memory_space<vmem>> -> memref<40xi32, #tpu.memory_space<vmem>>
      %dma_wait3A_882 = arith.constant 0 : i32
      %dma_wait3A_883 = tpu.memref_slice %arg3[%dma_wait3A_882] : memref<320000xi32, #tpu.memory_space<hbm>> -> memref<40xi32, #tpu.memory_space<hbm>>
      tpu.wait_dma2 semaphore(%arg17 : memref<!tpu.dma_semaphore, #tpu.memory_space<semaphore_mem>>) src(%dma_wait3A_883 : memref<40xi32, #tpu.memory_space<hbm>>) dst(%dma_wait3A_881 : memref<40xi32, #tpu.memory_space<vmem>>)
      %dma_wait3A_884 = arith.constant 0 : i32
      %dma_wait3A_885 = arith.constant 0 : i32
      %dma_wait3A_886 = tpu.memref_slice %arg7[%dma_wait3A_884, %dma_wait3A_885] : memref<12x40xi32, #tpu.memory_space<vmem>> -> memref<1x40xi32, #tpu.memory_space<vmem>>
      %dma_wait3A_887 = tpu.memref_squeeze %dma_wait3A_886 : memref<1x40xi32, #tpu.memory_space<vmem>> -> memref<40xi32, #tpu.memory_space<vmem>>
      %dma_wait3A_888 = arith.constant 0 : i32
      %dma_wait3A_889 = arith.constant 0 : i32
      %dma_wait3A_890 = tpu.memref_slice %arg15[%dma_wait3A_888, %dma_wait3A_889] : memref<10000x128xf32, #tpu.memory_space<vmem_shared>> -> memref<10000x128xf32, #tpu.memory_space<vmem_shared>>
      tpu.wait_indirect_dma semaphore(%arg29 : memref<!tpu.dma_semaphore, #tpu.memory_space<semaphore_mem>>) src(%arg9 : memref<40x128xf32, #tpu.memory_space<vmem>>) dst(%dma_wait3A_890 : memref<10000x128xf32, #tpu.memory_space<vmem_shared>>)
      %rem3A_891 = arith.constant 12 : i32
      %rem3A_892 = arith.remsi %add3A_800, %rem3A_891 : i32
      %dma_start3A_893 = arith.constant 0 : i32
      %dma_start3A_894 = tpu.memref_slice %arg6[%rem3A_892, %dma_start3A_893] : memref<12x40xi32, #tpu.memory_space<vmem>> -> memref<1x40xi32, #tpu.memory_space<vmem>>
      %dma_start3A_895 = tpu.memref_squeeze %dma_start3A_894 : memref<1x40xi32, #tpu.memory_space<vmem>> -> memref<40xi32, #tpu.memory_space<vmem>>
      %dma_start3A_896 = arith.constant 0 : i32
      %dma_start3A_897 = arith.constant 0 : i32
      %dma_start3A_898 = tpu.memref_slice %arg4[%dma_start3A_896, %dma_start3A_897] : memref<20000x128xf32, #tpu.memory_space<hbm>> -> memref<20000x128xf32, #tpu.memory_space<hbm>>
      tpu.enqueue_indirect_dma source(%dma_start3A_898 : memref<20000x128xf32, #tpu.memory_space<hbm>>) target(%arg9 : memref<40x128xf32, #tpu.memory_space<vmem>>) offsets(%dma_start3A_895 : memref<40xi32, #tpu.memory_space<vmem>>) semaphore(%arg23 : memref<!tpu.dma_semaphore, #tpu.memory_space<semaphore_mem>>)
      %dma_wait3A_899 = arith.constant 0 : i32
      %dma_wait3A_900 = arith.constant 0 : i32
      %dma_wait3A_901 = tpu.memref_slice %arg6[%dma_wait3A_899, %dma_wait3A_900] : memref<12x40xi32, #tpu.memory_space<vmem>> -> memref<1x40xi32, #tpu.memory_space<vmem>>
      %dma_wait3A_902 = tpu.memref_squeeze %dma_wait3A_901 : memref<1x40xi32, #tpu.memory_space<vmem>> -> memref<40xi32, #tpu.memory_space<vmem>>
      %dma_wait3A_903 = arith.constant 0 : i32
      %dma_wait3A_904 = tpu.memref_slice %arg2[%dma_wait3A_903] : memref<320000xi32, #tpu.memory_space<hbm>> -> memref<40xi32, #tpu.memory_space<hbm>>
      %dma_wait3A_905 = arith.constant 0 : i32
      %dma_wait3A_906 = tpu.memref_slice %arg6[%dma_wait3A_899, %dma_wait3A_905] : memref<12x40xi32, #tpu.memory_space<vmem>> -> memref<1x40xi32, #tpu.memory_space<vmem>>
      %dma_wait3A_907 = tpu.memref_squeeze %dma_wait3A_906 : memref<1x40xi32, #tpu.memory_space<vmem>> -> memref<40xi32, #tpu.memory_space<vmem>>
      %dma_wait3A_908 = arith.constant 0 : i32
      %dma_wait3A_909 = tpu.memref_slice %arg2[%dma_wait3A_908] : memref<320000xi32, #tpu.memory_space<hbm>> -> memref<40xi32, #tpu.memory_space<hbm>>
      tpu.wait_dma2 semaphore(%arg18 : memref<!tpu.dma_semaphore, #tpu.memory_space<semaphore_mem>>) src(%dma_wait3A_909 : memref<40xi32, #tpu.memory_space<hbm>>) dst(%dma_wait3A_907 : memref<40xi32, #tpu.memory_space<vmem>>)
      %dma_wait3A_910 = arith.constant 0 : i32
      %dma_wait3A_911 = arith.constant 0 : i32
      %dma_wait3A_912 = tpu.memref_slice %arg7[%dma_wait3A_910, %dma_wait3A_911] : memref<12x40xi32, #tpu.memory_space<vmem>> -> memref<1x40xi32, #tpu.memory_space<vmem>>
      %dma_wait3A_913 = tpu.memref_squeeze %dma_wait3A_912 : memref<1x40xi32, #tpu.memory_space<vmem>> -> memref<40xi32, #tpu.memory_space<vmem>>
      %dma_wait3A_914 = arith.constant 0 : i32
      %dma_wait3A_915 = tpu.memref_slice %arg3[%dma_wait3A_914] : memref<320000xi32, #tpu.memory_space<hbm>> -> memref<40xi32, #tpu.memory_space<hbm>>
      %dma_wait3A_916 = arith.constant 0 : i32
      %dma_wait3A_917 = tpu.memref_slice %arg7[%dma_wait3A_910, %dma_wait3A_916] : memref<12x40xi32, #tpu.memory_space<vmem>> -> memref<1x40xi32, #tpu.memory_space<vmem>>
      %dma_wait3A_918 = tpu.memref_squeeze %dma_wait3A_917 : memref<1x40xi32, #tpu.memory_space<vmem>> -> memref<40xi32, #tpu.memory_space<vmem>>
      %dma_wait3A_919 = arith.constant 0 : i32
      %dma_wait3A_920 = tpu.memref_slice %arg3[%dma_wait3A_919] : memref<320000xi32, #tpu.memory_space<hbm>> -> memref<40xi32, #tpu.memory_space<hbm>>
      tpu.wait_dma2 semaphore(%arg18 : memref<!tpu.dma_semaphore, #tpu.memory_space<semaphore_mem>>) src(%dma_wait3A_920 : memref<40xi32, #tpu.memory_space<hbm>>) dst(%dma_wait3A_918 : memref<40xi32, #tpu.memory_space<vmem>>)
      %dma_wait3A_921 = arith.constant 0 : i32
      %dma_wait3A_922 = arith.constant 0 : i32
      %dma_wait3A_923 = tpu.memref_slice %arg7[%dma_wait3A_921, %dma_wait3A_922] : memref<12x40xi32, #tpu.memory_space<vmem>> -> memref<1x40xi32, #tpu.memory_space<vmem>>
      %dma_wait3A_924 = tpu.memref_squeeze %dma_wait3A_923 : memref<1x40xi32, #tpu.memory_space<vmem>> -> memref<40xi32, #tpu.memory_space<vmem>>
      %dma_wait3A_925 = arith.constant 0 : i32
      %dma_wait3A_926 = arith.constant 0 : i32
      %dma_wait3A_927 = tpu.memref_slice %arg15[%dma_wait3A_925, %dma_wait3A_926] : memref<10000x128xf32, #tpu.memory_space<vmem_shared>> -> memref<10000x128xf32, #tpu.memory_space<vmem_shared>>
      tpu.wait_indirect_dma semaphore(%arg30 : memref<!tpu.dma_semaphore, #tpu.memory_space<semaphore_mem>>) src(%arg10 : memref<40x128xf32, #tpu.memory_space<vmem>>) dst(%dma_wait3A_927 : memref<10000x128xf32, #tpu.memory_space<vmem_shared>>)
      %rem3A_928 = arith.constant 12 : i32
      %rem3A_929 = arith.remsi %add3A_806, %rem3A_928 : i32
      %dma_start3A_930 = arith.constant 0 : i32
      %dma_start3A_931 = tpu.memref_slice %arg6[%rem3A_929, %dma_start3A_930] : memref<12x40xi32, #tpu.memory_space<vmem>> -> memref<1x40xi32, #tpu.memory_space<vmem>>
      %dma_start3A_932 = tpu.memref_squeeze %dma_start3A_931 : memref<1x40xi32, #tpu.memory_space<vmem>> -> memref<40xi32, #tpu.memory_space<vmem>>
      %dma_start3A_933 = arith.constant 0 : i32
      %dma_start3A_934 = arith.constant 0 : i32
      %dma_start3A_935 = tpu.memref_slice %arg4[%dma_start3A_933, %dma_start3A_934] : memref<20000x128xf32, #tpu.memory_space<hbm>> -> memref<20000x128xf32, #tpu.memory_space<hbm>>
      tpu.enqueue_indirect_dma source(%dma_start3A_935 : memref<20000x128xf32, #tpu.memory_space<hbm>>) target(%arg10 : memref<40x128xf32, #tpu.memory_space<vmem>>) offsets(%dma_start3A_932 : memref<40xi32, #tpu.memory_space<vmem>>) semaphore(%arg24 : memref<!tpu.dma_semaphore, #tpu.memory_space<semaphore_mem>>)
      %dma_wait3A_936 = arith.constant 0 : i32
      %dma_wait3A_937 = arith.constant 0 : i32
      %dma_wait3A_938 = tpu.memref_slice %arg6[%dma_wait3A_936, %dma_wait3A_937] : memref<12x40xi32, #tpu.memory_space<vmem>> -> memref<1x40xi32, #tpu.memory_space<vmem>>
      %dma_wait3A_939 = tpu.memref_squeeze %dma_wait3A_938 : memref<1x40xi32, #tpu.memory_space<vmem>> -> memref<40xi32, #tpu.memory_space<vmem>>
      %dma_wait3A_940 = arith.constant 0 : i32
      %dma_wait3A_941 = tpu.memref_slice %arg2[%dma_wait3A_940] : memref<320000xi32, #tpu.memory_space<hbm>> -> memref<40xi32, #tpu.memory_space<hbm>>
      %dma_wait3A_942 = arith.constant 0 : i32
      %dma_wait3A_943 = tpu.memref_slice %arg6[%dma_wait3A_936, %dma_wait3A_942] : memref<12x40xi32, #tpu.memory_space<vmem>> -> memref<1x40xi32, #tpu.memory_space<vmem>>
      %dma_wait3A_944 = tpu.memref_squeeze %dma_wait3A_943 : memref<1x40xi32, #tpu.memory_space<vmem>> -> memref<40xi32, #tpu.memory_space<vmem>>
      %dma_wait3A_945 = arith.constant 0 : i32
      %dma_wait3A_946 = tpu.memref_slice %arg2[%dma_wait3A_945] : memref<320000xi32, #tpu.memory_space<hbm>> -> memref<40xi32, #tpu.memory_space<hbm>>
      tpu.wait_dma2 semaphore(%arg19 : memref<!tpu.dma_semaphore, #tpu.memory_space<semaphore_mem>>) src(%dma_wait3A_946 : memref<40xi32, #tpu.memory_space<hbm>>) dst(%dma_wait3A_944 : memref<40xi32, #tpu.memory_space<vmem>>)
      %dma_wait3A_947 = arith.constant 0 : i32
      %dma_wait3A_948 = arith.constant 0 : i32
      %dma_wait3A_949 = tpu.memref_slice %arg7[%dma_wait3A_947, %dma_wait3A_948] : memref<12x40xi32, #tpu.memory_space<vmem>> -> memref<1x40xi32, #tpu.memory_space<vmem>>
      %dma_wait3A_950 = tpu.memref_squeeze %dma_wait3A_949 : memref<1x40xi32, #tpu.memory_space<vmem>> -> memref<40xi32, #tpu.memory_space<vmem>>
      %dma_wait3A_951 = arith.constant 0 : i32
      %dma_wait3A_952 = tpu.memref_slice %arg3[%dma_wait3A_951] : memref<320000xi32, #tpu.memory_space<hbm>> -> memref<40xi32, #tpu.memory_space<hbm>>
      %dma_wait3A_953 = arith.constant 0 : i32
      %dma_wait3A_954 = tpu.memref_slice %arg7[%dma_wait3A_947, %dma_wait3A_953] : memref<12x40xi32, #tpu.memory_space<vmem>> -> memref<1x40xi32, #tpu.memory_space<vmem>>
      %dma_wait3A_955 = tpu.memref_squeeze %dma_wait3A_954 : memref<1x40xi32, #tpu.memory_space<vmem>> -> memref<40xi32, #tpu.memory_space<vmem>>
      %dma_wait3A_956 = arith.constant 0 : i32
      %dma_wait3A_957 = tpu.memref_slice %arg3[%dma_wait3A_956] : memref<320000xi32, #tpu.memory_space<hbm>> -> memref<40xi32, #tpu.memory_space<hbm>>
      tpu.wait_dma2 semaphore(%arg19 : memref<!tpu.dma_semaphore, #tpu.memory_space<semaphore_mem>>) src(%dma_wait3A_957 : memref<40xi32, #tpu.memory_space<hbm>>) dst(%dma_wait3A_955 : memref<40xi32, #tpu.memory_space<vmem>>)
      %dma_wait3A_958 = arith.constant 0 : i32
      %dma_wait3A_959 = arith.constant 0 : i32
      %dma_wait3A_960 = tpu.memref_slice %arg7[%dma_wait3A_958, %dma_wait3A_959] : memref<12x40xi32, #tpu.memory_space<vmem>> -> memref<1x40xi32, #tpu.memory_space<vmem>>
      %dma_wait3A_961 = tpu.memref_squeeze %dma_wait3A_960 : memref<1x40xi32, #tpu.memory_space<vmem>> -> memref<40xi32, #tpu.memory_space<vmem>>
      %dma_wait3A_962 = arith.constant 0 : i32
      %dma_wait3A_963 = arith.constant 0 : i32
      %dma_wait3A_964 = tpu.memref_slice %arg15[%dma_wait3A_962, %dma_wait3A_963] : memref<10000x128xf32, #tpu.memory_space<vmem_shared>> -> memref<10000x128xf32, #tpu.memory_space<vmem_shared>>
      tpu.wait_indirect_dma semaphore(%arg31 : memref<!tpu.dma_semaphore, #tpu.memory_space<semaphore_mem>>) src(%arg11 : memref<40x128xf32, #tpu.memory_space<vmem>>) dst(%dma_wait3A_964 : memref<10000x128xf32, #tpu.memory_space<vmem_shared>>)
      %rem3A_965 = arith.constant 12 : i32
      %rem3A_966 = arith.remsi %add3A_812, %rem3A_965 : i32
      %dma_start3A_967 = arith.constant 0 : i32
      %dma_start3A_968 = tpu.memref_slice %arg6[%rem3A_966, %dma_start3A_967] : memref<12x40xi32, #tpu.memory_space<vmem>> -> memref<1x40xi32, #tpu.memory_space<vmem>>
      %dma_start3A_969 = tpu.memref_squeeze %dma_start3A_968 : memref<1x40xi32, #tpu.memory_space<vmem>> -> memref<40xi32, #tpu.memory_space<vmem>>
      %dma_start3A_970 = arith.constant 0 : i32
      %dma_start3A_971 = arith.constant 0 : i32
      %dma_start3A_972 = tpu.memref_slice %arg4[%dma_start3A_970, %dma_start3A_971] : memref<20000x128xf32, #tpu.memory_space<hbm>> -> memref<20000x128xf32, #tpu.memory_space<hbm>>
      tpu.enqueue_indirect_dma source(%dma_start3A_972 : memref<20000x128xf32, #tpu.memory_space<hbm>>) target(%arg11 : memref<40x128xf32, #tpu.memory_space<vmem>>) offsets(%dma_start3A_969 : memref<40xi32, #tpu.memory_space<vmem>>) semaphore(%arg25 : memref<!tpu.dma_semaphore, #tpu.memory_space<semaphore_mem>>)
      %dma_wait3A_973 = arith.constant 0 : i32
      %dma_wait3A_974 = arith.constant 0 : i32
      %dma_wait3A_975 = tpu.memref_slice %arg6[%dma_wait3A_973, %dma_wait3A_974] : memref<12x40xi32, #tpu.memory_space<vmem>> -> memref<1x40xi32, #tpu.memory_space<vmem>>
      %dma_wait3A_976 = tpu.memref_squeeze %dma_wait3A_975 : memref<1x40xi32, #tpu.memory_space<vmem>> -> memref<40xi32, #tpu.memory_space<vmem>>
      %dma_wait3A_977 = arith.constant 0 : i32
      %dma_wait3A_978 = tpu.memref_slice %arg2[%dma_wait3A_977] : memref<320000xi32, #tpu.memory_space<hbm>> -> memref<40xi32, #tpu.memory_space<hbm>>
      %dma_wait3A_979 = arith.constant 0 : i32
      %dma_wait3A_980 = tpu.memref_slice %arg6[%dma_wait3A_973, %dma_wait3A_979] : memref<12x40xi32, #tpu.memory_space<vmem>> -> memref<1x40xi32, #tpu.memory_space<vmem>>
      %dma_wait3A_981 = tpu.memref_squeeze %dma_wait3A_980 : memref<1x40xi32, #tpu.memory_space<vmem>> -> memref<40xi32, #tpu.memory_space<vmem>>
      %dma_wait3A_982 = arith.constant 0 : i32
      %dma_wait3A_983 = tpu.memref_slice %arg2[%dma_wait3A_982] : memref<320000xi32, #tpu.memory_space<hbm>> -> memref<40xi32, #tpu.memory_space<hbm>>
      tpu.wait_dma2 semaphore(%arg20 : memref<!tpu.dma_semaphore, #tpu.memory_space<semaphore_mem>>) src(%dma_wait3A_983 : memref<40xi32, #tpu.memory_space<hbm>>) dst(%dma_wait3A_981 : memref<40xi32, #tpu.memory_space<vmem>>)
      %dma_wait3A_984 = arith.constant 0 : i32
      %dma_wait3A_985 = arith.constant 0 : i32
      %dma_wait3A_986 = tpu.memref_slice %arg7[%dma_wait3A_984, %dma_wait3A_985] : memref<12x40xi32, #tpu.memory_space<vmem>> -> memref<1x40xi32, #tpu.memory_space<vmem>>
      %dma_wait3A_987 = tpu.memref_squeeze %dma_wait3A_986 : memref<1x40xi32, #tpu.memory_space<vmem>> -> memref<40xi32, #tpu.memory_space<vmem>>
      %dma_wait3A_988 = arith.constant 0 : i32
      %dma_wait3A_989 = tpu.memref_slice %arg3[%dma_wait3A_988] : memref<320000xi32, #tpu.memory_space<hbm>> -> memref<40xi32, #tpu.memory_space<hbm>>
      %dma_wait3A_990 = arith.constant 0 : i32
      %dma_wait3A_991 = tpu.memref_slice %arg7[%dma_wait3A_984, %dma_wait3A_990] : memref<12x40xi32, #tpu.memory_space<vmem>> -> memref<1x40xi32, #tpu.memory_space<vmem>>
      %dma_wait3A_992 = tpu.memref_squeeze %dma_wait3A_991 : memref<1x40xi32, #tpu.memory_space<vmem>> -> memref<40xi32, #tpu.memory_space<vmem>>
      %dma_wait3A_993 = arith.constant 0 : i32
      %dma_wait3A_994 = tpu.memref_slice %arg3[%dma_wait3A_993] : memref<320000xi32, #tpu.memory_space<hbm>> -> memref<40xi32, #tpu.memory_space<hbm>>
      tpu.wait_dma2 semaphore(%arg20 : memref<!tpu.dma_semaphore, #tpu.memory_space<semaphore_mem>>) src(%dma_wait3A_994 : memref<40xi32, #tpu.memory_space<hbm>>) dst(%dma_wait3A_992 : memref<40xi32, #tpu.memory_space<vmem>>)
      %gt3A = arith.constant 0 : i32
      %gt3A_995 = arith.cmpi sgt, %scan3A_788, %gt3A : i32
      %convert_element_type3A_996 = arith.extui %gt3A_995 : i1 to i32
      %cond3A_997 = arith.constant 0 : i32
      %cond3A_998 = arith.cmpi ne, %convert_element_type3A_996, %cond3A_997 : i32
      scf.if %cond3A_998 {
        %dma_wait3A_1173 = arith.constant 0 : i32
        %dma_wait3A_1174 = arith.constant 0 : i32
        %dma_wait3A_1175 = tpu.memref_slice %arg7[%dma_wait3A_1173, %dma_wait3A_1174] : memref<12x40xi32, #tpu.memory_space<vmem>> -> memref<1x40xi32, #tpu.memory_space<vmem>>
        %dma_wait3A_1176 = tpu.memref_squeeze %dma_wait3A_1175 : memref<1x40xi32, #tpu.memory_space<vmem>> -> memref<40xi32, #tpu.memory_space<vmem>>
        %dma_wait3A_1177 = arith.constant 0 : i32
        %dma_wait3A_1178 = arith.constant 0 : i32
        %dma_wait3A_1179 = tpu.memref_slice %arg15[%dma_wait3A_1177, %dma_wait3A_1178] : memref<10000x128xf32, #tpu.memory_space<vmem_shared>> -> memref<10000x128xf32, #tpu.memory_space<vmem_shared>>
        tpu.wait_indirect_dma semaphore(%arg32 : memref<!tpu.dma_semaphore, #tpu.memory_space<semaphore_mem>>) src(%arg12 : memref<40x128xf32, #tpu.memory_space<vmem>>) dst(%dma_wait3A_1179 : memref<10000x128xf32, #tpu.memory_space<vmem_shared>>)
      } else {
      }
      %rem3A_999 = arith.constant 12 : i32
      %rem3A_1000 = arith.remsi %add3A_818, %rem3A_999 : i32
      %dma_start3A_1001 = arith.constant 0 : i32
      %dma_start3A_1002 = tpu.memref_slice %arg6[%rem3A_1000, %dma_start3A_1001] : memref<12x40xi32, #tpu.memory_space<vmem>> -> memref<1x40xi32, #tpu.memory_space<vmem>>
      %dma_start3A_1003 = tpu.memref_squeeze %dma_start3A_1002 : memref<1x40xi32, #tpu.memory_space<vmem>> -> memref<40xi32, #tpu.memory_space<vmem>>
      %dma_start3A_1004 = arith.constant 0 : i32
      %dma_start3A_1005 = arith.constant 0 : i32
      %dma_start3A_1006 = tpu.memref_slice %arg4[%dma_start3A_1004, %dma_start3A_1005] : memref<20000x128xf32, #tpu.memory_space<hbm>> -> memref<20000x128xf32, #tpu.memory_space<hbm>>
      tpu.enqueue_indirect_dma source(%dma_start3A_1006 : memref<20000x128xf32, #tpu.memory_space<hbm>>) target(%arg12 : memref<40x128xf32, #tpu.memory_space<vmem>>) offsets(%dma_start3A_1003 : memref<40xi32, #tpu.memory_space<vmem>>) semaphore(%arg26 : memref<!tpu.dma_semaphore, #tpu.memory_space<semaphore_mem>>)
      %dma_wait3A_1007 = arith.constant 0 : i32
      %dma_wait3A_1008 = arith.constant 0 : i32
      %dma_wait3A_1009 = tpu.memref_slice %arg6[%dma_wait3A_1007, %dma_wait3A_1008] : memref<12x40xi32, #tpu.memory_space<vmem>> -> memref<1x40xi32, #tpu.memory_space<vmem>>
      %dma_wait3A_1010 = tpu.memref_squeeze %dma_wait3A_1009 : memref<1x40xi32, #tpu.memory_space<vmem>> -> memref<40xi32, #tpu.memory_space<vmem>>
      %dma_wait3A_1011 = arith.constant 0 : i32
      %dma_wait3A_1012 = tpu.memref_slice %arg2[%dma_wait3A_1011] : memref<320000xi32, #tpu.memory_space<hbm>> -> memref<40xi32, #tpu.memory_space<hbm>>
      %dma_wait3A_1013 = arith.constant 0 : i32
      %dma_wait3A_1014 = tpu.memref_slice %arg6[%dma_wait3A_1007, %dma_wait3A_1013] : memref<12x40xi32, #tpu.memory_space<vmem>> -> memref<1x40xi32, #tpu.memory_space<vmem>>
      %dma_wait3A_1015 = tpu.memref_squeeze %dma_wait3A_1014 : memref<1x40xi32, #tpu.memory_space<vmem>> -> memref<40xi32, #tpu.memory_space<vmem>>
      %dma_wait3A_1016 = arith.constant 0 : i32
      %dma_wait3A_1017 = tpu.memref_slice %arg2[%dma_wait3A_1016] : memref<320000xi32, #tpu.memory_space<hbm>> -> memref<40xi32, #tpu.memory_space<hbm>>
      tpu.wait_dma2 semaphore(%arg21 : memref<!tpu.dma_semaphore, #tpu.memory_space<semaphore_mem>>) src(%dma_wait3A_1017 : memref<40xi32, #tpu.memory_space<hbm>>) dst(%dma_wait3A_1015 : memref<40xi32, #tpu.memory_space<vmem>>)
      %dma_wait3A_1018 = arith.constant 0 : i32
      %dma_wait3A_1019 = arith.constant 0 : i32
      %dma_wait3A_1020 = tpu.memref_slice %arg7[%dma_wait3A_1018, %dma_wait3A_1019] : memref<12x40xi32, #tpu.memory_space<vmem>> -> memref<1x40xi32, #tpu.memory_space<vmem>>
      %dma_wait3A_1021 = tpu.memref_squeeze %dma_wait3A_1020 : memref<1x40xi32, #tpu.memory_space<vmem>> -> memref<40xi32, #tpu.memory_space<vmem>>
      %dma_wait3A_1022 = arith.constant 0 : i32
      %dma_wait3A_1023 = tpu.memref_slice %arg3[%dma_wait3A_1022] : memref<320000xi32, #tpu.memory_space<hbm>> -> memref<40xi32, #tpu.memory_space<hbm>>
      %dma_wait3A_1024 = arith.constant 0 : i32
      %dma_wait3A_1025 = tpu.memref_slice %arg7[%dma_wait3A_1018, %dma_wait3A_1024] : memref<12x40xi32, #tpu.memory_space<vmem>> -> memref<1x40xi32, #tpu.memory_space<vmem>>
      %dma_wait3A_1026 = tpu.memref_squeeze %dma_wait3A_1025 : memref<1x40xi32, #tpu.memory_space<vmem>> -> memref<40xi32, #tpu.memory_space<vmem>>
      %dma_wait3A_1027 = arith.constant 0 : i32
      %dma_wait3A_1028 = tpu.memref_slice %arg3[%dma_wait3A_1027] : memref<320000xi32, #tpu.memory_space<hbm>> -> memref<40xi32, #tpu.memory_space<hbm>>
      tpu.wait_dma2 semaphore(%arg21 : memref<!tpu.dma_semaphore, #tpu.memory_space<semaphore_mem>>) src(%dma_wait3A_1028 : memref<40xi32, #tpu.memory_space<hbm>>) dst(%dma_wait3A_1026 : memref<40xi32, #tpu.memory_space<vmem>>)
      %gt3A_1029 = arith.constant 0 : i32
      %gt3A_1030 = arith.cmpi sgt, %scan3A_788, %gt3A_1029 : i32
      %convert_element_type3A_1031 = arith.extui %gt3A_1030 : i1 to i32
      %cond3A_1032 = arith.constant 0 : i32
      %cond3A_1033 = arith.cmpi ne, %convert_element_type3A_1031, %cond3A_1032 : i32
      scf.if %cond3A_1033 {
        %dma_wait3A_1173 = arith.constant 0 : i32
        %dma_wait3A_1174 = arith.constant 0 : i32
        %dma_wait3A_1175 = tpu.memref_slice %arg7[%dma_wait3A_1173, %dma_wait3A_1174] : memref<12x40xi32, #tpu.memory_space<vmem>> -> memref<1x40xi32, #tpu.memory_space<vmem>>
        %dma_wait3A_1176 = tpu.memref_squeeze %dma_wait3A_1175 : memref<1x40xi32, #tpu.memory_space<vmem>> -> memref<40xi32, #tpu.memory_space<vmem>>
        %dma_wait3A_1177 = arith.constant 0 : i32
        %dma_wait3A_1178 = arith.constant 0 : i32
        %dma_wait3A_1179 = tpu.memref_slice %arg15[%dma_wait3A_1177, %dma_wait3A_1178] : memref<10000x128xf32, #tpu.memory_space<vmem_shared>> -> memref<10000x128xf32, #tpu.memory_space<vmem_shared>>
        tpu.wait_indirect_dma semaphore(%arg33 : memref<!tpu.dma_semaphore, #tpu.memory_space<semaphore_mem>>) src(%arg13 : memref<40x128xf32, #tpu.memory_space<vmem>>) dst(%dma_wait3A_1179 : memref<10000x128xf32, #tpu.memory_space<vmem_shared>>)
      } else {
      }
      %rem3A_1034 = arith.constant 12 : i32
      %rem3A_1035 = arith.remsi %add3A_824, %rem3A_1034 : i32
      %dma_start3A_1036 = arith.constant 0 : i32
      %dma_start3A_1037 = tpu.memref_slice %arg6[%rem3A_1035, %dma_start3A_1036] : memref<12x40xi32, #tpu.memory_space<vmem>> -> memref<1x40xi32, #tpu.memory_space<vmem>>
      %dma_start3A_1038 = tpu.memref_squeeze %dma_start3A_1037 : memref<1x40xi32, #tpu.memory_space<vmem>> -> memref<40xi32, #tpu.memory_space<vmem>>
      %dma_start3A_1039 = arith.constant 0 : i32
      %dma_start3A_1040 = arith.constant 0 : i32
      %dma_start3A_1041 = tpu.memref_slice %arg4[%dma_start3A_1039, %dma_start3A_1040] : memref<20000x128xf32, #tpu.memory_space<hbm>> -> memref<20000x128xf32, #tpu.memory_space<hbm>>
      tpu.enqueue_indirect_dma source(%dma_start3A_1041 : memref<20000x128xf32, #tpu.memory_space<hbm>>) target(%arg13 : memref<40x128xf32, #tpu.memory_space<vmem>>) offsets(%dma_start3A_1038 : memref<40xi32, #tpu.memory_space<vmem>>) semaphore(%arg27 : memref<!tpu.dma_semaphore, #tpu.memory_space<semaphore_mem>>)
      %add3A_1042 = arith.constant 6 : i32
      %add3A_1043 = arith.addi %add3A_794, %add3A_1042 : i32
      %lt3A = arith.constant 250 : i32
      %lt3A_1044 = arith.cmpi slt, %add3A_1043, %lt3A : i32
      %convert_element_type3A_1045 = arith.extui %lt3A_1044 : i1 to i32
      %cond3A_1046 = arith.constant 0 : i32
      %cond3A_1047 = arith.cmpi ne, %convert_element_type3A_1045, %cond3A_1046 : i32
      scf.if %cond3A_1047 {
        %add3A_1173 = arith.constant 6 : i32
        %add3A_1174 = arith.addi %add3A_794, %add3A_1173 : i32
        %rem3A_1175 = arith.constant 12 : i32
        %rem3A_1176 = arith.remsi %add3A_1174, %rem3A_1175 : i32
        %mul3A_1177 = arith.constant 40 : i32
        %mul3A_1178 = arith.muli %add3A_1174, %mul3A_1177 : i32
        %add3A_1179 = arith.addi %multiple_of3A, %mul3A_1178 : i32
        %multiple_of3A_1180 = tpu.assume_multiple %add3A_1179, 8 : i32
        %dma_start3A_1181 = arith.constant 0 : i32
        %dma_start3A_1182 = tpu.memref_slice %arg6[%rem3A_1176, %dma_start3A_1181] : memref<12x40xi32, #tpu.memory_space<vmem>> -> memref<1x40xi32, #tpu.memory_space<vmem>>
        %dma_start3A_1183 = tpu.memref_squeeze %dma_start3A_1182 : memref<1x40xi32, #tpu.memory_space<vmem>> -> memref<40xi32, #tpu.memory_space<vmem>>
        %dma_start3A_1184 = tpu.memref_slice %arg2[%multiple_of3A_1180] : memref<320000xi32, #tpu.memory_space<hbm>> -> memref<40xi32, #tpu.memory_space<hbm>>
        %dma_start3A_1185 = arith.constant 0 : i32
        %dma_start3A_1186 = tpu.memref_slice %arg6[%rem3A_1176, %dma_start3A_1185] : memref<12x40xi32, #tpu.memory_space<vmem>> -> memref<1x40xi32, #tpu.memory_space<vmem>>
        %dma_start3A_1187 = tpu.memref_squeeze %dma_start3A_1186 : memref<1x40xi32, #tpu.memory_space<vmem>> -> memref<40xi32, #tpu.memory_space<vmem>>
        %dma_start3A_1188 = tpu.memref_slice %arg2[%multiple_of3A_1180] : memref<320000xi32, #tpu.memory_space<hbm>> -> memref<40xi32, #tpu.memory_space<hbm>>
        tpu.enqueue_dma source(%dma_start3A_1188 : memref<40xi32, #tpu.memory_space<hbm>>) target(%dma_start3A_1187 : memref<40xi32, #tpu.memory_space<vmem>>) target_semaphore(%arg16 : memref<!tpu.dma_semaphore, #tpu.memory_space<semaphore_mem>>)
        %dma_start3A_1189 = arith.constant 0 : i32
        %dma_start3A_1190 = tpu.memref_slice %arg7[%rem3A_1176, %dma_start3A_1189] : memref<12x40xi32, #tpu.memory_space<vmem>> -> memref<1x40xi32, #tpu.memory_space<vmem>>
        %dma_start3A_1191 = tpu.memref_squeeze %dma_start3A_1190 : memref<1x40xi32, #tpu.memory_space<vmem>> -> memref<40xi32, #tpu.memory_space<vmem>>
        %dma_start3A_1192 = tpu.memref_slice %arg3[%multiple_of3A_1180] : memref<320000xi32, #tpu.memory_space<hbm>> -> memref<40xi32, #tpu.memory_space<hbm>>
        %dma_start3A_1193 = arith.constant 0 : i32
        %dma_start3A_1194 = tpu.memref_slice %arg7[%rem3A_1176, %dma_start3A_1193] : memref<12x40xi32, #tpu.memory_space<vmem>> -> memref<1x40xi32, #tpu.memory_space<vmem>>
        %dma_start3A_1195 = tpu.memref_squeeze %dma_start3A_1194 : memref<1x40xi32, #tpu.memory_space<vmem>> -> memref<40xi32, #tpu.memory_space<vmem>>
        %dma_start3A_1196 = tpu.memref_slice %arg3[%multiple_of3A_1180] : memref<320000xi32, #tpu.memory_space<hbm>> -> memref<40xi32, #tpu.memory_space<hbm>>
        tpu.enqueue_dma source(%dma_start3A_1196 : memref<40xi32, #tpu.memory_space<hbm>>) target(%dma_start3A_1195 : memref<40xi32, #tpu.memory_space<vmem>>) target_semaphore(%arg16 : memref<!tpu.dma_semaphore, #tpu.memory_space<semaphore_mem>>)
      } else {
      }
      %add3A_1048 = arith.constant 6 : i32
      %add3A_1049 = arith.addi %add3A_800, %add3A_1048 : i32
      %lt3A_1050 = arith.constant 250 : i32
      %lt3A_1051 = arith.cmpi slt, %add3A_1049, %lt3A_1050 : i32
      %convert_element_type3A_1052 = arith.extui %lt3A_1051 : i1 to i32
      %cond3A_1053 = arith.constant 0 : i32
      %cond3A_1054 = arith.cmpi ne, %convert_element_type3A_1052, %cond3A_1053 : i32
      scf.if %cond3A_1054 {
        %add3A_1173 = arith.constant 6 : i32
        %add3A_1174 = arith.addi %add3A_800, %add3A_1173 : i32
        %rem3A_1175 = arith.constant 12 : i32
        %rem3A_1176 = arith.remsi %add3A_1174, %rem3A_1175 : i32
        %mul3A_1177 = arith.constant 40 : i32
        %mul3A_1178 = arith.muli %add3A_1174, %mul3A_1177 : i32
        %add3A_1179 = arith.addi %multiple_of3A, %mul3A_1178 : i32
        %multiple_of3A_1180 = tpu.assume_multiple %add3A_1179, 8 : i32
        %dma_start3A_1181 = arith.constant 0 : i32
        %dma_start3A_1182 = tpu.memref_slice %arg6[%rem3A_1176, %dma_start3A_1181] : memref<12x40xi32, #tpu.memory_space<vmem>> -> memref<1x40xi32, #tpu.memory_space<vmem>>
        %dma_start3A_1183 = tpu.memref_squeeze %dma_start3A_1182 : memref<1x40xi32, #tpu.memory_space<vmem>> -> memref<40xi32, #tpu.memory_space<vmem>>
        %dma_start3A_1184 = tpu.memref_slice %arg2[%multiple_of3A_1180] : memref<320000xi32, #tpu.memory_space<hbm>> -> memref<40xi32, #tpu.memory_space<hbm>>
        %dma_start3A_1185 = arith.constant 0 : i32
        %dma_start3A_1186 = tpu.memref_slice %arg6[%rem3A_1176, %dma_start3A_1185] : memref<12x40xi32, #tpu.memory_space<vmem>> -> memref<1x40xi32, #tpu.memory_space<vmem>>
        %dma_start3A_1187 = tpu.memref_squeeze %dma_start3A_1186 : memref<1x40xi32, #tpu.memory_space<vmem>> -> memref<40xi32, #tpu.memory_space<vmem>>
        %dma_start3A_1188 = tpu.memref_slice %arg2[%multiple_of3A_1180] : memref<320000xi32, #tpu.memory_space<hbm>> -> memref<40xi32, #tpu.memory_space<hbm>>
        tpu.enqueue_dma source(%dma_start3A_1188 : memref<40xi32, #tpu.memory_space<hbm>>) target(%dma_start3A_1187 : memref<40xi32, #tpu.memory_space<vmem>>) target_semaphore(%arg17 : memref<!tpu.dma_semaphore, #tpu.memory_space<semaphore_mem>>)
        %dma_start3A_1189 = arith.constant 0 : i32
        %dma_start3A_1190 = tpu.memref_slice %arg7[%rem3A_1176, %dma_start3A_1189] : memref<12x40xi32, #tpu.memory_space<vmem>> -> memref<1x40xi32, #tpu.memory_space<vmem>>
        %dma_start3A_1191 = tpu.memref_squeeze %dma_start3A_1190 : memref<1x40xi32, #tpu.memory_space<vmem>> -> memref<40xi32, #tpu.memory_space<vmem>>
        %dma_start3A_1192 = tpu.memref_slice %arg3[%multiple_of3A_1180] : memref<320000xi32, #tpu.memory_space<hbm>> -> memref<40xi32, #tpu.memory_space<hbm>>
        %dma_start3A_1193 = arith.constant 0 : i32
        %dma_start3A_1194 = tpu.memref_slice %arg7[%rem3A_1176, %dma_start3A_1193] : memref<12x40xi32, #tpu.memory_space<vmem>> -> memref<1x40xi32, #tpu.memory_space<vmem>>
        %dma_start3A_1195 = tpu.memref_squeeze %dma_start3A_1194 : memref<1x40xi32, #tpu.memory_space<vmem>> -> memref<40xi32, #tpu.memory_space<vmem>>
        %dma_start3A_1196 = tpu.memref_slice %arg3[%multiple_of3A_1180] : memref<320000xi32, #tpu.memory_space<hbm>> -> memref<40xi32, #tpu.memory_space<hbm>>
        tpu.enqueue_dma source(%dma_start3A_1196 : memref<40xi32, #tpu.memory_space<hbm>>) target(%dma_start3A_1195 : memref<40xi32, #tpu.memory_space<vmem>>) target_semaphore(%arg17 : memref<!tpu.dma_semaphore, #tpu.memory_space<semaphore_mem>>)
      } else {
      }
      %add3A_1055 = arith.constant 6 : i32
      %add3A_1056 = arith.addi %add3A_806, %add3A_1055 : i32
      %lt3A_1057 = arith.constant 250 : i32
      %lt3A_1058 = arith.cmpi slt, %add3A_1056, %lt3A_1057 : i32
      %convert_element_type3A_1059 = arith.extui %lt3A_1058 : i1 to i32
      %cond3A_1060 = arith.constant 0 : i32
      %cond3A_1061 = arith.cmpi ne, %convert_element_type3A_1059, %cond3A_1060 : i32
      scf.if %cond3A_1061 {
        %add3A_1173 = arith.constant 6 : i32
        %add3A_1174 = arith.addi %add3A_806, %add3A_1173 : i32
        %rem3A_1175 = arith.constant 12 : i32
        %rem3A_1176 = arith.remsi %add3A_1174, %rem3A_1175 : i32
        %mul3A_1177 = arith.constant 40 : i32
        %mul3A_1178 = arith.muli %add3A_1174, %mul3A_1177 : i32
        %add3A_1179 = arith.addi %multiple_of3A, %mul3A_1178 : i32
        %multiple_of3A_1180 = tpu.assume_multiple %add3A_1179, 8 : i32
        %dma_start3A_1181 = arith.constant 0 : i32
        %dma_start3A_1182 = tpu.memref_slice %arg6[%rem3A_1176, %dma_start3A_1181] : memref<12x40xi32, #tpu.memory_space<vmem>> -> memref<1x40xi32, #tpu.memory_space<vmem>>
        %dma_start3A_1183 = tpu.memref_squeeze %dma_start3A_1182 : memref<1x40xi32, #tpu.memory_space<vmem>> -> memref<40xi32, #tpu.memory_space<vmem>>
        %dma_start3A_1184 = tpu.memref_slice %arg2[%multiple_of3A_1180] : memref<320000xi32, #tpu.memory_space<hbm>> -> memref<40xi32, #tpu.memory_space<hbm>>
        %dma_start3A_1185 = arith.constant 0 : i32
        %dma_start3A_1186 = tpu.memref_slice %arg6[%rem3A_1176, %dma_start3A_1185] : memref<12x40xi32, #tpu.memory_space<vmem>> -> memref<1x40xi32, #tpu.memory_space<vmem>>
        %dma_start3A_1187 = tpu.memref_squeeze %dma_start3A_1186 : memref<1x40xi32, #tpu.memory_space<vmem>> -> memref<40xi32, #tpu.memory_space<vmem>>
        %dma_start3A_1188 = tpu.memref_slice %arg2[%multiple_of3A_1180] : memref<320000xi32, #tpu.memory_space<hbm>> -> memref<40xi32, #tpu.memory_space<hbm>>
        tpu.enqueue_dma source(%dma_start3A_1188 : memref<40xi32, #tpu.memory_space<hbm>>) target(%dma_start3A_1187 : memref<40xi32, #tpu.memory_space<vmem>>) target_semaphore(%arg18 : memref<!tpu.dma_semaphore, #tpu.memory_space<semaphore_mem>>)
        %dma_start3A_1189 = arith.constant 0 : i32
        %dma_start3A_1190 = tpu.memref_slice %arg7[%rem3A_1176, %dma_start3A_1189] : memref<12x40xi32, #tpu.memory_space<vmem>> -> memref<1x40xi32, #tpu.memory_space<vmem>>
        %dma_start3A_1191 = tpu.memref_squeeze %dma_start3A_1190 : memref<1x40xi32, #tpu.memory_space<vmem>> -> memref<40xi32, #tpu.memory_space<vmem>>
        %dma_start3A_1192 = tpu.memref_slice %arg3[%multiple_of3A_1180] : memref<320000xi32, #tpu.memory_space<hbm>> -> memref<40xi32, #tpu.memory_space<hbm>>
        %dma_start3A_1193 = arith.constant 0 : i32
        %dma_start3A_1194 = tpu.memref_slice %arg7[%rem3A_1176, %dma_start3A_1193] : memref<12x40xi32, #tpu.memory_space<vmem>> -> memref<1x40xi32, #tpu.memory_space<vmem>>
        %dma_start3A_1195 = tpu.memref_squeeze %dma_start3A_1194 : memref<1x40xi32, #tpu.memory_space<vmem>> -> memref<40xi32, #tpu.memory_space<vmem>>
        %dma_start3A_1196 = tpu.memref_slice %arg3[%multiple_of3A_1180] : memref<320000xi32, #tpu.memory_space<hbm>> -> memref<40xi32, #tpu.memory_space<hbm>>
        tpu.enqueue_dma source(%dma_start3A_1196 : memref<40xi32, #tpu.memory_space<hbm>>) target(%dma_start3A_1195 : memref<40xi32, #tpu.memory_space<vmem>>) target_semaphore(%arg18 : memref<!tpu.dma_semaphore, #tpu.memory_space<semaphore_mem>>)
      } else {
      }
      %add3A_1062 = arith.constant 6 : i32
      %add3A_1063 = arith.addi %add3A_812, %add3A_1062 : i32
      %lt3A_1064 = arith.constant 250 : i32
      %lt3A_1065 = arith.cmpi slt, %add3A_1063, %lt3A_1064 : i32
      %convert_element_type3A_1066 = arith.extui %lt3A_1065 : i1 to i32
      %cond3A_1067 = arith.constant 0 : i32
      %cond3A_1068 = arith.cmpi ne, %convert_element_type3A_1066, %cond3A_1067 : i32
      scf.if %cond3A_1068 {
        %add3A_1173 = arith.constant 6 : i32
        %add3A_1174 = arith.addi %add3A_812, %add3A_1173 : i32
        %rem3A_1175 = arith.constant 12 : i32
        %rem3A_1176 = arith.remsi %add3A_1174, %rem3A_1175 : i32
        %mul3A_1177 = arith.constant 40 : i32
        %mul3A_1178 = arith.muli %add3A_1174, %mul3A_1177 : i32
        %add3A_1179 = arith.addi %multiple_of3A, %mul3A_1178 : i32
        %multiple_of3A_1180 = tpu.assume_multiple %add3A_1179, 8 : i32
        %dma_start3A_1181 = arith.constant 0 : i32
        %dma_start3A_1182 = tpu.memref_slice %arg6[%rem3A_1176, %dma_start3A_1181] : memref<12x40xi32, #tpu.memory_space<vmem>> -> memref<1x40xi32, #tpu.memory_space<vmem>>
        %dma_start3A_1183 = tpu.memref_squeeze %dma_start3A_1182 : memref<1x40xi32, #tpu.memory_space<vmem>> -> memref<40xi32, #tpu.memory_space<vmem>>
        %dma_start3A_1184 = tpu.memref_slice %arg2[%multiple_of3A_1180] : memref<320000xi32, #tpu.memory_space<hbm>> -> memref<40xi32, #tpu.memory_space<hbm>>
        %dma_start3A_1185 = arith.constant 0 : i32
        %dma_start3A_1186 = tpu.memref_slice %arg6[%rem3A_1176, %dma_start3A_1185] : memref<12x40xi32, #tpu.memory_space<vmem>> -> memref<1x40xi32, #tpu.memory_space<vmem>>
        %dma_start3A_1187 = tpu.memref_squeeze %dma_start3A_1186 : memref<1x40xi32, #tpu.memory_space<vmem>> -> memref<40xi32, #tpu.memory_space<vmem>>
        %dma_start3A_1188 = tpu.memref_slice %arg2[%multiple_of3A_1180] : memref<320000xi32, #tpu.memory_space<hbm>> -> memref<40xi32, #tpu.memory_space<hbm>>
        tpu.enqueue_dma source(%dma_start3A_1188 : memref<40xi32, #tpu.memory_space<hbm>>) target(%dma_start3A_1187 : memref<40xi32, #tpu.memory_space<vmem>>) target_semaphore(%arg19 : memref<!tpu.dma_semaphore, #tpu.memory_space<semaphore_mem>>)
        %dma_start3A_1189 = arith.constant 0 : i32
        %dma_start3A_1190 = tpu.memref_slice %arg7[%rem3A_1176, %dma_start3A_1189] : memref<12x40xi32, #tpu.memory_space<vmem>> -> memref<1x40xi32, #tpu.memory_space<vmem>>
        %dma_start3A_1191 = tpu.memref_squeeze %dma_start3A_1190 : memref<1x40xi32, #tpu.memory_space<vmem>> -> memref<40xi32, #tpu.memory_space<vmem>>
        %dma_start3A_1192 = tpu.memref_slice %arg3[%multiple_of3A_1180] : memref<320000xi32, #tpu.memory_space<hbm>> -> memref<40xi32, #tpu.memory_space<hbm>>
        %dma_start3A_1193 = arith.constant 0 : i32
        %dma_start3A_1194 = tpu.memref_slice %arg7[%rem3A_1176, %dma_start3A_1193] : memref<12x40xi32, #tpu.memory_space<vmem>> -> memref<1x40xi32, #tpu.memory_space<vmem>>
        %dma_start3A_1195 = tpu.memref_squeeze %dma_start3A_1194 : memref<1x40xi32, #tpu.memory_space<vmem>> -> memref<40xi32, #tpu.memory_space<vmem>>
        %dma_start3A_1196 = tpu.memref_slice %arg3[%multiple_of3A_1180] : memref<320000xi32, #tpu.memory_space<hbm>> -> memref<40xi32, #tpu.memory_space<hbm>>
        tpu.enqueue_dma source(%dma_start3A_1196 : memref<40xi32, #tpu.memory_space<hbm>>) target(%dma_start3A_1195 : memref<40xi32, #tpu.memory_space<vmem>>) target_semaphore(%arg19 : memref<!tpu.dma_semaphore, #tpu.memory_space<semaphore_mem>>)
      } else {
      }
      %add3A_1069 = arith.constant 6 : i32
      %add3A_1070 = arith.addi %add3A_818, %add3A_1069 : i32
      %lt3A_1071 = arith.constant 250 : i32
      %lt3A_1072 = arith.cmpi slt, %add3A_1070, %lt3A_1071 : i32
      %convert_element_type3A_1073 = arith.extui %lt3A_1072 : i1 to i32
      %cond3A_1074 = arith.constant 0 : i32
      %cond3A_1075 = arith.cmpi ne, %convert_element_type3A_1073, %cond3A_1074 : i32
      scf.if %cond3A_1075 {
        %add3A_1173 = arith.constant 6 : i32
        %add3A_1174 = arith.addi %add3A_818, %add3A_1173 : i32
        %rem3A_1175 = arith.constant 12 : i32
        %rem3A_1176 = arith.remsi %add3A_1174, %rem3A_1175 : i32
        %mul3A_1177 = arith.constant 40 : i32
        %mul3A_1178 = arith.muli %add3A_1174, %mul3A_1177 : i32
        %add3A_1179 = arith.addi %multiple_of3A, %mul3A_1178 : i32
        %multiple_of3A_1180 = tpu.assume_multiple %add3A_1179, 8 : i32
        %dma_start3A_1181 = arith.constant 0 : i32
        %dma_start3A_1182 = tpu.memref_slice %arg6[%rem3A_1176, %dma_start3A_1181] : memref<12x40xi32, #tpu.memory_space<vmem>> -> memref<1x40xi32, #tpu.memory_space<vmem>>
        %dma_start3A_1183 = tpu.memref_squeeze %dma_start3A_1182 : memref<1x40xi32, #tpu.memory_space<vmem>> -> memref<40xi32, #tpu.memory_space<vmem>>
        %dma_start3A_1184 = tpu.memref_slice %arg2[%multiple_of3A_1180] : memref<320000xi32, #tpu.memory_space<hbm>> -> memref<40xi32, #tpu.memory_space<hbm>>
        %dma_start3A_1185 = arith.constant 0 : i32
        %dma_start3A_1186 = tpu.memref_slice %arg6[%rem3A_1176, %dma_start3A_1185] : memref<12x40xi32, #tpu.memory_space<vmem>> -> memref<1x40xi32, #tpu.memory_space<vmem>>
        %dma_start3A_1187 = tpu.memref_squeeze %dma_start3A_1186 : memref<1x40xi32, #tpu.memory_space<vmem>> -> memref<40xi32, #tpu.memory_space<vmem>>
        %dma_start3A_1188 = tpu.memref_slice %arg2[%multiple_of3A_1180] : memref<320000xi32, #tpu.memory_space<hbm>> -> memref<40xi32, #tpu.memory_space<hbm>>
        tpu.enqueue_dma source(%dma_start3A_1188 : memref<40xi32, #tpu.memory_space<hbm>>) target(%dma_start3A_1187 : memref<40xi32, #tpu.memory_space<vmem>>) target_semaphore(%arg20 : memref<!tpu.dma_semaphore, #tpu.memory_space<semaphore_mem>>)
        %dma_start3A_1189 = arith.constant 0 : i32
        %dma_start3A_1190 = tpu.memref_slice %arg7[%rem3A_1176, %dma_start3A_1189] : memref<12x40xi32, #tpu.memory_space<vmem>> -> memref<1x40xi32, #tpu.memory_space<vmem>>
        %dma_start3A_1191 = tpu.memref_squeeze %dma_start3A_1190 : memref<1x40xi32, #tpu.memory_space<vmem>> -> memref<40xi32, #tpu.memory_space<vmem>>
        %dma_start3A_1192 = tpu.memref_slice %arg3[%multiple_of3A_1180] : memref<320000xi32, #tpu.memory_space<hbm>> -> memref<40xi32, #tpu.memory_space<hbm>>
        %dma_start3A_1193 = arith.constant 0 : i32
        %dma_start3A_1194 = tpu.memref_slice %arg7[%rem3A_1176, %dma_start3A_1193] : memref<12x40xi32, #tpu.memory_space<vmem>> -> memref<1x40xi32, #tpu.memory_space<vmem>>
        %dma_start3A_1195 = tpu.memref_squeeze %dma_start3A_1194 : memref<1x40xi32, #tpu.memory_space<vmem>> -> memref<40xi32, #tpu.memory_space<vmem>>
        %dma_start3A_1196 = tpu.memref_slice %arg3[%multiple_of3A_1180] : memref<320000xi32, #tpu.memory_space<hbm>> -> memref<40xi32, #tpu.memory_space<hbm>>
        tpu.enqueue_dma source(%dma_start3A_1196 : memref<40xi32, #tpu.memory_space<hbm>>) target(%dma_start3A_1195 : memref<40xi32, #tpu.memory_space<vmem>>) target_semaphore(%arg20 : memref<!tpu.dma_semaphore, #tpu.memory_space<semaphore_mem>>)
      } else {
      }
      %add3A_1076 = arith.constant 6 : i32
      %add3A_1077 = arith.addi %add3A_824, %add3A_1076 : i32
      %lt3A_1078 = arith.constant 250 : i32
      %lt3A_1079 = arith.cmpi slt, %add3A_1077, %lt3A_1078 : i32
      %convert_element_type3A_1080 = arith.extui %lt3A_1079 : i1 to i32
      %cond3A_1081 = arith.constant 0 : i32
      %cond3A_1082 = arith.cmpi ne, %convert_element_type3A_1080, %cond3A_1081 : i32
      scf.if %cond3A_1082 {
        %add3A_1173 = arith.constant 6 : i32
        %add3A_1174 = arith.addi %add3A_824, %add3A_1173 : i32
        %rem3A_1175 = arith.constant 12 : i32
        %rem3A_1176 = arith.remsi %add3A_1174, %rem3A_1175 : i32
        %mul3A_1177 = arith.constant 40 : i32
        %mul3A_1178 = arith.muli %add3A_1174, %mul3A_1177 : i32
        %add3A_1179 = arith.addi %multiple_of3A, %mul3A_1178 : i32
        %multiple_of3A_1180 = tpu.assume_multiple %add3A_1179, 8 : i32
        %dma_start3A_1181 = arith.constant 0 : i32
        %dma_start3A_1182 = tpu.memref_slice %arg6[%rem3A_1176, %dma_start3A_1181] : memref<12x40xi32, #tpu.memory_space<vmem>> -> memref<1x40xi32, #tpu.memory_space<vmem>>
        %dma_start3A_1183 = tpu.memref_squeeze %dma_start3A_1182 : memref<1x40xi32, #tpu.memory_space<vmem>> -> memref<40xi32, #tpu.memory_space<vmem>>
        %dma_start3A_1184 = tpu.memref_slice %arg2[%multiple_of3A_1180] : memref<320000xi32, #tpu.memory_space<hbm>> -> memref<40xi32, #tpu.memory_space<hbm>>
        %dma_start3A_1185 = arith.constant 0 : i32
        %dma_start3A_1186 = tpu.memref_slice %arg6[%rem3A_1176, %dma_start3A_1185] : memref<12x40xi32, #tpu.memory_space<vmem>> -> memref<1x40xi32, #tpu.memory_space<vmem>>
        %dma_start3A_1187 = tpu.memref_squeeze %dma_start3A_1186 : memref<1x40xi32, #tpu.memory_space<vmem>> -> memref<40xi32, #tpu.memory_space<vmem>>
        %dma_start3A_1188 = tpu.memref_slice %arg2[%multiple_of3A_1180] : memref<320000xi32, #tpu.memory_space<hbm>> -> memref<40xi32, #tpu.memory_space<hbm>>
        tpu.enqueue_dma source(%dma_start3A_1188 : memref<40xi32, #tpu.memory_space<hbm>>) target(%dma_start3A_1187 : memref<40xi32, #tpu.memory_space<vmem>>) target_semaphore(%arg21 : memref<!tpu.dma_semaphore, #tpu.memory_space<semaphore_mem>>)
        %dma_start3A_1189 = arith.constant 0 : i32
        %dma_start3A_1190 = tpu.memref_slice %arg7[%rem3A_1176, %dma_start3A_1189] : memref<12x40xi32, #tpu.memory_space<vmem>> -> memref<1x40xi32, #tpu.memory_space<vmem>>
        %dma_start3A_1191 = tpu.memref_squeeze %dma_start3A_1190 : memref<1x40xi32, #tpu.memory_space<vmem>> -> memref<40xi32, #tpu.memory_space<vmem>>
        %dma_start3A_1192 = tpu.memref_slice %arg3[%multiple_of3A_1180] : memref<320000xi32, #tpu.memory_space<hbm>> -> memref<40xi32, #tpu.memory_space<hbm>>
        %dma_start3A_1193 = arith.constant 0 : i32
        %dma_start3A_1194 = tpu.memref_slice %arg7[%rem3A_1176, %dma_start3A_1193] : memref<12x40xi32, #tpu.memory_space<vmem>> -> memref<1x40xi32, #tpu.memory_space<vmem>>
        %dma_start3A_1195 = tpu.memref_squeeze %dma_start3A_1194 : memref<1x40xi32, #tpu.memory_space<vmem>> -> memref<40xi32, #tpu.memory_space<vmem>>
        %dma_start3A_1196 = tpu.memref_slice %arg3[%multiple_of3A_1180] : memref<320000xi32, #tpu.memory_space<hbm>> -> memref<40xi32, #tpu.memory_space<hbm>>
        tpu.enqueue_dma source(%dma_start3A_1196 : memref<40xi32, #tpu.memory_space<hbm>>) target(%dma_start3A_1195 : memref<40xi32, #tpu.memory_space<vmem>>) target_semaphore(%arg21 : memref<!tpu.dma_semaphore, #tpu.memory_space<semaphore_mem>>)
      } else {
      }
      %dma_wait3A_1083 = arith.constant 0 : i32
      %dma_wait3A_1084 = arith.constant 0 : i32
      %dma_wait3A_1085 = tpu.memref_slice %arg6[%dma_wait3A_1083, %dma_wait3A_1084] : memref<12x40xi32, #tpu.memory_space<vmem>> -> memref<1x40xi32, #tpu.memory_space<vmem>>
      %dma_wait3A_1086 = tpu.memref_squeeze %dma_wait3A_1085 : memref<1x40xi32, #tpu.memory_space<vmem>> -> memref<40xi32, #tpu.memory_space<vmem>>
      %dma_wait3A_1087 = arith.constant 0 : i32
      %dma_wait3A_1088 = arith.constant 0 : i32
      %dma_wait3A_1089 = tpu.memref_slice %arg4[%dma_wait3A_1087, %dma_wait3A_1088] : memref<20000x128xf32, #tpu.memory_space<hbm>> -> memref<20000x128xf32, #tpu.memory_space<hbm>>
      tpu.wait_indirect_dma semaphore(%arg22 : memref<!tpu.dma_semaphore, #tpu.memory_space<semaphore_mem>>) src(%dma_wait3A_1089 : memref<20000x128xf32, #tpu.memory_space<hbm>>) dst(%arg8 : memref<40x128xf32, #tpu.memory_space<vmem>>)
      %rem3A_1090 = arith.constant 12 : i32
      %rem3A_1091 = arith.remsi %add3A_794, %rem3A_1090 : i32
      %dma_start3A_1092 = arith.constant 0 : i32
      %dma_start3A_1093 = tpu.memref_slice %arg7[%rem3A_1091, %dma_start3A_1092] : memref<12x40xi32, #tpu.memory_space<vmem>> -> memref<1x40xi32, #tpu.memory_space<vmem>>
      %dma_start3A_1094 = tpu.memref_squeeze %dma_start3A_1093 : memref<1x40xi32, #tpu.memory_space<vmem>> -> memref<40xi32, #tpu.memory_space<vmem>>
      %dma_start3A_1095 = arith.constant 0 : i32
      %dma_start3A_1096 = arith.constant 0 : i32
      %dma_start3A_1097 = tpu.memref_slice %arg15[%dma_start3A_1095, %dma_start3A_1096] : memref<10000x128xf32, #tpu.memory_space<vmem_shared>> -> memref<10000x128xf32, #tpu.memory_space<vmem_shared>>
      tpu.enqueue_indirect_dma source(%arg8 : memref<40x128xf32, #tpu.memory_space<vmem>>) target(%dma_start3A_1097 : memref<10000x128xf32, #tpu.memory_space<vmem_shared>>) offsets(%dma_start3A_1094 : memref<40xi32, #tpu.memory_space<vmem>>) semaphore(%arg28 : memref<!tpu.dma_semaphore, #tpu.memory_space<semaphore_mem>>) {add = true}
      %dma_wait3A_1098 = arith.constant 0 : i32
      %dma_wait3A_1099 = arith.constant 0 : i32
      %dma_wait3A_1100 = tpu.memref_slice %arg6[%dma_wait3A_1098, %dma_wait3A_1099] : memref<12x40xi32, #tpu.memory_space<vmem>> -> memref<1x40xi32, #tpu.memory_space<vmem>>
      %dma_wait3A_1101 = tpu.memref_squeeze %dma_wait3A_1100 : memref<1x40xi32, #tpu.memory_space<vmem>> -> memref<40xi32, #tpu.memory_space<vmem>>
      %dma_wait3A_1102 = arith.constant 0 : i32
      %dma_wait3A_1103 = arith.constant 0 : i32
      %dma_wait3A_1104 = tpu.memref_slice %arg4[%dma_wait3A_1102, %dma_wait3A_1103] : memref<20000x128xf32, #tpu.memory_space<hbm>> -> memref<20000x128xf32, #tpu.memory_space<hbm>>
      tpu.wait_indirect_dma semaphore(%arg23 : memref<!tpu.dma_semaphore, #tpu.memory_space<semaphore_mem>>) src(%dma_wait3A_1104 : memref<20000x128xf32, #tpu.memory_space<hbm>>) dst(%arg9 : memref<40x128xf32, #tpu.memory_space<vmem>>)
      %rem3A_1105 = arith.constant 12 : i32
      %rem3A_1106 = arith.remsi %add3A_800, %rem3A_1105 : i32
      %dma_start3A_1107 = arith.constant 0 : i32
      %dma_start3A_1108 = tpu.memref_slice %arg7[%rem3A_1106, %dma_start3A_1107] : memref<12x40xi32, #tpu.memory_space<vmem>> -> memref<1x40xi32, #tpu.memory_space<vmem>>
      %dma_start3A_1109 = tpu.memref_squeeze %dma_start3A_1108 : memref<1x40xi32, #tpu.memory_space<vmem>> -> memref<40xi32, #tpu.memory_space<vmem>>
      %dma_start3A_1110 = arith.constant 0 : i32
      %dma_start3A_1111 = arith.constant 0 : i32
      %dma_start3A_1112 = tpu.memref_slice %arg15[%dma_start3A_1110, %dma_start3A_1111] : memref<10000x128xf32, #tpu.memory_space<vmem_shared>> -> memref<10000x128xf32, #tpu.memory_space<vmem_shared>>
      tpu.enqueue_indirect_dma source(%arg9 : memref<40x128xf32, #tpu.memory_space<vmem>>) target(%dma_start3A_1112 : memref<10000x128xf32, #tpu.memory_space<vmem_shared>>) offsets(%dma_start3A_1109 : memref<40xi32, #tpu.memory_space<vmem>>) semaphore(%arg29 : memref<!tpu.dma_semaphore, #tpu.memory_space<semaphore_mem>>) {add = true}
      %dma_wait3A_1113 = arith.constant 0 : i32
      %dma_wait3A_1114 = arith.constant 0 : i32
      %dma_wait3A_1115 = tpu.memref_slice %arg6[%dma_wait3A_1113, %dma_wait3A_1114] : memref<12x40xi32, #tpu.memory_space<vmem>> -> memref<1x40xi32, #tpu.memory_space<vmem>>
      %dma_wait3A_1116 = tpu.memref_squeeze %dma_wait3A_1115 : memref<1x40xi32, #tpu.memory_space<vmem>> -> memref<40xi32, #tpu.memory_space<vmem>>
      %dma_wait3A_1117 = arith.constant 0 : i32
      %dma_wait3A_1118 = arith.constant 0 : i32
      %dma_wait3A_1119 = tpu.memref_slice %arg4[%dma_wait3A_1117, %dma_wait3A_1118] : memref<20000x128xf32, #tpu.memory_space<hbm>> -> memref<20000x128xf32, #tpu.memory_space<hbm>>
      tpu.wait_indirect_dma semaphore(%arg24 : memref<!tpu.dma_semaphore, #tpu.memory_space<semaphore_mem>>) src(%dma_wait3A_1119 : memref<20000x128xf32, #tpu.memory_space<hbm>>) dst(%arg10 : memref<40x128xf32, #tpu.memory_space<vmem>>)
      %rem3A_1120 = arith.constant 12 : i32
      %rem3A_1121 = arith.remsi %add3A_806, %rem3A_1120 : i32
      %dma_start3A_1122 = arith.constant 0 : i32
      %dma_start3A_1123 = tpu.memref_slice %arg7[%rem3A_1121, %dma_start3A_1122] : memref<12x40xi32, #tpu.memory_space<vmem>> -> memref<1x40xi32, #tpu.memory_space<vmem>>
      %dma_start3A_1124 = tpu.memref_squeeze %dma_start3A_1123 : memref<1x40xi32, #tpu.memory_space<vmem>> -> memref<40xi32, #tpu.memory_space<vmem>>
      %dma_start3A_1125 = arith.constant 0 : i32
      %dma_start3A_1126 = arith.constant 0 : i32
      %dma_start3A_1127 = tpu.memref_slice %arg15[%dma_start3A_1125, %dma_start3A_1126] : memref<10000x128xf32, #tpu.memory_space<vmem_shared>> -> memref<10000x128xf32, #tpu.memory_space<vmem_shared>>
      tpu.enqueue_indirect_dma source(%arg10 : memref<40x128xf32, #tpu.memory_space<vmem>>) target(%dma_start3A_1127 : memref<10000x128xf32, #tpu.memory_space<vmem_shared>>) offsets(%dma_start3A_1124 : memref<40xi32, #tpu.memory_space<vmem>>) semaphore(%arg30 : memref<!tpu.dma_semaphore, #tpu.memory_space<semaphore_mem>>) {add = true}
      %dma_wait3A_1128 = arith.constant 0 : i32
      %dma_wait3A_1129 = arith.constant 0 : i32
      %dma_wait3A_1130 = tpu.memref_slice %arg6[%dma_wait3A_1128, %dma_wait3A_1129] : memref<12x40xi32, #tpu.memory_space<vmem>> -> memref<1x40xi32, #tpu.memory_space<vmem>>
      %dma_wait3A_1131 = tpu.memref_squeeze %dma_wait3A_1130 : memref<1x40xi32, #tpu.memory_space<vmem>> -> memref<40xi32, #tpu.memory_space<vmem>>
      %dma_wait3A_1132 = arith.constant 0 : i32
      %dma_wait3A_1133 = arith.constant 0 : i32
      %dma_wait3A_1134 = tpu.memref_slice %arg4[%dma_wait3A_1132, %dma_wait3A_1133] : memref<20000x128xf32, #tpu.memory_space<hbm>> -> memref<20000x128xf32, #tpu.memory_space<hbm>>
      tpu.wait_indirect_dma semaphore(%arg25 : memref<!tpu.dma_semaphore, #tpu.memory_space<semaphore_mem>>) src(%dma_wait3A_1134 : memref<20000x128xf32, #tpu.memory_space<hbm>>) dst(%arg11 : memref<40x128xf32, #tpu.memory_space<vmem>>)
      %rem3A_1135 = arith.constant 12 : i32
      %rem3A_1136 = arith.remsi %add3A_812, %rem3A_1135 : i32
      %dma_start3A_1137 = arith.constant 0 : i32
      %dma_start3A_1138 = tpu.memref_slice %arg7[%rem3A_1136, %dma_start3A_1137] : memref<12x40xi32, #tpu.memory_space<vmem>> -> memref<1x40xi32, #tpu.memory_space<vmem>>
      %dma_start3A_1139 = tpu.memref_squeeze %dma_start3A_1138 : memref<1x40xi32, #tpu.memory_space<vmem>> -> memref<40xi32, #tpu.memory_space<vmem>>
      %dma_start3A_1140 = arith.constant 0 : i32
      %dma_start3A_1141 = arith.constant 0 : i32
      %dma_start3A_1142 = tpu.memref_slice %arg15[%dma_start3A_1140, %dma_start3A_1141] : memref<10000x128xf32, #tpu.memory_space<vmem_shared>> -> memref<10000x128xf32, #tpu.memory_space<vmem_shared>>
      tpu.enqueue_indirect_dma source(%arg11 : memref<40x128xf32, #tpu.memory_space<vmem>>) target(%dma_start3A_1142 : memref<10000x128xf32, #tpu.memory_space<vmem_shared>>) offsets(%dma_start3A_1139 : memref<40xi32, #tpu.memory_space<vmem>>) semaphore(%arg31 : memref<!tpu.dma_semaphore, #tpu.memory_space<semaphore_mem>>) {add = true}
      %dma_wait3A_1143 = arith.constant 0 : i32
      %dma_wait3A_1144 = arith.constant 0 : i32
      %dma_wait3A_1145 = tpu.memref_slice %arg6[%dma_wait3A_1143, %dma_wait3A_1144] : memref<12x40xi32, #tpu.memory_space<vmem>> -> memref<1x40xi32, #tpu.memory_space<vmem>>
      %dma_wait3A_1146 = tpu.memref_squeeze %dma_wait3A_1145 : memref<1x40xi32, #tpu.memory_space<vmem>> -> memref<40xi32, #tpu.memory_space<vmem>>
      %dma_wait3A_1147 = arith.constant 0 : i32
      %dma_wait3A_1148 = arith.constant 0 : i32
      %dma_wait3A_1149 = tpu.memref_slice %arg4[%dma_wait3A_1147, %dma_wait3A_1148] : memref<20000x128xf32, #tpu.memory_space<hbm>> -> memref<20000x128xf32, #tpu.memory_space<hbm>>
      tpu.wait_indirect_dma semaphore(%arg26 : memref<!tpu.dma_semaphore, #tpu.memory_space<semaphore_mem>>) src(%dma_wait3A_1149 : memref<20000x128xf32, #tpu.memory_space<hbm>>) dst(%arg12 : memref<40x128xf32, #tpu.memory_space<vmem>>)
      %rem3A_1150 = arith.constant 12 : i32
      %rem3A_1151 = arith.remsi %add3A_818, %rem3A_1150 : i32
      %dma_start3A_1152 = arith.constant 0 : i32
      %dma_start3A_1153 = tpu.memref_slice %arg7[%rem3A_1151, %dma_start3A_1152] : memref<12x40xi32, #tpu.memory_space<vmem>> -> memref<1x40xi32, #tpu.memory_space<vmem>>
      %dma_start3A_1154 = tpu.memref_squeeze %dma_start3A_1153 : memref<1x40xi32, #tpu.memory_space<vmem>> -> memref<40xi32, #tpu.memory_space<vmem>>
      %dma_start3A_1155 = arith.constant 0 : i32
      %dma_start3A_1156 = arith.constant 0 : i32
      %dma_start3A_1157 = tpu.memref_slice %arg15[%dma_start3A_1155, %dma_start3A_1156] : memref<10000x128xf32, #tpu.memory_space<vmem_shared>> -> memref<10000x128xf32, #tpu.memory_space<vmem_shared>>
      tpu.enqueue_indirect_dma source(%arg12 : memref<40x128xf32, #tpu.memory_space<vmem>>) target(%dma_start3A_1157 : memref<10000x128xf32, #tpu.memory_space<vmem_shared>>) offsets(%dma_start3A_1154 : memref<40xi32, #tpu.memory_space<vmem>>) semaphore(%arg32 : memref<!tpu.dma_semaphore, #tpu.memory_space<semaphore_mem>>) {add = true}
      %dma_wait3A_1158 = arith.constant 0 : i32
      %dma_wait3A_1159 = arith.constant 0 : i32
      %dma_wait3A_1160 = tpu.memref_slice %arg6[%dma_wait3A_1158, %dma_wait3A_1159] : memref<12x40xi32, #tpu.memory_space<vmem>> -> memref<1x40xi32, #tpu.memory_space<vmem>>
      %dma_wait3A_1161 = tpu.memref_squeeze %dma_wait3A_1160 : memref<1x40xi32, #tpu.memory_space<vmem>> -> memref<40xi32, #tpu.memory_space<vmem>>
      %dma_wait3A_1162 = arith.constant 0 : i32
      %dma_wait3A_1163 = arith.constant 0 : i32
      %dma_wait3A_1164 = tpu.memref_slice %arg4[%dma_wait3A_1162, %dma_wait3A_1163] : memref<20000x128xf32, #tpu.memory_space<hbm>> -> memref<20000x128xf32, #tpu.memory_space<hbm>>
      tpu.wait_indirect_dma semaphore(%arg27 : memref<!tpu.dma_semaphore, #tpu.memory_space<semaphore_mem>>) src(%dma_wait3A_1164 : memref<20000x128xf32, #tpu.memory_space<hbm>>) dst(%arg13 : memref<40x128xf32, #tpu.memory_space<vmem>>)
      %rem3A_1165 = arith.constant 12 : i32
      %rem3A_1166 = arith.remsi %add3A_824, %rem3A_1165 : i32
      %dma_start3A_1167 = arith.constant 0 : i32
      %dma_start3A_1168 = tpu.memref_slice %arg7[%rem3A_1166, %dma_start3A_1167] : memref<12x40xi32, #tpu.memory_space<vmem>> -> memref<1x40xi32, #tpu.memory_space<vmem>>
      %dma_start3A_1169 = tpu.memref_squeeze %dma_start3A_1168 : memref<1x40xi32, #tpu.memory_space<vmem>> -> memref<40xi32, #tpu.memory_space<vmem>>
      %dma_start3A_1170 = arith.constant 0 : i32
      %dma_start3A_1171 = arith.constant 0 : i32
      %dma_start3A_1172 = tpu.memref_slice %arg15[%dma_start3A_1170, %dma_start3A_1171] : memref<10000x128xf32, #tpu.memory_space<vmem_shared>> -> memref<10000x128xf32, #tpu.memory_space<vmem_shared>>
      tpu.enqueue_indirect_dma source(%arg13 : memref<40x128xf32, #tpu.memory_space<vmem>>) target(%dma_start3A_1172 : memref<10000x128xf32, #tpu.memory_space<vmem_shared>>) offsets(%dma_start3A_1169 : memref<40xi32, #tpu.memory_space<vmem>>) semaphore(%arg33 : memref<!tpu.dma_semaphore, #tpu.memory_space<semaphore_mem>>) {add = true}
    }
    %scan3A_739 = arith.constant 41 : i32
    %dma_wait3A_740 = arith.constant 0 : i32
    %dma_wait3A_741 = arith.constant 0 : i32
    %dma_wait3A_742 = tpu.memref_slice %arg7[%dma_wait3A_740, %dma_wait3A_741] : memref<12x40xi32, #tpu.memory_space<vmem>> -> memref<1x40xi32, #tpu.memory_space<vmem>>
    %dma_wait3A_743 = tpu.memref_squeeze %dma_wait3A_742 : memref<1x40xi32, #tpu.memory_space<vmem>> -> memref<40xi32, #tpu.memory_space<vmem>>
    %dma_wait3A_744 = arith.constant 0 : i32
    %dma_wait3A_745 = arith.constant 0 : i32
    %dma_wait3A_746 = tpu.memref_slice %arg15[%dma_wait3A_744, %dma_wait3A_745] : memref<10000x128xf32, #tpu.memory_space<vmem_shared>> -> memref<10000x128xf32, #tpu.memory_space<vmem_shared>>
    tpu.wait_indirect_dma semaphore(%arg28 : memref<!tpu.dma_semaphore, #tpu.memory_space<semaphore_mem>>) src(%arg8 : memref<40x128xf32, #tpu.memory_space<vmem>>) dst(%dma_wait3A_746 : memref<10000x128xf32, #tpu.memory_space<vmem_shared>>)
    %dma_wait3A_747 = arith.constant 0 : i32
    %dma_wait3A_748 = arith.constant 0 : i32
    %dma_wait3A_749 = tpu.memref_slice %arg7[%dma_wait3A_747, %dma_wait3A_748] : memref<12x40xi32, #tpu.memory_space<vmem>> -> memref<1x40xi32, #tpu.memory_space<vmem>>
    %dma_wait3A_750 = tpu.memref_squeeze %dma_wait3A_749 : memref<1x40xi32, #tpu.memory_space<vmem>> -> memref<40xi32, #tpu.memory_space<vmem>>
    %dma_wait3A_751 = arith.constant 0 : i32
    %dma_wait3A_752 = arith.constant 0 : i32
    %dma_wait3A_753 = tpu.memref_slice %arg15[%dma_wait3A_751, %dma_wait3A_752] : memref<10000x128xf32, #tpu.memory_space<vmem_shared>> -> memref<10000x128xf32, #tpu.memory_space<vmem_shared>>
    tpu.wait_indirect_dma semaphore(%arg29 : memref<!tpu.dma_semaphore, #tpu.memory_space<semaphore_mem>>) src(%arg9 : memref<40x128xf32, #tpu.memory_space<vmem>>) dst(%dma_wait3A_753 : memref<10000x128xf32, #tpu.memory_space<vmem_shared>>)
    %dma_wait3A_754 = arith.constant 0 : i32
    %dma_wait3A_755 = arith.constant 0 : i32
    %dma_wait3A_756 = tpu.memref_slice %arg7[%dma_wait3A_754, %dma_wait3A_755] : memref<12x40xi32, #tpu.memory_space<vmem>> -> memref<1x40xi32, #tpu.memory_space<vmem>>
    %dma_wait3A_757 = tpu.memref_squeeze %dma_wait3A_756 : memref<1x40xi32, #tpu.memory_space<vmem>> -> memref<40xi32, #tpu.memory_space<vmem>>
    %dma_wait3A_758 = arith.constant 0 : i32
    %dma_wait3A_759 = arith.constant 0 : i32
    %dma_wait3A_760 = tpu.memref_slice %arg15[%dma_wait3A_758, %dma_wait3A_759] : memref<10000x128xf32, #tpu.memory_space<vmem_shared>> -> memref<10000x128xf32, #tpu.memory_space<vmem_shared>>
    tpu.wait_indirect_dma semaphore(%arg30 : memref<!tpu.dma_semaphore, #tpu.memory_space<semaphore_mem>>) src(%arg10 : memref<40x128xf32, #tpu.memory_space<vmem>>) dst(%dma_wait3A_760 : memref<10000x128xf32, #tpu.memory_space<vmem_shared>>)
    %dma_wait3A_761 = arith.constant 0 : i32
    %dma_wait3A_762 = arith.constant 0 : i32
    %dma_wait3A_763 = tpu.memref_slice %arg7[%dma_wait3A_761, %dma_wait3A_762] : memref<12x40xi32, #tpu.memory_space<vmem>> -> memref<1x40xi32, #tpu.memory_space<vmem>>
    %dma_wait3A_764 = tpu.memref_squeeze %dma_wait3A_763 : memref<1x40xi32, #tpu.memory_space<vmem>> -> memref<40xi32, #tpu.memory_space<vmem>>
    %dma_wait3A_765 = arith.constant 0 : i32
    %dma_wait3A_766 = arith.constant 0 : i32
    %dma_wait3A_767 = tpu.memref_slice %arg15[%dma_wait3A_765, %dma_wait3A_766] : memref<10000x128xf32, #tpu.memory_space<vmem_shared>> -> memref<10000x128xf32, #tpu.memory_space<vmem_shared>>
    tpu.wait_indirect_dma semaphore(%arg31 : memref<!tpu.dma_semaphore, #tpu.memory_space<semaphore_mem>>) src(%arg11 : memref<40x128xf32, #tpu.memory_space<vmem>>) dst(%dma_wait3A_767 : memref<10000x128xf32, #tpu.memory_space<vmem_shared>>)
    %dma_wait3A_768 = arith.constant 0 : i32
    %dma_wait3A_769 = arith.constant 0 : i32
    %dma_wait3A_770 = tpu.memref_slice %arg7[%dma_wait3A_768, %dma_wait3A_769] : memref<12x40xi32, #tpu.memory_space<vmem>> -> memref<1x40xi32, #tpu.memory_space<vmem>>
    %dma_wait3A_771 = tpu.memref_squeeze %dma_wait3A_770 : memref<1x40xi32, #tpu.memory_space<vmem>> -> memref<40xi32, #tpu.memory_space<vmem>>
    %dma_wait3A_772 = arith.constant 0 : i32
    %dma_wait3A_773 = arith.constant 0 : i32
    %dma_wait3A_774 = tpu.memref_slice %arg15[%dma_wait3A_772, %dma_wait3A_773] : memref<10000x128xf32, #tpu.memory_space<vmem_shared>> -> memref<10000x128xf32, #tpu.memory_space<vmem_shared>>
    tpu.wait_indirect_dma semaphore(%arg32 : memref<!tpu.dma_semaphore, #tpu.memory_space<semaphore_mem>>) src(%arg12 : memref<40x128xf32, #tpu.memory_space<vmem>>) dst(%dma_wait3A_774 : memref<10000x128xf32, #tpu.memory_space<vmem_shared>>)
    %dma_wait3A_775 = arith.constant 0 : i32
    %dma_wait3A_776 = arith.constant 0 : i32
    %dma_wait3A_777 = tpu.memref_slice %arg7[%dma_wait3A_775, %dma_wait3A_776] : memref<12x40xi32, #tpu.memory_space<vmem>> -> memref<1x40xi32, #tpu.memory_space<vmem>>
    %dma_wait3A_778 = tpu.memref_squeeze %dma_wait3A_777 : memref<1x40xi32, #tpu.memory_space<vmem>> -> memref<40xi32, #tpu.memory_space<vmem>>
    %dma_wait3A_779 = arith.constant 0 : i32
    %dma_wait3A_780 = arith.constant 0 : i32
    %dma_wait3A_781 = tpu.memref_slice %arg15[%dma_wait3A_779, %dma_wait3A_780] : memref<10000x128xf32, #tpu.memory_space<vmem_shared>> -> memref<10000x128xf32, #tpu.memory_space<vmem_shared>>
    tpu.wait_indirect_dma semaphore(%arg33 : memref<!tpu.dma_semaphore, #tpu.memory_space<semaphore_mem>>) src(%arg13 : memref<40x128xf32, #tpu.memory_space<vmem>>) dst(%dma_wait3A_781 : memref<10000x128xf32, #tpu.memory_space<vmem_shared>>)
    %barrier3A_782 = arith.constant 0 : index
    tpu.barrier barrier_id(%barrier3A_782)
    "tpu.region"() ({
      %run_scoped3A = tpu.sem_alloc : memref<!tpu.dma_semaphore, #tpu.memory_space<semaphore_mem>>
      %dma_start3A_788 = arith.constant 0 : i32
      %dma_start3A_789 = tpu.memref_slice %arg5[%arg0, %mul3A_95, %dma_start3A_788] : memref<2x10000x128xf32, #tpu.memory_space<hbm>> -> memref<1x624x128xf32, #tpu.memory_space<hbm>>
      %dma_start3A_790 = tpu.memref_squeeze %dma_start3A_789 : memref<1x624x128xf32, #tpu.memory_space<hbm>> -> memref<624x128xf32, #tpu.memory_space<hbm>>
      %dma_start3A_791 = arith.constant 0 : i32
      %dma_start3A_792 = tpu.memref_slice %arg15[%mul3A_95, %dma_start3A_791] : memref<10000x128xf32, #tpu.memory_space<vmem_shared>> -> memref<624x128xf32, #tpu.memory_space<vmem_shared>>
      tpu.enqueue_dma source(%dma_start3A_792 : memref<624x128xf32, #tpu.memory_space<vmem_shared>>) target(%dma_start3A_790 : memref<624x128xf32, #tpu.memory_space<hbm>>) target_semaphore(%run_scoped3A : memref<!tpu.dma_semaphore, #tpu.memory_space<semaphore_mem>>)
      %dma_wait3A_793 = arith.constant 0 : i32
      %dma_wait3A_794 = tpu.memref_slice %arg5[%arg0, %mul3A_95, %dma_wait3A_793] : memref<2x10000x128xf32, #tpu.memory_space<hbm>> -> memref<1x624x128xf32, #tpu.memory_space<hbm>>
      %dma_wait3A_795 = tpu.memref_squeeze %dma_wait3A_794 : memref<1x624x128xf32, #tpu.memory_space<hbm>> -> memref<624x128xf32, #tpu.memory_space<hbm>>
      %dma_wait3A_796 = arith.constant 0 : i32
      %dma_wait3A_797 = tpu.memref_slice %arg15[%mul3A_95, %dma_wait3A_796] : memref<10000x128xf32, #tpu.memory_space<vmem_shared>> -> memref<624x128xf32, #tpu.memory_space<vmem_shared>>
      tpu.wait_dma2 semaphore(%run_scoped3A : memref<!tpu.dma_semaphore, #tpu.memory_space<semaphore_mem>>) src(%dma_wait3A_797 : memref<624x128xf32, #tpu.memory_space<vmem_shared>>) dst(%dma_wait3A_795 : memref<624x128xf32, #tpu.memory_space<hbm>>)
      tpu.yield
    }) : () -> ()
    %eq3A_783 = arith.constant 15 : i32
    %eq3A_784 = arith.cmpi eq, %arg1, %eq3A_783 : i32
    %convert_element_type3A_785 = arith.extui %eq3A_784 : i1 to i32
    %cond3A_786 = arith.constant 0 : i32
    %cond3A_787 = arith.cmpi ne, %convert_element_type3A_785, %cond3A_786 : i32
    scf.if %cond3A_787 {
      "tpu.region"() ({
        %run_scoped3A = tpu.sem_alloc : memref<!tpu.dma_semaphore, #tpu.memory_space<semaphore_mem>>
        %dma_start3A_788 = arith.constant 9984 : i32
        %dma_start3A_789 = arith.constant 0 : i32
        %dma_start3A_790 = tpu.memref_slice %arg5[%arg0, %dma_start3A_788, %dma_start3A_789] : memref<2x10000x128xf32, #tpu.memory_space<hbm>> -> memref<1x16x128xf32, #tpu.memory_space<hbm>>
        %dma_start3A_791 = tpu.memref_squeeze %dma_start3A_790 : memref<1x16x128xf32, #tpu.memory_space<hbm>> -> memref<16x128xf32, #tpu.memory_space<hbm>>
        %dma_start3A_792 = arith.constant 9984 : i32
        %dma_start3A_793 = arith.constant 0 : i32
        %dma_start3A_794 = tpu.memref_slice %arg15[%dma_start3A_792, %dma_start3A_793] : memref<10000x128xf32, #tpu.memory_space<vmem_shared>> -> memref<16x128xf32, #tpu.memory_space<vmem_shared>>
        tpu.enqueue_dma source(%dma_start3A_794 : memref<16x128xf32, #tpu.memory_space<vmem_shared>>) target(%dma_start3A_791 : memref<16x128xf32, #tpu.memory_space<hbm>>) target_semaphore(%run_scoped3A : memref<!tpu.dma_semaphore, #tpu.memory_space<semaphore_mem>>)
        %dma_wait3A_795 = arith.constant 9984 : i32
        %dma_wait3A_796 = arith.constant 0 : i32
        %dma_wait3A_797 = tpu.memref_slice %arg5[%arg0, %dma_wait3A_795, %dma_wait3A_796] : memref<2x10000x128xf32, #tpu.memory_space<hbm>> -> memref<1x16x128xf32, #tpu.memory_space<hbm>>
        %dma_wait3A_798 = tpu.memref_squeeze %dma_wait3A_797 : memref<1x16x128xf32, #tpu.memory_space<hbm>> -> memref<16x128xf32, #tpu.memory_space<hbm>>
        %dma_wait3A_799 = arith.constant 9984 : i32
        %dma_wait3A_800 = arith.constant 0 : i32
        %dma_wait3A_801 = tpu.memref_slice %arg15[%dma_wait3A_799, %dma_wait3A_800] : memref<10000x128xf32, #tpu.memory_space<vmem_shared>> -> memref<16x128xf32, #tpu.memory_space<vmem_shared>>
        tpu.wait_dma2 semaphore(%run_scoped3A : memref<!tpu.dma_semaphore, #tpu.memory_space<semaphore_mem>>) src(%dma_wait3A_801 : memref<16x128xf32, #tpu.memory_space<vmem_shared>>) dst(%dma_wait3A_798 : memref<16x128xf32, #tpu.memory_space<hbm>>)
        tpu.yield
      }) : () -> ()
    } else {
    }
    return
  }
}

module attributes {stable_mosaic.version = 14 : i64} {
  func.func @_prep_body(%arg0: i32, %arg1: memref<1000x128xf32, #tpu.memory_space<vmem>>, %arg2: memref<2x128x128xf32, #tpu.memory_space<vmem>>, %arg3: memref<2500x128xi32, #tpu.memory_space<vmem>>, %arg4: memref<2500x128xi32, #tpu.memory_space<vmem>>, %arg5: memref<2x1000x128xf32, #tpu.memory_space<vmem>>, %arg6: memref<2500x128xi32, #tpu.memory_space<vmem>>) attributes {dimension_semantics = [#tpu.dimension_semantics<arbitrary>], iteration_bounds = array<i64: 10>, scalar_prefetch = 0 : i64, scratch_operands = 0 : i64, tpu.core_type = #tpu.core_type<tc>, window_params = [{transform_indices = @transform_0, window_bounds = array<i64: 1000, 128>}, {pipeline_mode = #tpu.pipeline_mode<synchronous>, transform_indices = @transform_1, window_bounds = array<i64: 2, 128, 128>}, {pipeline_mode = #tpu.pipeline_mode<synchronous>, transform_indices = @transform_2, window_bounds = array<i64: 2500, 128>}, {pipeline_mode = #tpu.pipeline_mode<synchronous>, transform_indices = @transform_3, window_bounds = array<i64: 2500, 128>}, {transform_indices = @transform_4, window_bounds = array<i64: 2, 1000, 128>}, {pipeline_mode = #tpu.pipeline_mode<synchronous>, transform_indices = @transform_5, window_bounds = array<i64: 2500, 128>}]} {
    %get3A = arith.constant 0 : index
    %get3A_0 = arith.constant 0 : index
    %get3A_1 = vector.load %arg1[%get3A, %get3A_0] : memref<1000x128xf32, #tpu.memory_space<vmem>>, vector<1000x128xf32>
    %get3A_2 = arith.constant 0 : index
    %get3A_3 = arith.constant 0 : index
    %get3A_4 = arith.constant 0 : index
    %get3A_5 = vector.load %arg2[%get3A_2, %get3A_3, %get3A_4] : memref<2x128x128xf32, #tpu.memory_space<vmem>>, vector<1x128x128xf32>
    %get3A_6 = vector.shape_cast %get3A_5 : vector<1x128x128xf32> to vector<128x128xf32>
    %dot_general3A = arith.constant dense<0.000000e+00> : vector<1000x128xf32>
    %dot_general3A_7 = tpu.matmul %get3A_1, %get3A_6, %dot_general3A {dimension_numbers = #tpu.dot_dimension_numbers<[1], [0], [0], [1], [0, 0, 1, 1], [], []>, transpose_lhs_hint = false} : vector<1000x128xf32>, vector<128x128xf32>, vector<1000x128xf32> -> vector<1000x128xf32>
    %mul3A = arith.constant 0.707106769 : f32
    %mul3A_8 = vector.broadcast %mul3A : f32 to vector<1000x128xf32>
    %mul3A_9 = arith.mulf %dot_general3A_7, %mul3A_8 : vector<1000x128xf32>
    %swap3A = arith.constant 0 : index
    %swap3A_10 = arith.constant 0 : index
    %swap3A_11 = arith.constant 0 : index
    %swap3A_12 = vector.load %arg5[%swap3A, %swap3A_10, %swap3A_11] : memref<2x1000x128xf32, #tpu.memory_space<vmem>>, vector<1x1000x128xf32>
    %swap3A_13 = vector.shape_cast %swap3A_12 : vector<1x1000x128xf32> to vector<1000x128xf32>
    %swap3A_14 = vector.shape_cast %mul3A_9 : vector<1000x128xf32> to vector<1x1000x128xf32>
    tpu.vector_store %arg5[%swap3A, %swap3A_10, %swap3A_11], %swap3A_14 {strides = array<i32>} : memref<2x1000x128xf32, #tpu.memory_space<vmem>>, vector<1x1000x128xf32>,
    %get3A_15 = arith.constant 1 : index
    %get3A_16 = arith.constant 0 : index
    %get3A_17 = arith.constant 0 : index
    %get3A_18 = vector.load %arg2[%get3A_15, %get3A_16, %get3A_17] : memref<2x128x128xf32, #tpu.memory_space<vmem>>, vector<1x128x128xf32>
    %get3A_19 = vector.shape_cast %get3A_18 : vector<1x128x128xf32> to vector<128x128xf32>
    %dot_general3A_20 = arith.constant dense<0.000000e+00> : vector<1000x128xf32>
    %dot_general3A_21 = tpu.matmul %get3A_1, %get3A_19, %dot_general3A_20 {dimension_numbers = #tpu.dot_dimension_numbers<[1], [0], [0], [1], [0, 0, 1, 1], [], []>, transpose_lhs_hint = false} : vector<1000x128xf32>, vector<128x128xf32>, vector<1000x128xf32> -> vector<1000x128xf32>
    %mul3A_22 = arith.constant 0.707106769 : f32
    %mul3A_23 = vector.broadcast %mul3A_22 : f32 to vector<1000x128xf32>
    %mul3A_24 = arith.mulf %dot_general3A_21, %mul3A_23 : vector<1000x128xf32>
    %swap3A_25 = arith.constant 1 : index
    %swap3A_26 = arith.constant 0 : index
    %swap3A_27 = arith.constant 0 : index
    %swap3A_28 = vector.load %arg5[%swap3A_25, %swap3A_26, %swap3A_27] : memref<2x1000x128xf32, #tpu.memory_space<vmem>>, vector<1x1000x128xf32>
    %swap3A_29 = vector.shape_cast %swap3A_28 : vector<1x1000x128xf32> to vector<1000x128xf32>
    %swap3A_30 = vector.shape_cast %mul3A_24 : vector<1000x128xf32> to vector<1x1000x128xf32>
    tpu.vector_store %arg5[%swap3A_25, %swap3A_26, %swap3A_27], %swap3A_30 {strides = array<i32>} : memref<2x1000x128xf32, #tpu.memory_space<vmem>>, vector<1x1000x128xf32>,
    %eq3A = arith.constant 0 : i32
    %eq3A_31 = arith.cmpi eq, %arg0, %eq3A : i32
    %convert_element_type3A = arith.extui %eq3A_31 : i1 to i32
    %cond3A = arith.constant 0 : i32
    %cond3A_32 = arith.cmpi ne, %convert_element_type3A, %cond3A : i32
    scf.if %cond3A_32 {
      %get3A_33 = arith.constant 0 : index
      %get3A_34 = arith.constant 0 : index
      %get3A_35 = vector.load %arg3[%get3A_33, %get3A_34] : memref<2500x128xi32, #tpu.memory_space<vmem>>, vector<2500x128xi32>
      %mul3A_36 = arith.constant 10000 : i32
      %mul3A_37 = vector.broadcast %mul3A_36 : i32 to vector<2500x128xi32>
      %mul3A_38 = arith.muli %get3A_35, %mul3A_37 : vector<2500x128xi32>
      %get3A_39 = arith.constant 0 : index
      %get3A_40 = arith.constant 0 : index
      %get3A_41 = vector.load %arg4[%get3A_39, %get3A_40] : memref<2500x128xi32, #tpu.memory_space<vmem>>, vector<2500x128xi32>
      %add3A = arith.addi %mul3A_38, %get3A_41 : vector<2500x128xi32>
      %swap3A_42 = arith.constant 0 : index
      %swap3A_43 = arith.constant 0 : index
      %swap3A_44 = vector.load %arg6[%swap3A_42, %swap3A_43] : memref<2500x128xi32, #tpu.memory_space<vmem>>, vector<2500x128xi32>
      tpu.vector_store %arg6[%swap3A_42, %swap3A_43], %add3A {strides = array<i32>} : memref<2500x128xi32, #tpu.memory_space<vmem>>, vector<2500x128xi32>,
    } else {
    }
    return
  }
  func.func @transform_0(%arg0: i32) -> (i32, i32) {
    %c0_i32 = arith.constant 0 : i32
    %c0_i32_0 = arith.constant 0 : i32
    return %arg0, %c0_i32 : i32, i32
  }
  func.func @transform_1(%arg0: i32) -> (i32, i32, i32) {
    %c0_i32 = arith.constant 0 : i32
    %c0_i32_0 = arith.constant 0 : i32
    %c0_i32_1 = arith.constant 0 : i32
    %c0_i32_2 = arith.constant 0 : i32
    return %c0_i32, %c0_i32_0, %c0_i32_1 : i32, i32, i32
  }
  func.func @transform_2(%arg0: i32) -> (i32, i32) {
    %c0_i32 = arith.constant 0 : i32
    %c0_i32_0 = arith.constant 0 : i32
    %c0_i32_1 = arith.constant 0 : i32
    return %c0_i32, %c0_i32_0 : i32, i32
  }
  func.func @transform_3(%arg0: i32) -> (i32, i32) {
    %c0_i32 = arith.constant 0 : i32
    %c0_i32_0 = arith.constant 0 : i32
    %c0_i32_1 = arith.constant 0 : i32
    return %c0_i32, %c0_i32_0 : i32, i32
  }
  func.func @transform_4(%arg0: i32) -> (i32, i32, i32) {
    %c0_i32 = arith.constant 0 : i32
    %c0_i32_0 = arith.constant 0 : i32
    %c0_i32_1 = arith.constant 0 : i32
    return %c0_i32, %arg0, %c0_i32_0 : i32, i32, i32
  }
  func.func @transform_5(%arg0: i32) -> (i32, i32) {
    %c0_i32 = arith.constant 0 : i32
    %c0_i32_0 = arith.constant 0 : i32
    %c0_i32_1 = arith.constant 0 : i32
    return %c0_i32, %c0_i32_0 : i32, i32
  }
}

module attributes {stable_mosaic.version = 14 : i64} {
  func.func @_combine_body(%arg0: i32, %arg1: memref<2x1000x128xf32, #tpu.memory_space<vmem>>, %arg2: memref<1000x128xf32, #tpu.memory_space<vmem>>, %arg3: memref<128x128xf32, #tpu.memory_space<vmem>>, %arg4: memref<1x128xf32, #tpu.memory_space<vmem>>, %arg5: memref<1000x128xf32, #tpu.memory_space<vmem>>) attributes {dimension_semantics = [#tpu.dimension_semantics<arbitrary>], iteration_bounds = array<i64: 10>, scalar_prefetch = 0 : i64, scratch_operands = 0 : i64, tpu.core_type = #tpu.core_type<tc>, window_params = [{transform_indices = @transform_0, window_bounds = array<i64: 2, 1000, 128>}, {transform_indices = @transform_1, window_bounds = array<i64: 1000, 128>}, {pipeline_mode = #tpu.pipeline_mode<synchronous>, transform_indices = @transform_2, window_bounds = array<i64: 128, 128>}, {pipeline_mode = #tpu.pipeline_mode<synchronous>, transform_indices = @transform_3, window_bounds = array<i64: 1, 128>}, {transform_indices = @transform_4, window_bounds = array<i64: 1000, 128>}]} {
    %get3A = arith.constant 0 : index
    %get3A_0 = arith.constant 0 : index
    %get3A_1 = vector.load %arg2[%get3A, %get3A_0] : memref<1000x128xf32, #tpu.memory_space<vmem>>, vector<1000x128xf32>
    %get3A_2 = arith.constant 0 : index
    %get3A_3 = arith.constant 0 : index
    %get3A_4 = vector.load %arg3[%get3A_2, %get3A_3] : memref<128x128xf32, #tpu.memory_space<vmem>>, vector<128x128xf32>
    %dot_general3A = arith.constant dense<0.000000e+00> : vector<1000x128xf32>
    %dot_general3A_5 = tpu.matmul %get3A_1, %get3A_4, %dot_general3A {dimension_numbers = #tpu.dot_dimension_numbers<[1], [0], [0], [1], [0, 0, 1, 1], [], []>, transpose_lhs_hint = false} : vector<1000x128xf32>, vector<128x128xf32>, vector<1000x128xf32> -> vector<1000x128xf32>
    %get3A_6 = arith.constant 0 : index
    %get3A_7 = arith.constant 0 : index
    %get3A_8 = arith.constant 0 : index
    %get3A_9 = vector.load %arg1[%get3A_6, %get3A_7, %get3A_8] : memref<2x1000x128xf32, #tpu.memory_space<vmem>>, vector<1x1000x128xf32>
    %get3A_10 = vector.shape_cast %get3A_9 : vector<1x1000x128xf32> to vector<1000x128xf32>
    %get3A_11 = arith.constant 1 : index
    %get3A_12 = arith.constant 0 : index
    %get3A_13 = arith.constant 0 : index
    %get3A_14 = vector.load %arg1[%get3A_11, %get3A_12, %get3A_13] : memref<2x1000x128xf32, #tpu.memory_space<vmem>>, vector<1x1000x128xf32>
    %get3A_15 = vector.shape_cast %get3A_14 : vector<1x1000x128xf32> to vector<1000x128xf32>
    %add3A = arith.addf %get3A_10, %get3A_15 : vector<1000x128xf32>
    %mul3A = arith.constant 0.707106769 : f32
    %mul3A_16 = vector.broadcast %mul3A : f32 to vector<1000x128xf32>
    %mul3A_17 = arith.mulf %dot_general3A_5, %mul3A_16 : vector<1000x128xf32>
    %add3A_18 = arith.addf %add3A, %mul3A_17 : vector<1000x128xf32>
    %get3A_19 = arith.constant 0 : index
    %get3A_20 = arith.constant 0 : index
    %get3A_21 = vector.load %arg4[%get3A_19, %get3A_20] : memref<1x128xf32, #tpu.memory_space<vmem>>, vector<1x128xf32>
    %add3A_22 = vector.broadcast %get3A_21 : vector<1x128xf32> to vector<1000x128xf32>
    %add3A_23 = arith.addf %add3A_18, %add3A_22 : vector<1000x128xf32>
    %swap3A = arith.constant 0 : index
    %swap3A_24 = arith.constant 0 : index
    %swap3A_25 = vector.load %arg5[%swap3A, %swap3A_24] : memref<1000x128xf32, #tpu.memory_space<vmem>>, vector<1000x128xf32>
    tpu.vector_store %arg5[%swap3A, %swap3A_24], %add3A_23 {strides = array<i32>} : memref<1000x128xf32, #tpu.memory_space<vmem>>, vector<1000x128xf32>,
    return
  }
  func.func @transform_0(%arg0: i32) -> (i32, i32, i32) {
    %c0_i32 = arith.constant 0 : i32
    %c0_i32_0 = arith.constant 0 : i32
    %c0_i32_1 = arith.constant 0 : i32
    return %c0_i32, %arg0, %c0_i32_0 : i32, i32, i32
  }
  func.func @transform_1(%arg0: i32) -> (i32, i32) {
    %c0_i32 = arith.constant 0 : i32
    %c0_i32_0 = arith.constant 0 : i32
    return %arg0, %c0_i32 : i32, i32
  }
  func.func @transform_2(%arg0: i32) -> (i32, i32) {
    %c0_i32 = arith.constant 0 : i32
    %c0_i32_0 = arith.constant 0 : i32
    %c0_i32_1 = arith.constant 0 : i32
    return %c0_i32, %c0_i32_0 : i32, i32
  }
  func.func @transform_3(%arg0: i32) -> (i32, i32) {
    %c0_i32 = arith.constant 0 : i32
    %c0_i32_0 = arith.constant 0 : i32
    %c0_i32_1 = arith.constant 0 : i32
    return %c0_i32, %c0_i32_0 : i32, i32
  }
  func.func @transform_4(%arg0: i32) -> (i32, i32) {
    %c0_i32 = arith.constant 0 : i32
    %c0_i32_0 = arith.constant 0 : i32
    return %arg0, %c0_i32 : i32, i32
  }
}

</mosaic_0001>

<sc_bundles>
// kernel: kernel.5.cloned.1.call-start
scs
__scs_entry_jumppad:
0x0: {  	(pc) =	sbr.rel $0x88, $3  }
0x1: {  	(tag) =	ssettag $0x0;
	lr =	simm.s32 $0x1  }
0x2: {  	[smem:$0x3F9B] =	sst lr;
	_ =	strace $0xD0000000  }
0x3: {  	_ = 	snop  }
0x4: {  	_ = 	snop  }
0x5: {  	_ = 	snop  }
0x6: {  	_ = 	snop  }
0x7: {  	_ = 	snop  }
__scs_overlays_trampoline_lowered:
0x8: {  	[smem:$0x3FAA] =	sst s0  }
0x9: {  	[smem:$0x3FAB] =	sst s1  }
0xa: {  	[smem:$0x3FAC] =	sst s2  }
0xb: {  	[smem:$0x3FAD] =	sst s3  }
0xc: {  	[smem:$0x3FAE] =	sst s4  }
0xd: {  	[smem:$0x3FAF] =	sst s5  }
0xe: {  	[smem:$0x3FB0] =	sst s6  }
0xf: {  	[smem:$0x3FB1] =	sst s7  }
0x10: {  	[smem:$0x3FB2] =	sst s8  }
0x11: {  	[smem:$0x3FB3] =	sst s9;
	s0 =	simm.s32 @!p0 $0x0  }
0x12: {  	s1 =	sld [smem:$0x3F99];
	s0 =	simm.s32 @p0 $0x1  }
0x13: {  	[smem:$0x3FB4] =	sst s0;
	s0 =	simm.s32 @!p1 $0x0  }
0x14: {  	s2 =	sld [smem:$0x3F98];
	s0 =	simm.s32 @p1 $0x1  }
0x15: {  	[smem:$0x3FB5] =	sst s0;
	s0 =	simm.s32 @!p2 $0x0  }
0x16: {  	s3 =	sld [smem:$0x3FDB];
	s0 =	simm.s32 @p2 $0x1  }
0x17: {  	s4 =	simm.s32 $0x1BF5;
	[smem:$0x3FB7] =	sst s0  }
0x18: {  	s0 =	sld [smem:$0x3F9A];
	_ =	swait.ge [sflag:s4], $0x0  }
0x19: {  	s7 =	sld [smem:$0x3F9B]  }
0x1a: {  	s8 =	sadd.s32 $0xFFFFE003, lr  }
0x1b: {  	s9 =	sadd.s32 $0xFFFFFEF7, lr;
	s5 =	simm.s32 $0xFFFFFFFF;
	p2 =	slt.u32 s8, $0xFFFFF086  }
0x1c: {  	p1 =	slt.u32 s9, $0xF7A;
	s5 =	simm.s32 @!p2 $0x0  }
0x1d: {  	s5 =	simm.s32 @p1 $0x1;
	p0 =	seq.s32 s7, s2  }
0x1e: {  	s7 =	smul.u32 @!p0 $0xF7A, s2;
	p2 =	seq.s32 @!p0 s5, $0x0  }
0x1f: {  	s9 =	smul.u32 $0xF7A, s1;
	s8 =	simm.s32 @!p0 $0x1BF5;
	p2 =	por !p2, p0  }
0x20: {  	[sflag:s8] =	ssyncset.s32 @!p0 $0xFFFFF086;
	s6 =	sadd.s32 @!p0 s3, s7;
	s7 =	simm.s32 @!p0 $0x108  }
0x21: {  	s3 =	sadd.s32 s3, s9;
	s6 =	sadd.s32 @!p0 $0x88, s6;
	s7 =	simm.s32 @p2 $0x1082  }
0x22: {  	[simem:s7], [sflag:s8] =	dma.local @!p0 [hbm:s6], $0xF7A  }
0x23: {  	s9 =	sor.u32 $0xD0000000, s2;
	s6 =	simm.s32 $0x108;
	_ =	swait.ge @!p0 [sflag:s8], $0x0  }
0x24: {  	s3 =	sadd.s32 $0x88, s3;
	s6 =	simm.s32 @!p1 $0x1082;
	[sflag:s4] =	ssyncset.s32 $0xFFFFF086  }
0x25: {  	[simem:s6], [sflag:s4] =	dma.local [hbm:s3], $0xF7A  }
0x26: {  	[smem:$0x3F9B] =	sst s1;
	(tag) =	ssettag s2;
	_ =	strace s9  }
0x27: {  	s1 =	sld [smem:$0x3FAB]  }
0x28: {  	s2 =	sld [smem:$0x3FAC]  }
0x29: {  	s4 =	sld [smem:$0x3FAE]  }
0x2a: {  	p0 =	seq.s32 s5, $0x0;
	s5 =	sld [smem:$0x3FAF]  }
0x2b: {  	s6 =	sld [smem:$0x3FB0]  }
0x2c: {  	s7 =	sld [smem:$0x3FB1]  }
0x2d: {  	s3 =	simm.s32 $0x108;
	s8 =	sld [smem:$0x3FB2]  }
0x2e: {  	s3 =	simm.s32 @!p0 $0x1082;
	s9 =	sld [smem:$0x3FB3]  }
0x2f: {  	lr =	sadd.s32 s0, s3;
	s0 =	sld [smem:$0x3FAA]  }
0x30: {  	s3 =	sld [smem:$0x3FAD]  }
0x31: {  	[smem:$0x3FB6] =	sst s10  }
0x32: {  	s10 =	sld [smem:$0x3FB4];
	_ =	sdelay $0x3  }
0x33: {  	p0 =	seq.s32 s10, $0x1;
	s10 =	sld [smem:$0x3FB6];
	_ =	sdelay $0x3  }
0x34: {  	[smem:$0x3FB6] =	sst s10  }
0x35: {  	s10 =	sld [smem:$0x3FB5];
	_ =	sdelay $0x3  }
0x36: {  	p1 =	seq.s32 s10, $0x1;
	s10 =	sld [smem:$0x3FB6];
	_ =	sdelay $0x3  }
0x37: {  	[smem:$0x3FB6] =	sst s10  }
0x38: {  	s10 =	sld [smem:$0x3FB7]  }
0x39: {  	_ = 	snop;
	(pc) =	sbr.ind lr, $3  }
0x3a: {  	_ = 	snop  }
0x3b: {  	_ = 	snop  }
0x3c: {  	p2 =	seq.s32 s10, $0x1;
	s10 =	sld [smem:$0x3FB6]  }
0x3d: {  	_ =	shalt  }
0x3e: {  	_ =	shalt  }
0x3f: {  	_ =	shalt  }
0x40: {  	_ =	shalt  }
0x41: {  	_ =	shalt  }
0x42: {  	_ =	shalt  }
0x43: {  	_ =	shalt  }
0x44: {  	_ =	shalt  }
0x45: {  	_ =	shalt  }
0x46: {  	_ =	shalt  }
0x47: {  	_ =	shalt  }
0x48: {  	_ =	shalt  }
0x49: {  	_ =	shalt  }
0x4a: {  	_ =	shalt  }
0x4b: {  	_ =	shalt  }
0x4c: {  	_ =	shalt  }
0x4d: {  	_ =	shalt  }
0x4e: {  	_ =	shalt  }
0x4f: {  	_ =	shalt  }
0x50: {  	_ =	shalt  }
0x51: {  	_ =	shalt  }
0x52: {  	_ =	shalt  }
0x53: {  	_ =	shalt  }
0x54: {  	_ =	shalt  }
0x55: {  	_ =	shalt  }
0x56: {  	_ =	shalt  }
0x57: {  	_ =	shalt  }
0x58: {  	_ =	shalt  }
0x59: {  	_ =	shalt  }
0x5a: {  	_ =	shalt  }
0x5b: {  	_ =	shalt  }
0x5c: {  	_ =	shalt  }
0x5d: {  	_ =	shalt  }
0x5e: {  	_ =	shalt  }
0x5f: {  	_ =	shalt  }
0x60: {  	_ =	shalt  }
0x61: {  	_ =	shalt  }
0x62: {  	_ =	shalt  }
0x63: {  	_ =	shalt  }
0x64: {  	_ =	shalt  }
0x65: {  	_ =	shalt  }
0x66: {  	_ =	shalt  }
0x67: {  	_ =	shalt  }
0x68: {  	_ =	shalt  }
0x69: {  	_ =	shalt  }
0x6a: {  	_ =	shalt  }
0x6b: {  	_ =	shalt  }
0x6c: {  	_ =	shalt  }
0x6d: {  	_ =	shalt  }
0x6e: {  	_ =	shalt  }
0x6f: {  	_ =	shalt  }
0x70: {  	_ =	shalt  }
0x71: {  	_ =	shalt  }
0x72: {  	_ =	shalt  }
0x73: {  	_ =	shalt  }
0x74: {  	_ =	shalt  }
0x75: {  	_ =	shalt  }
0x76: {  	_ =	shalt  }
0x77: {  	_ =	shalt  }
0x78: {  	_ =	shalt  }
0x79: {  	_ =	shalt  }
0x7a: {  	_ =	shalt  }
0x7b: {  	_ =	shalt  }
0x7c: {  	_ =	shalt  }
0x7d: {  	_ =	shalt  }
0x7e: {  	_ =	shalt  }
0x7f: {  	_ =	shalt  }
0x80: {  	_ =	shalt  }
0x81: {  	_ =	shalt  }
0x82: {  	_ =	shalt  }
0x83: {  	_ =	shalt  }
0x84: {  	_ =	shalt  }
0x85: {  	_ =	shalt  }
0x86: {  	_ =	shalt  }
0x87: {  	_ =	shalt  }
.Lfunc_end0:
.L_simem_size_0:
called_computation_lowered:
.L_overlay_start_0:
0x88: {  	s2 =	sld [smem:$0x3FD9]  }
0x89: {  	s3 =	sld [smem:$0x3FFE];
	_ =	sdelay $0x1  }
0x8a: {  	s1 =	srdreg.scid  }
0x8b: {  	s0 =	sand.u32 $0x1, s1  }
0x8c: {  	s17 =	sshll.u32 s0, $0xA;
	s2 =	sadd.s32 s3, s2  }
0x8d: {  	s2 =	sadd.s32 s2, s17  }
0x8e: {  	[smem:$0x3FC2] =	sst s2  }
0x8f: {  	_ = 	snop  }
0x90: {  	s2 =	sld [smem:$0x3FD0];
	(tm) =	ssettm $0x1  }
0x91: {  	s18 =	sld [smem:$0x3FFB];
	_ =	sdelay $0x3  }
0x92: {  	_ =	strace s18  }
0x93: {  	s3 =	sld [smem:$0x3FFC];
	_ =	sdelay $0x3  }
0x94: {  	_ =	strace s3  }
0x95: {  	s3 =	sld [smem:$0x3FFD];
	_ =	sdelay $0x3  }
0x96: {  	_ =	strace s3  }
0x97: {  	_ =	strace $0x8FFFFFFF  }
0x98: {  	s19 =	sld [smem:$0x3FDB];
	_ =	sdelay $0x1  }
0x99: {  	s4 =	simm.s32 $_scs_section_size  }
0x9a: {  	s5 =	simm.s32 $_size__tile_overlayer_lowered;
	s6 =	simm.s32 $_tile_overlayer_lowered  }
0x9b: {  	s22 =	simm.s32 $0x1BFF;
	s21 =	sshll.u32 s6, $0x1;
	s3 =	sadd.s32 s4, s19  }
0x9c: {  	s7 =	simm.s32 $0x0;
	s20 =	sshll.u32 s5, $0x1;
	s5 =	sadd.s32 s21, s3  }
0x9d: {  	[timem:s7], [sflag:s22] =	dma.local [hbm:s5], s20  }
0x9e: {  	_ =	swait.ge [sflag:s22], s20  }
0x9f: {  	s4 =	ssub.s32 $0x0, s20;
	[sflag:s22] =	ssyncset.done $0x0  }
0xa0: {  	[sflag:s22] =	ssyncadd.s32 s4;
	_ =	sdelay $0x1  }
0xa1: {  	s23 =	simm.s32 $0x1B8B  }
0xa2: {  	_ =	swait.ge [sflag:s23], $0x1  }
0xa3: {  	[sflag:s23] =	ssyncset.done $0x0  }
0xa4: {  	s25 =	simm.s32 $0x1B8E;
	s24 =	sld [smem:$0x3FFE];
	[sflag:s23] =	ssyncadd.s32 $0xFFFFFFFF  }
0xa5: {  	s26 =	simm.s32 $execute0_lowered;
	[smem:$0x3FD2] =	sst s25  }
0xa6: {  	s5 =	sshll.u32 s26, $0x1;
	_ =	strace $0x80000046;
	[dreg:$0x1] =	wrdreg $0xFFFFFFFF  }
0xa7: {  	s28 =	simm.s32 $_size_execute0_lowered;
	s3 =	sadd.s32 s3, s5;
	[dreg:$0x0] =	wrdreg $0x0  }
0xa8: {  	s5 =	sshll.u32 s28, $0x1;
	[dreg:$0x2] =	wrdreg s3  }
0xa9: {  	[dreg:$0x3] =	wrdreg s5  }
0xaa: {  	[dreg:$0x4] =	wrdreg $0xC0  }
0xab: {  	_ =	task [dreg:s7], $0x5FFFF  }
0xac: {  	[dreg:$0x1] =	wrdreg $0xFFFFFFFF  }
0xad: {  	[dreg:$0x0] =	wrdreg $0x60  }
0xae: {  	[dreg:$0x2] =	wrdreg s24  }
0xaf: {  	[dreg:$0x3] =	wrdreg s2  }
0xb0: {  	[dreg:$0x4] =	wrdreg $0x94000  }
0xb1: {  	[dreg:$0x5] =	wrdreg $0x9  }
0xb2: {  	_ =	task.clear_ibuf [dreg:s7], $0x6FFFF;
	_ =	strace $0x90000046  }
0xb3: {  	s29 =	simm.s32 $0x9;
	_ =	strace $0x80000048  }
0xb4: {  	_ =	swait.ge [sflag:s29], $0x1  }
0xb5: {  	[sflag:s29] =	ssyncadd.s32 $0xFFFFFFFF  }
0xb6: {  	_ =	strace $0x90000048  }
0xb7: {  	_ =	sfence  }
0xb8: {  	s30 =	sld [smem:$0x0];
	_ =	sdelay $0x2  }
0xb9: {  	s31 =	sshll.u32 s1, $0xD;
	s1 =	sshrl.u32 s1, $0x2  }
0xba: {  	s3 =	sand.u32 $0x4000, s31;
	s1 =	sadd.s32 s1, s30  }
0xbb: {  	s0 =	sor.u32 s3, s0;
	s1 =	sshll.u32 s1, $0x11  }
0xbc: {  	s0 =	sor.u32 s1, s0  }
0xbd: {  	s0 =	sadd.s32 $0x8F2B, s0  }
0xbe: {  	[sflag:s0] =	ssyncadd.remote.s32 $0x1  }
0xbf: {  	_ =	sfence.sel $0xFFFF  }
0xc0: {  	[dreg:$0x0] =	wrdreg $0xFFFFFFFF;
	(pc) =	sbr.abs _section_cstart, $3  }
0xc1: {  	[dreg:$0x1] =	wrdreg $0xFFFFFFFF  }
0xc2: {  	_ =	task.clear_ibuf [dreg:s7], $0x2FFFF;
	_ =	strace $0x9FFFFFFF  }
0xc3: {  	(tm) =	ssettm $0x7FFFFFFF  }
tec
execute0_lowered:
.L_overlay_start_1:
0x0: {  	(tag) =	ssettag $0x1  }
0x1: {  	s0 =	srdreg.scid  }
0x2: {  	s13 =	stileid.u32;
	s2 =	rddreg [dreg:$0x1]  }
0x3: {  	s3 =	sand.u32 $0x1, s0;
	s1 =	sshll.u32 s13, $0x1;
	s12 =	smul.u32 $0x13800, s13  }
0x4: {  	s0 =	rddreg [dreg:$0x0];
	s26 =	smul.u32 $0x4E20, s13;
	s4 =	sor.u32 s3, s1  }
0x5: {  	s1 =	simm.s32 $0x0;
	s5 =	sadd.s32 $0x4F000, s0;
	s21 =	smul.u32 $0x138800, s3  }
0x6: {  	s15 =	ssub.s32 $0x2, s3;
	s7 =	sadd.s32 $0x58E00, s0;
	s6 =	smul.u32 $0x2710, s4  }
0x7: {  	s3 =	smul.u32 $0x2710, s3;
	[smem:$0x7FF] =	sst s1;
	s8 =	sshrl.u32 s15, $0x1  }
0x8: {  	s4 =	ssub.s32 s15, s8;
	s25 =	sadd.s32 s12, s21;
	s8 =	sshrl.u32 s6, $0x3  }
0x9: {  	s3 =	sadd.s32 s3, s26;
	s9 =	sadd.s32 $0x28, s6;
	s10 =	sadd.s32 s5, s8  }
0xa: {  	s9 =	sshrl.u32 s9, $0x3;
	s16 =	sadd.s32 s2, s8;
	[dreg:$0x4] =	wrdreg s10  }
0xb: {  	s19 =	sadd.s32 $0x78, s6;
	[dreg:$0x5] =	wrdreg s16;
	s17 =	sadd.s32 s5, s9  }
0xc: {  	s18 =	sadd.s32 $0xA, s8;
	s9 =	sadd.s32 s2, s9;
	[dreg:$0x6] =	wrdreg s17  }
0xd: {  	s20 =	sshrl.u32 s19, $0x3;
	s11 =	sadd.s32 s5, s18;
	[dreg:$0x7] =	wrdreg s9  }
0xe: {  	s22 =	sadd.s32 $0x14, s8;
	s10 =	sadd.s32 s5, s20;
	[dreg:$0x8] =	wrdreg s11  }
0xf: {  	s23 =	sadd.s32 $0xC8, s6;
	s14 =	sadd.s32 s5, s22;
	[dreg:$0xa] =	wrdreg s10  }
0x10: {  	s15 =	sadd.s32 $0x118, s6;
	s9 =	sadd.s32 s2, s18;
	[dreg:$0xc] =	wrdreg s14  }
0x11: {  	s24 =	sshrl.u32 s23, $0x3;
	s10 =	sadd.s32 s2, s22;
	[dreg:$0x9] =	wrdreg s9  }
0x12: {  	s6 =	sadd.s32 $0x168, s6;
	s11 =	sadd.s32 s5, s24;
	[dreg:$0xd] =	wrdreg s10  }
0x13: {  	s12 =	sadd.s32 $0x1E0, s3;
	s9 =	sadd.s32 s2, s20;
	[dreg:$0xe] =	wrdreg s11  }
0x14: {  	s14 =	sadd.s32 $0x1E, s8;
	s10 =	sadd.s32 s2, s24;
	[dreg:$0xb] =	wrdreg s9  }
0x15: {  	s6 =	sshrl.u32 s6, $0x3;
	s16 =	sadd.s32 s5, s14;
	[dreg:$0xf] =	wrdreg s10  }
0x16: {  	s8 =	sadd.s32 $0x28, s8;
	s17 =	sadd.s32 s2, s14;
	[dreg:$0x11] =	wrdreg s16  }
0x17: {  	s23 =	sadd.s32 $0x230, s3;
	s19 =	sadd.s32 s5, s8;
	[dreg:$0x12] =	wrdreg s17  }
0x18: {  	s11 =	sshrl.u32 s25, $0x3;
	s8 =	sadd.s32 s2, s8;
	[dreg:$0x15] =	wrdreg s19  }
0x19: {  	s20 =	sadd.s32 s5, s6;
	s6 =	sadd.s32 s2, s6;
	[dreg:$0x16] =	wrdreg s8  }
0x1a: {  	s25 =	sadd.s32 $0x208, s3;
	s14 =	sshrl.u32 s12, $0x3;
	[dreg:$0x17] =	wrdreg s20  }
0x1b: {  	s10 =	sadd.s32 s7, s11;
	s9 =	sshrl.u32 s21, $0x3;
	[dreg:$0x18] =	wrdreg s6  }
0x1c: {  	s8 =	sshrl.u32 s23, $0x3;
	s16 =	sadd.s32 s14, s2;
	[dreg:$0x10] =	wrdreg s10  }
0x1d: {  	s26 =	sshrl.u32 s25, $0x3;
	s10 =	sadd.s32 s8, s2;
	[dreg:$0x1f] =	wrdreg s16  }
0x1e: {  	s7 =	sadd.s32 s7, s9;
	s8 =	sadd.s32 s8, s5;
	[dreg:$0x1b] =	wrdreg s10  }
0x1f: {  	s9 =	sshrl.u32 s15, $0x3;
	s11 =	sadd.s32 s26, s2;
	[dreg:$0x1c] =	wrdreg s8  }
0x20: {  	s21 =	sadd.s32 $0x258, s3;
	s18 =	sadd.s32 s5, s9;
	[dreg:$0x1d] =	wrdreg s11  }
0x21: {  	s22 =	sshrl.u32 s21, $0x3;
	s9 =	sadd.s32 s2, s9;
	[dreg:$0x13] =	wrdreg s18  }
0x22: {  	s24 =	sadd.s32 s22, s2;
	[dreg:$0x14] =	wrdreg s9  }
0x23: {  	s15 =	sadd.s32 $0x1B8, s3;
	s6 =	sadd.s32 s22, s5;
	[dreg:$0x19] =	wrdreg s24  }
0x24: {  	s3 =	sadd.s32 $0x190, s3;
	s17 =	sshrl.u32 s15, $0x3;
	[dreg:$0x1a] =	wrdreg s6  }
0x25: {  	s6 =	sadd.s32 s26, s5;
	s18 =	sshrl.u32 s3, $0x3;
	s3 =	rddreg [dreg:$0x2]  }
0x26: {  	s8 =	sadd.s32 s17, s2;
	[dreg:$0x1e] =	wrdreg s6  }
0x27: {  	s6 =	sadd.s32 s14, s5;
	[smem:$0x7DD] =	sst s8  }
0x28: {  	s2 =	sadd.s32 s18, s2;
	[smem:$0x7DC] =	sst s6  }
0x29: {  	s19 =	smul.u32 $0x4E000, s13;
	s20 =	sadd.s32 s18, s5;
	[smem:$0x7DF] =	sst s2  }
0x2a: {  	s23 =	smax.u32 s4, $0x1;
	s6 =	sadd.s32 s17, s5;
	[smem:$0x7E0] =	sst s20  }
0x2b: {  	s21 =	sshrl.u32 s19, $0x2;
	s22 =	sadd.s32 $0x27000, s7;
	[smem:$0x7DE] =	sst s6  }
0x2c: {  	s5 =	sadd.s32 s21, s3;
	_ =	strace $0x80000047;
	[smem:$0x7E1] =	sst s22  }
0x2d: {  	s24 =	sadd.s32 $0xC00, s5;
	[smem:$0x7E2] =	sst s23  }
0x2e: {  	s25 =	sadd.s32 $0x1800, s5;
	[smem:$0x7E3] =	sst s24  }
0x2f: {  	s26 =	sadd.s32 $0x2400, s5;
	[smem:$0x7E4] =	sst s25  }
0x30: {  	s2 =	sadd.s32 $0x3000, s5;
	[smem:$0x7E5] =	sst s26  }
0x31: {  	s4 =	sadd.s32 $0x3C00, s5;
	[smem:$0x7E6] =	sst s2  }
0x32: {  	s7 =	sadd.s32 $0x4800, s5;
	[smem:$0x7E7] =	sst s4  }
0x33: {  	s8 =	sadd.s32 $0x5400, s5;
	[smem:$0x7E8] =	sst s7  }
0x34: {  	s9 =	sadd.s32 $0x6000, s5;
	[smem:$0x7E9] =	sst s8  }
0x35: {  	s10 =	sadd.s32 $0x6C00, s5;
	[smem:$0x7EA] =	sst s9  }
0x36: {  	s11 =	sadd.s32 $0x7800, s5;
	[smem:$0x7EB] =	sst s10  }
0x37: {  	s12 =	sadd.s32 $0x8400, s5;
	[smem:$0x7EC] =	sst s11  }
0x38: {  	p0 =	sne.s32 s13, $0xF;
	s13 =	sadd.s32 $0x9000, s5;
	[smem:$0x7ED] =	sst s12  }
0x39: {  	s14 =	sadd.s32 $0x9C00, s5;
	[smem:$0x7EE] =	sst s13  }
0x3a: {  	s15 =	sadd.s32 $0xA800, s5;
	[smem:$0x7EF] =	sst s14  }
0x3b: {  	s16 =	sadd.s32 $0xB400, s5;
	[smem:$0x7F0] =	sst s15  }
0x3c: {  	s17 =	sadd.s32 $0xC000, s5;
	[smem:$0x7F1] =	sst s16  }
0x3d: {  	s29 =	simm.s32 $0x980;
	s18 =	sadd.s32 $0xCC00, s5;
	[smem:$0x7F2] =	sst s17  }
0x3e: {  	s30 =	simm.s32 $0x1000;
	s19 =	sadd.s32 $0xD800, s5;
	[smem:$0x7F3] =	sst s18  }
0x3f: {  	s31 =	simm.s32 $0x2400;
	s20 =	sadd.s32 $0xE400, s5;
	[smem:$0x7F4] =	sst s19  }
0x40: {  	s28 =	simm.s32 $0x6;
	s21 =	sadd.s32 $0xF000, s5;
	[smem:$0x7F5] =	sst s20  }
0x41: {  	s6 =	sadd.s32 $0xE00, s0;
	[smem:$0x7F6] =	sst s21;
	s22 =	sadd.s32 $0xFC00, s5  }
0x42: {  	s23 =	sadd.s32 $0x10800, s5;
	s24 =	sadd.s32 $0x11400, s5;
	s25 =	sadd.s32 $0x12000, s5  }
0x43: {  	s26 =	sadd.s32 $0x12C00, s5;
	s11 =	sadd.s32 $0x138000, s3;
	s4 =	simm.s32 $0x800  }
0x44: {  	s14 =	simm.s32 $0x80;
	s15 =	simm.s32 $0x880;
	s16 =	simm.s32 $0x100  }
0x45: {  	s17 =	simm.s32 $0x900;
	s13 =	simm.s32 $0x1;
	[smem:$0x7FC] =	sst s5  }
0x46: {  	s8 =	simm.s32 $0x2;
	s9 =	simm.s32 $0x3;
	[smem:$0x7F7] =	sst s22  }
0x47: {  	s10 =	simm.s32 $0x4;
	s12 =	simm.s32 $0x8;
	[smem:$0x7F8] =	sst s23  }
.Ltmp0:
0x48: {  	s19 =	simm.s32 $0x9;
	[smem:$0x7F9] =	sst s24;
	(pc) =	sbr.rel .LBB2_1-.Ltmp0, $4  }
0x49: {  	s20 =	simm.s32 $0xA;
	s7 =	simm.s32 $0xD;
	[smem:$0x7FA] =	sst s25  }
0x4a: {  	s21 =	simm.s32 $0xE;
	s18 =	simm.s32 $0x0;
	[smem:$0x7FB] =	sst s26  }
0x4b: {  	s26 =	simm.s32 $0x180;
	s22 =	simm.s32 $0x28;
	s23 =	simm.s32 $0xF  }
0x4c: {  	v0 =	vimm.f32 $0.0e+00;
	s24 =	simm.s32 $0x10;
	s25 =	simm.s32 $0x5;
	[smem:$0x7FD] =	sst s11  }
.LBB2_9:
0x4d: {  	_ =	swait.ge [sflag:s7], $0x1400  }
0x4e: {  	[sflag:s7] =	ssyncset.done $0x0  }
0x4f: {  	[sflag:s7] =	ssyncadd.s32 $0xFFFFEC00  }
0x50: {  	_ =	swait.ge [sflag:s21], $0x1400  }
0x51: {  	[sflag:s21] =	ssyncset.done $0x0  }
0x52: {  	[sflag:s21] =	ssyncadd.s32 $0xFFFFEC00  }
0x53: {  	_ =	swait.ge [sflag:s23], $0x1400  }
0x54: {  	[sflag:s23] =	ssyncset.done $0x0  }
0x55: {  	[sflag:s23] =	ssyncadd.s32 $0xFFFFEC00  }
0x56: {  	_ =	swait.ge [sflag:s24], $0x1400  }
0x57: {  	[sflag:s24] =	ssyncset.done $0x0  }
0x58: {  	s0 =	simm.s32 $0x11;
	[sflag:s24] =	ssyncadd.s32 $0xFFFFEC00  }
0x59: {  	_ =	swait.ge [sflag:s0], $0x1400  }
0x5a: {  	[sflag:s0] =	ssyncset.done $0x0  }
0x5b: {  	s16 =	simm.s32 $0x12;
	[sflag:s0] =	ssyncadd.s32 $0xFFFFEC00  }
0x5c: {  	_ =	swait.ge [sflag:s16], $0x1400  }
0x5d: {  	[sflag:s16] =	ssyncset.done $0x0  }
0x5e: {  	[sflag:s16] =	ssyncadd.s32 $0xFFFFEC00  }
0x5f: {  	[bflag:$0x0] =	sbarrier.arrive $0xFFFF  }
0x60: {  	s5 =	sld [smem:$0x7FC]  }
0x61: {  	s17 =	stileid.u32  }
0x62: {  	s18 =	simm.s32 $0x14;
	s0 =	sshll.u32 s17, $0x6  }
0x63: {  	s0 =	sor.u32 $0x1C14, s0;
	s4 =	rddreg [dreg:$0x10];
	s2 =	sshrl.u32 s5, $0x3  }
0x64: {  	[hbm:s4], [sflag:s0] =	dma.local [spmem:s2], $0x2700  }
0x65: {  	_ =	swait.ge [sflag:s18], $0x2700  }
0x66: {  	s11 =	sld [smem:$0x7FD]  }
0x67: {  	s4 =	sld [smem:$0x7E1]  }
0x68: {  	[sflag:s18] =	ssyncset.done $0x0  }
0x69: {  	[sflag:s18] =	ssyncadd.s32 $0xFFFFD900;
	s2 =	sshrl.u32 @!p0 s11, $0x3  }
0x6a: {  	[hbm:s4], [sflag:s0] =	dma.local @!p0 [spmem:s2], $0x100  }
0x6b: {  	s0 =	simm.s32 @!p0 $0x14  }
0x6c: {  	_ =	swait.ge @!p0 [sflag:s0], $0x100  }
0x6d: {  	s18 =	sld [smem:$0x7DB]  }
0x6e: {  	s26 =	sld [smem:$0x7E2];
	_ =	sdelay $0x1  }
0x6f: {  	s18 =	sadd.s32 $0x1, s18  }
0x70: {  	p1 =	sne.s32 s18, s26  }
.Ltmp1:
0x71: {  	_ = 	snop;
	(pc) =	sbr.rel @!p1 .LBB2_10-.Ltmp1, $4  }
0x72: {  	_ = 	snop  }
0x73: {  	s14 =	simm.s32 $0x80;
	s15 =	simm.s32 $0x880;
	s29 =	simm.s32 $0x980  }
0x74: {  	s17 =	simm.s32 $0x900;
	s16 =	simm.s32 $0x100;
	[sflag:s0] =	ssyncset.done @!p0 $0x0  }
0x75: {  	s4 =	simm.s32 $0x800;
	[sflag:s0] =	ssyncadd.s32 @!p0 $0xFFFFFF00;
	s26 =	simm.s32 $0x180  }
.LBB2_1:
0x76: {  	[smem:$0x7DB] =	sst s18  }
0x77: {  	s0 =	rddreg [dreg:$0x4]  }
0x78: {  	[tilespmem:s1], [sflag:$0x1] =	stream.linear.gather [hbm4b:s0+s1], $0x28, $0x38;
	[tilespmem:$0x1CC80] =	vst v63  }
0x79: {  	s18 =	rddreg [dreg:$0x5]  }
0x7a: {  	[tilespmem:s4], [sflag:$0x1] =	stream.linear.gather [hbm4b:s18+s1], $0x28, $0x38;
	[tilespmem:$0x1CC80] =	vst v63  }
0x7b: {  	s2 =	rddreg [dreg:$0x6]  }
0x7c: {  	[tilespmem:s14], [sflag:$0x2] =	stream.linear.gather [hbm4b:s2+s1], $0x28, $0x38;
	[tilespmem:$0x1CC80] =	vst v63  }
0x7d: {  	s18 =	rddreg [dreg:$0x7]  }
0x7e: {  	[tilespmem:s15], [sflag:$0x2] =	stream.linear.gather [hbm4b:s18+s1], $0x28, $0x38;
	[tilespmem:$0x1CC80] =	vst v63  }
0x7f: {  	s2 =	rddreg [dreg:$0x8]  }
0x80: {  	[tilespmem:s16], [sflag:$0x3] =	stream.linear.gather [hbm4b:s2+s1], $0x28, $0x38;
	[tilespmem:$0x1CC80] =	vst v63  }
0x81: {  	s18 =	rddreg [dreg:$0x9]  }
0x82: {  	[tilespmem:s17], [sflag:$0x3] =	stream.linear.gather [hbm4b:s18+s1], $0x28, $0x38;
	[tilespmem:$0x1CC80] =	vst v63  }
0x83: {  	s2 =	rddreg [dreg:$0xa]  }
0x84: {  	[tilespmem:s26], [sflag:$0x4] =	stream.linear.gather [hbm4b:s2+s1], $0x28, $0x38;
	[tilespmem:$0x1CC80] =	vst v63  }
0x85: {  	s0 =	simm.s32 $0x0;
	s18 =	rddreg [dreg:$0xb];
	s2 =	simm.s32 $0x200  }
0x86: {  	[tilespmem:s29], [sflag:$0x4] =	stream.linear.gather [hbm4b:s18+s1], $0x28, $0x38;
	[tilespmem:$0x1CC80] =	vst v63  }
.LBB2_2:
0x87: {  	p1 =	sne.s32 s2, $0x2E00;
	[tilespmem:s0+$0x8870] =	vst v0  }
0x88: {  	[tilespmem:s0+$0x8800] =	vst v0  }
0x89: {  	[tilespmem:s0+$0x8810] =	vst v0  }
.Ltmp2:
0x8a: {  	[tilespmem:s0+$0x8820] =	vst v0;
	(pc) =	sbr.rel @p1 .LBB2_2-.Ltmp2, $4  }
0x8b: {  	[tilespmem:s0+$0x8830] =	vst v0  }
0x8c: {  	[tilespmem:s0+$0x8840] =	vst v0  }
0x8d: {  	[tilespmem:s0+$0x8850] =	vst v0  }
0x8e: {  	[tilespmem:s0+$0x8860] =	vst v0;
	s0 =	sshra.s32 s2, $0x2;
	s2 =	sadd.s32 $0x200, s2  }
0x8f: {  	[tilespmem:s0+$0x8870] =	vst v0  }
0x90: {  	[tilespmem:s0+$0x8800] =	vst v0  }
0x91: {  	[tilespmem:s0+$0x8810] =	vst v0  }
0x92: {  	[tilespmem:s0+$0x8820] =	vst v0  }
0x93: {  	[tilespmem:s0+$0x8830] =	vst v0  }
0x94: {  	[tilespmem:s0+$0x8840] =	vst v0  }
0x95: {  	[tilespmem:s0+$0x8850] =	vst v0  }
0x96: {  	[tilespmem:s0+$0x8860] =	vst v0;
	s2 =	simm.s32 $0x8800  }
0x97: {  	[spmem:s5] =	stream.linear.scatter [tilespmem:s2], [sflag:$0x13], $0xC00, $0x38;
	[tilespmem:$0x1CC80] =	vst v63  }
0x98: {  	s5 =	sld [smem:$0x7E3];
	_ =	sdelay $0x1  }
0x99: {  	s18 =	sld [smem:$0x7E4]  }
0x9a: {  	[spmem:s5] =	stream.linear.scatter [tilespmem:s2], [sflag:$0x13], $0xC00, $0x38;
	[tilespmem:$0x1CC80] =	vst v63  }
0x9b: {  	s5 =	sld [smem:$0x7E5]  }
0x9c: {  	[spmem:s18] =	stream.linear.scatter [tilespmem:s2], [sflag:$0x13], $0xC00, $0x38;
	[tilespmem:$0x1CC80] =	vst v63  }
0x9d: {  	s18 =	sld [smem:$0x7E6]  }
0x9e: {  	[spmem:s5] =	stream.linear.scatter [tilespmem:s2], [sflag:$0x13], $0xC00, $0x38;
	[tilespmem:$0x1CC80] =	vst v63  }
0x9f: {  	s5 =	sld [smem:$0x7E7]  }
0xa0: {  	[spmem:s18] =	stream.linear.scatter [tilespmem:s2], [sflag:$0x13], $0xC00, $0x38;
	[tilespmem:$0x1CC80] =	vst v63  }
0xa1: {  	s18 =	sld [smem:$0x7E8]  }
0xa2: {  	[spmem:s5] =	stream.linear.scatter [tilespmem:s2], [sflag:$0x13], $0xC00, $0x38;
	[tilespmem:$0x1CC80] =	vst v63  }
0xa3: {  	s5 =	sld [smem:$0x7E9]  }
0xa4: {  	[spmem:s18] =	stream.linear.scatter [tilespmem:s2], [sflag:$0x13], $0xC00, $0x38;
	[tilespmem:$0x1CC80] =	vst v63  }
0xa5: {  	s18 =	sld [smem:$0x7EA]  }
0xa6: {  	[spmem:s5] =	stream.linear.scatter [tilespmem:s2], [sflag:$0x13], $0xC00, $0x38;
	[tilespmem:$0x1CC80] =	vst v63  }
0xa7: {  	s5 =	sld [smem:$0x7EB]  }
0xa8: {  	[spmem:s18] =	stream.linear.scatter [tilespmem:s2], [sflag:$0x13], $0xC00, $0x38;
	[tilespmem:$0x1CC80] =	vst v63  }
0xa9: {  	s18 =	sld [smem:$0x7EC]  }
0xaa: {  	[spmem:s5] =	stream.linear.scatter [tilespmem:s2], [sflag:$0x13], $0xC00, $0x38;
	[tilespmem:$0x1CC80] =	vst v63  }
0xab: {  	s5 =	sld [smem:$0x7ED]  }
0xac: {  	[spmem:s18] =	stream.linear.scatter [tilespmem:s2], [sflag:$0x13], $0xC00, $0x38;
	[tilespmem:$0x1CC80] =	vst v63  }
0xad: {  	s18 =	sld [smem:$0x7EE]  }
0xae: {  	[spmem:s5] =	stream.linear.scatter [tilespmem:s2], [sflag:$0x13], $0xC00, $0x38;
	[tilespmem:$0x1CC80] =	vst v63  }
0xaf: {  	s5 =	sld [smem:$0x7EF]  }
0xb0: {  	[spmem:s18] =	stream.linear.scatter [tilespmem:s2], [sflag:$0x13], $0xC00, $0x38;
	[tilespmem:$0x1CC80] =	vst v63  }
0xb1: {  	s18 =	sld [smem:$0x7F0]  }
0xb2: {  	[spmem:s5] =	stream.linear.scatter [tilespmem:s2], [sflag:$0x13], $0xC00, $0x38;
	[tilespmem:$0x1CC80] =	vst v63  }
0xb3: {  	s5 =	sld [smem:$0x7F1]  }
0xb4: {  	[spmem:s18] =	stream.linear.scatter [tilespmem:s2], [sflag:$0x13], $0xC00, $0x38;
	[tilespmem:$0x1CC80] =	vst v63  }
0xb5: {  	s18 =	sld [smem:$0x7F2]  }
0xb6: {  	[spmem:s5] =	stream.linear.scatter [tilespmem:s2], [sflag:$0x13], $0xC00, $0x38;
	[tilespmem:$0x1CC80] =	vst v63  }
0xb7: {  	s5 =	sld [smem:$0x7F3]  }
0xb8: {  	[spmem:s18] =	stream.linear.scatter [tilespmem:s2], [sflag:$0x13], $0xC00, $0x38;
	[tilespmem:$0x1CC80] =	vst v63  }
0xb9: {  	s18 =	sld [smem:$0x7F4]  }
0xba: {  	[spmem:s5] =	stream.linear.scatter [tilespmem:s2], [sflag:$0x13], $0xC00, $0x38;
	[tilespmem:$0x1CC80] =	vst v63  }
0xbb: {  	s5 =	sld [smem:$0x7F5]  }
0xbc: {  	[spmem:s18] =	stream.linear.scatter [tilespmem:s2], [sflag:$0x13], $0xC00, $0x38;
	[tilespmem:$0x1CC80] =	vst v63  }
0xbd: {  	s18 =	sld [smem:$0x7F6]  }
0xbe: {  	[spmem:s5] =	stream.linear.scatter [tilespmem:s2], [sflag:$0x13], $0xC00, $0x38;
	[tilespmem:$0x1CC80] =	vst v63  }
0xbf: {  	s5 =	sld [smem:$0x7F7]  }
0xc0: {  	[spmem:s18] =	stream.linear.scatter [tilespmem:s2], [sflag:$0x13], $0xC00, $0x38;
	[tilespmem:$0x1CC80] =	vst v63  }
0xc1: {  	s18 =	sld [smem:$0x7F8]  }
0xc2: {  	[spmem:s5] =	stream.linear.scatter [tilespmem:s2], [sflag:$0x13], $0xC00, $0x38;
	[tilespmem:$0x1CC80] =	vst v63  }
0xc3: {  	s5 =	sld [smem:$0x7F9]  }
0xc4: {  	[spmem:s18] =	stream.linear.scatter [tilespmem:s2], [sflag:$0x13], $0xC00, $0x38;
	[tilespmem:$0x1CC80] =	vst v63  }
0xc5: {  	s18 =	sld [smem:$0x7FA]  }
0xc6: {  	[spmem:s5] =	stream.linear.scatter [tilespmem:s2], [sflag:$0x13], $0xC00, $0x38;
	[tilespmem:$0x1CC80] =	vst v63  }
0xc7: {  	s5 =	sld [smem:$0x7FB]  }
0xc8: {  	[spmem:s18] =	stream.linear.scatter [tilespmem:s2], [sflag:$0x13], $0xC00, $0x38;
	[tilespmem:$0x1CC80] =	vst v63  }
0xc9: {  	_ = 	snop  }
0xca: {  	[spmem:s5] =	stream.linear.scatter [tilespmem:s2], [sflag:$0x13], $0xC00, $0x38;
	[tilespmem:$0x1CC80] =	vst v63  }
0xcb: {  	s0 =	simm.s32 @!p0 $0x8800  }
0xcc: {  	[spmem:s11] =	stream.linear.scatter @!p0 [tilespmem:s0], [sflag:$0x13], $0x800, $0x38;
	[tilespmem:$0x1CC80] =	vst v63  }
0xcd: {  	_ =	swait.ge [sflag:s13], $0x28  }
0xce: {  	[sflag:s13] =	ssyncset.done $0x0  }
0xcf: {  	[sflag:s13] =	ssyncadd.s32 $0xFFFFFFD8  }
0xd0: {  	_ =	swait.ge [sflag:s13], $0x28  }
0xd1: {  	[sflag:s13] =	ssyncset.done $0x0  }
0xd2: {  	[sflag:s13] =	ssyncadd.s32 $0xFFFFFFD8  }
0xd3: {  	[tilespmem:s30], [sflag:$0x7] =	stream.indirect.gather [hbm4b:s6+s22], $0x80, s1, s22, $0xb8;
	[tilespmem:$0x1CC80] =	vst v63  }
0xd4: {  	_ =	swait.ge [sflag:s8], $0x28  }
0xd5: {  	[sflag:s8] =	ssyncset.done $0x0  }
0xd6: {  	[sflag:s8] =	ssyncadd.s32 $0xFFFFFFD8  }
0xd7: {  	_ =	swait.ge [sflag:s8], $0x28  }
0xd8: {  	[sflag:s8] =	ssyncset.done $0x0  }
0xd9: {  	[sflag:s8] =	ssyncadd.s32 $0xFFFFFFD8  }
0xda: {  	[tilespmem:s31], [sflag:$0x8] =	stream.indirect.gather [hbm4b:s6+s22], $0x80, s14, s22, $0xb8;
	[tilespmem:$0x1CC80] =	vst v63  }
0xdb: {  	_ =	swait.ge [sflag:s9], $0x28  }
0xdc: {  	[sflag:s9] =	ssyncset.done $0x0  }
0xdd: {  	[sflag:s9] =	ssyncadd.s32 $0xFFFFFFD8  }
0xde: {  	_ =	swait.ge [sflag:s9], $0x28  }
0xdf: {  	[sflag:s9] =	ssyncset.done $0x0  }
0xe0: {  	s11 =	simm.s32 $0x3800;
	[sflag:s9] =	ssyncadd.s32 $0xFFFFFFD8  }
0xe1: {  	[tilespmem:s11], [sflag:$0x9] =	stream.indirect.gather [hbm4b:s6+s22], $0x80, s16, s22, $0xb8;
	[tilespmem:$0x1CC80] =	vst v63  }
0xe2: {  	_ =	swait.ge [sflag:s10], $0x28  }
0xe3: {  	[sflag:s10] =	ssyncset.done $0x0  }
0xe4: {  	[sflag:s10] =	ssyncadd.s32 $0xFFFFFFD8  }
0xe5: {  	_ =	swait.ge [sflag:s10], $0x28  }
0xe6: {  	[sflag:s10] =	ssyncset.done $0x0  }
0xe7: {  	s2 =	simm.s32 $0x4C00;
	[sflag:s10] =	ssyncadd.s32 $0xFFFFFFD8  }
0xe8: {  	[tilespmem:s2], [sflag:$0xA] =	stream.indirect.gather [hbm4b:s6+s22], $0x80, s26, s22, $0xb8;
	[tilespmem:$0x1CC80] =	vst v63  }
0xe9: {  	s18 =	rddreg [dreg:$0xc];
	s26 =	simm.s32 $0x200  }
0xea: {  	[tilespmem:s26], [sflag:$0x1] =	stream.linear.gather [hbm4b:s18+s1], $0x28, $0x38;
	[tilespmem:$0x1CC80] =	vst v63  }
0xeb: {  	s16 =	simm.s32 $0xA00;
	s14 =	rddreg [dreg:$0xd]  }
0xec: {  	[tilespmem:s16], [sflag:$0x1] =	stream.linear.gather [hbm4b:s14+s1], $0x28, $0x38;
	[tilespmem:$0x1CC80] =	vst v63  }
0xed: {  	s18 =	rddreg [dreg:$0xe];
	s26 =	simm.s32 $0x280  }
0xee: {  	[tilespmem:s26], [sflag:$0x2] =	stream.linear.gather [hbm4b:s18+s1], $0x28, $0x38;
	[tilespmem:$0x1CC80] =	vst v63  }
0xef: {  	s14 =	rddreg [dreg:$0xf];
	s16 =	simm.s32 $0xA80  }
0xf0: {  	[tilespmem:s16], [sflag:$0x2] =	stream.linear.gather [hbm4b:s14+s1], $0x28, $0x38;
	[tilespmem:$0x1CC80] =	vst v63  }
0xf1: {  	s18 =	rddreg [dreg:$0x11];
	s26 =	simm.s32 $0x300  }
0xf2: {  	[tilespmem:s26], [sflag:$0x3] =	stream.linear.gather [hbm4b:s18+s1], $0x28, $0x38;
	[tilespmem:$0x1CC80] =	vst v63  }
0xf3: {  	s14 =	rddreg [dreg:$0x12];
	s16 =	simm.s32 $0xB00  }
0xf4: {  	[tilespmem:s16], [sflag:$0x3] =	stream.linear.gather [hbm4b:s14+s1], $0x28, $0x38;
	[tilespmem:$0x1CC80] =	vst v63  }
0xf5: {  	s18 =	rddreg [dreg:$0x13];
	s26 =	simm.s32 $0x380  }
0xf6: {  	[tilespmem:s26], [sflag:$0x4] =	stream.linear.gather [hbm4b:s18+s1], $0x28, $0x38;
	[tilespmem:$0x1CC80] =	vst v63  }
0xf7: {  	s14 =	rddreg [dreg:$0x14];
	s16 =	simm.s32 $0xB80  }
0xf8: {  	[tilespmem:s16], [sflag:$0x4] =	stream.linear.gather [hbm4b:s14+s1], $0x28, $0x38;
	[tilespmem:$0x1CC80] =	vst v63  }
0xf9: {  	s18 =	rddreg [dreg:$0x15];
	s26 =	simm.s32 $0x400  }
0xfa: {  	[tilespmem:s26], [sflag:$0x5] =	stream.linear.gather [hbm4b:s18+s1], $0x28, $0x38;
	[tilespmem:$0x1CC80] =	vst v63  }
0xfb: {  	s14 =	rddreg [dreg:$0x16];
	s16 =	simm.s32 $0xC00  }
0xfc: {  	[tilespmem:s16], [sflag:$0x5] =	stream.linear.gather [hbm4b:s14+s1], $0x28, $0x38;
	[tilespmem:$0x1CC80] =	vst v63  }
0xfd: {  	s18 =	rddreg [dreg:$0x17];
	s26 =	simm.s32 $0x480  }
0xfe: {  	[tilespmem:s26], [sflag:$0x6] =	stream.linear.gather [hbm4b:s18+s1], $0x28, $0x38;
	[tilespmem:$0x1CC80] =	vst v63  }
0xff: {  	s14 =	rddreg [dreg:$0x18];
	s16 =	simm.s32 $0xC80;
	s18 =	simm.s32 $0x13  }
0x100: {  	[tilespmem:s16], [sflag:$0x6] =	stream.linear.gather [hbm4b:s14+s1], $0x28, $0x38;
	[tilespmem:$0x1CC80] =	vst v63  }
0x101: {  	_ =	swait.ge [sflag:s18], $0xC00  }
0x102: {  	[sflag:s18] =	ssyncset.done $0x0  }
0x103: {  	[sflag:s18] =	ssyncadd.s32 $0xFFFFF400  }
0x104: {  	_ =	swait.ge [sflag:s18], $0xC00  }
0x105: {  	[sflag:s18] =	ssyncset.done $0x0  }
0x106: {  	[sflag:s18] =	ssyncadd.s32 $0xFFFFF400  }
0x107: {  	_ =	swait.ge [sflag:s18], $0xC00  }
0x108: {  	[sflag:s18] =	ssyncset.done $0x0  }
0x109: {  	[sflag:s18] =	ssyncadd.s32 $0xFFFFF400  }
0x10a: {  	_ =	swait.ge [sflag:s18], $0xC00  }
0x10b: {  	[sflag:s18] =	ssyncset.done $0x0  }
0x10c: {  	[sflag:s18] =	ssyncadd.s32 $0xFFFFF400  }
0x10d: {  	_ =	swait.ge [sflag:s18], $0xC00  }
0x10e: {  	[sflag:s18] =	ssyncset.done $0x0  }
0x10f: {  	[sflag:s18] =	ssyncadd.s32 $0xFFFFF400  }
0x110: {  	_ =	swait.ge [sflag:s18], $0xC00  }
0x111: {  	[sflag:s18] =	ssyncset.done $0x0  }
0x112: {  	[sflag:s18] =	ssyncadd.s32 $0xFFFFF400  }
0x113: {  	_ =	swait.ge [sflag:s18], $0xC00  }
0x114: {  	[sflag:s18] =	ssyncset.done $0x0  }
0x115: {  	[sflag:s18] =	ssyncadd.s32 $0xFFFFF400  }
0x116: {  	_ =	swait.ge [sflag:s18], $0xC00  }
0x117: {  	[sflag:s18] =	ssyncset.done $0x0  }
0x118: {  	[sflag:s18] =	ssyncadd.s32 $0xFFFFF400  }
0x119: {  	_ =	swait.ge [sflag:s18], $0xC00  }
0x11a: {  	[sflag:s18] =	ssyncset.done $0x0  }
0x11b: {  	[sflag:s18] =	ssyncadd.s32 $0xFFFFF400  }
0x11c: {  	_ =	swait.ge [sflag:s18], $0xC00  }
0x11d: {  	[sflag:s18] =	ssyncset.done $0x0  }
0x11e: {  	[sflag:s18] =	ssyncadd.s32 $0xFFFFF400  }
0x11f: {  	_ =	swait.ge [sflag:s18], $0xC00  }
0x120: {  	[sflag:s18] =	ssyncset.done $0x0  }
0x121: {  	[sflag:s18] =	ssyncadd.s32 $0xFFFFF400  }
0x122: {  	_ =	swait.ge [sflag:s18], $0xC00  }
0x123: {  	[sflag:s18] =	ssyncset.done $0x0  }
0x124: {  	[sflag:s18] =	ssyncadd.s32 $0xFFFFF400  }
0x125: {  	_ =	swait.ge [sflag:s18], $0xC00  }
0x126: {  	[sflag:s18] =	ssyncset.done $0x0  }
0x127: {  	[sflag:s18] =	ssyncadd.s32 $0xFFFFF400  }
0x128: {  	_ =	swait.ge [sflag:s18], $0xC00  }
0x129: {  	[sflag:s18] =	ssyncset.done $0x0  }
0x12a: {  	[sflag:s18] =	ssyncadd.s32 $0xFFFFF400  }
0x12b: {  	_ =	swait.ge [sflag:s18], $0xC00  }
0x12c: {  	[sflag:s18] =	ssyncset.done $0x0  }
0x12d: {  	[sflag:s18] =	ssyncadd.s32 $0xFFFFF400  }
0x12e: {  	_ =	swait.ge [sflag:s18], $0xC00  }
0x12f: {  	[sflag:s18] =	ssyncset.done $0x0  }
0x130: {  	[sflag:s18] =	ssyncadd.s32 $0xFFFFF400  }
0x131: {  	_ =	swait.ge [sflag:s18], $0xC00  }
0x132: {  	[sflag:s18] =	ssyncset.done $0x0  }
0x133: {  	[sflag:s18] =	ssyncadd.s32 $0xFFFFF400  }
0x134: {  	_ =	swait.ge [sflag:s18], $0xC00  }
0x135: {  	[sflag:s18] =	ssyncset.done $0x0  }
0x136: {  	[sflag:s18] =	ssyncadd.s32 $0xFFFFF400  }
0x137: {  	_ =	swait.ge [sflag:s18], $0xC00  }
0x138: {  	[sflag:s18] =	ssyncset.done $0x0  }
0x139: {  	[sflag:s18] =	ssyncadd.s32 $0xFFFFF400  }
0x13a: {  	_ =	swait.ge [sflag:s18], $0xC00  }
0x13b: {  	[sflag:s18] =	ssyncset.done $0x0  }
0x13c: {  	[sflag:s18] =	ssyncadd.s32 $0xFFFFF400  }
0x13d: {  	_ =	swait.ge [sflag:s18], $0xC00  }
0x13e: {  	[sflag:s18] =	ssyncset.done $0x0  }
0x13f: {  	[sflag:s18] =	ssyncadd.s32 $0xFFFFF400  }
0x140: {  	_ =	swait.ge [sflag:s18], $0xC00  }
0x141: {  	[sflag:s18] =	ssyncset.done $0x0  }
0x142: {  	[sflag:s18] =	ssyncadd.s32 $0xFFFFF400  }
0x143: {  	_ =	swait.ge [sflag:s18], $0xC00  }
0x144: {  	[sflag:s18] =	ssyncset.done $0x0  }
0x145: {  	[sflag:s18] =	ssyncadd.s32 $0xFFFFF400  }
0x146: {  	_ =	swait.ge [sflag:s18], $0xC00  }
0x147: {  	[sflag:s18] =	ssyncset.done $0x0  }
0x148: {  	[sflag:s18] =	ssyncadd.s32 $0xFFFFF400  }
0x149: {  	_ =	swait.ge [sflag:s18], $0xC00  }
0x14a: {  	[sflag:s18] =	ssyncset.done $0x0  }
0x14b: {  	[sflag:s18] =	ssyncadd.s32 $0xFFFFF400  }
0x14c: {  	_ =	swait.ge [sflag:s18], $0xC00  }
0x14d: {  	[sflag:s18] =	ssyncset.done $0x0  }
0x14e: {  	s0 =	simm.s32 @!p0 $0x13;
	[sflag:s18] =	ssyncadd.s32 $0xFFFFF400  }
0x14f: {  	_ =	swait.ge @!p0 [sflag:s0], $0x800  }
0x150: {  	[sflag:s0] =	ssyncset.done @!p0 $0x0  }
0x151: {  	[sflag:s0] =	ssyncadd.s32 @!p0 $0xFFFFF800  }
0x152: {  	s26 =	simm.s32 $0x7;
	[bflag:$0x0] =	sbarrier.arrive $0xFFFF  }
0x153: {  	_ =	swait.ge [sflag:s26], $0x1400  }
0x154: {  	[sflag:s26] =	ssyncset.done $0x0  }
0x155: {  	[sflag:s26] =	ssyncadd.s32 $0xFFFFEC00  }
0x156: {  	[spmem:s3] =	stream.indirect.scatter.add.f32 [tilespmem:s30], [sflag:$0xD], $0x80, s4, s22, $0xb8;
	[tilespmem:$0x1CC80] =	vst v63  }
0x157: {  	_ =	swait.ge [sflag:s12], $0x1400  }
0x158: {  	[sflag:s12] =	ssyncset.done $0x0  }
0x159: {  	[sflag:s12] =	ssyncadd.s32 $0xFFFFEC00  }
0x15a: {  	[spmem:s3] =	stream.indirect.scatter.add.f32 [tilespmem:s31], [sflag:$0xE], $0x80, s15, s22, $0xb8;
	[tilespmem:$0x1CC80] =	vst v63  }
0x15b: {  	_ =	swait.ge [sflag:s19], $0x1400  }
0x15c: {  	[sflag:s19] =	ssyncset.done $0x0  }
0x15d: {  	[sflag:s19] =	ssyncadd.s32 $0xFFFFEC00  }
0x15e: {  	[spmem:s3] =	stream.indirect.scatter.add.f32 [tilespmem:s11], [sflag:$0xF], $0x80, s17, s22, $0xb8;
	[tilespmem:$0x1CC80] =	vst v63  }
.Ltmp3:
0x15f: {  	_ =	swait.ge [sflag:s20], $0x1400;
	(pc) =	sbr.rel .LBB2_4-.Ltmp3, $4  }
0x160: {  	[sflag:s20] =	ssyncset.done $0x0  }
0x161: {  	s18 =	simm.s32 $0x6000;
	[sflag:s20] =	ssyncadd.s32 $0xFFFFEC00  }
0x162: {  	[spmem:s3] =	stream.indirect.scatter.add.f32 [tilespmem:s2], [sflag:$0x10], $0x80, s29, s22, $0xb8;
	[tilespmem:$0x1CC80] =	vst v63  }
0x163: {  	s4 =	simm.s32 $0x0;
	s29 =	simm.s32 $0x4C00;
	s2 =	simm.s32 $0x0  }
.LBB2_5:
0x164: {  	s26 =	simm.s32 $0x480;
	s11 =	simm.s32 $0x7400  }
0x165: {  	[tilespmem:s11], [sflag:$0xC] =	stream.indirect.gather [hbm4b:s6+s22], $0x80, s26, s22, $0xb8;
	[tilespmem:$0x1CC80] =	vst v63  }
.LBB2_7:
0x166: {  	s29 =	sadd.s32 $0xA, s4  }
0x167: {  	s11 =	sand.u32 $0xFF, s29  }
0x168: {  	s11 =	smul.u32 $0xAB, s11;
	_ =	sdelay $0x1  }
0x169: {  	s11 =	sshrl.u32 s11, $0xB  }
0x16a: {  	s11 =	smul.u32 $0xC, s11  }
0x16b: {  	s31 =	sld [smem:$0x7E0]  }
0x16c: {  	s11 =	ssub.s32 s29, s11  }
0x16d: {  	s18 =	sadd.s32 $0xB, s4;
	s11 =	sand.u32 $0xFF, s11  }
0x16e: {  	s30 =	sand.u32 $0xFF, s18;
	s31 =	sadd.s32 s2, s31;
	s11 =	sshll.u32 s11, $0x7  }
0x16f: {  	[tilespmem:s11], [sflag:$0x1] =	stream.linear.gather [hbm4b:s31+s1], $0x28, $0x38;
	[tilespmem:$0x1CC80] =	vst v63  }
0x170: {  	s30 =	smul.u32 $0xAB, s30;
	s31 =	sld [smem:$0x7DF]  }
0x171: {  	_ = 	snop  }
0x172: {  	s30 =	sshrl.u32 s30, $0xB  }
0x173: {  	s30 =	smul.u32 $0xC, s30;
	s11 =	sor.u32 $0x800, s11;
	s31 =	sadd.s32 s2, s31  }
0x174: {  	[tilespmem:s11], [sflag:$0x1] =	stream.linear.gather [hbm4b:s31+s1], $0x28, $0x38;
	[tilespmem:$0x1CC80] =	vst v63  }
0x175: {  	s31 =	sld [smem:$0x7DE]  }
0x176: {  	s11 =	ssub.s32 s18, s30  }
0x177: {  	s18 =	sadd.s32 $0xC, s4;
	s11 =	sand.u32 $0xFF, s11  }
0x178: {  	s30 =	sand.u32 $0xFF, s18;
	s11 =	sshll.u32 s11, $0x7;
	s31 =	sadd.s32 s2, s31  }
0x179: {  	[tilespmem:s11], [sflag:$0x2] =	stream.linear.gather [hbm4b:s31+s1], $0x28, $0x38;
	[tilespmem:$0x1CC80] =	vst v63  }
0x17a: {  	s30 =	smul.u32 $0xAB, s30;
	s31 =	sld [smem:$0x7DD]  }
0x17b: {  	_ = 	snop  }
0x17c: {  	s30 =	sshrl.u32 s30, $0xB  }
0x17d: {  	s11 =	sor.u32 $0x800, s11;
	s30 =	smul.u32 $0xC, s30;
	s31 =	sadd.s32 s2, s31  }
0x17e: {  	[tilespmem:s11], [sflag:$0x2] =	stream.linear.gather [hbm4b:s31+s1], $0x28, $0x38;
	[tilespmem:$0x1CC80] =	vst v63  }
0x17f: {  	s31 =	sld [smem:$0x7DC]  }
0x180: {  	s11 =	ssub.s32 s18, s30;
	s18 =	sadd.s32 $0xD, s4  }
0x181: {  	s11 =	sand.u32 $0xFF, s11;
	s30 =	sand.u32 $0xFF, s18  }
0x182: {  	s11 =	sshll.u32 s11, $0x7;
	s30 =	smul.u32 $0xAB, s30;
	s31 =	sadd.s32 s2, s31  }
0x183: {  	[tilespmem:s11], [sflag:$0x3] =	stream.linear.gather [hbm4b:s31+s1], $0x28, $0x38;
	[tilespmem:$0x1CC80] =	vst v63  }
0x184: {  	s30 =	sshrl.u32 s30, $0xB;
	s31 =	rddreg [dreg:$0x1f]  }
0x185: {  	s11 =	sor.u32 $0x800, s11;
	s31 =	sadd.s32 s2, s31;
	s30 =	smul.u32 $0xC, s30  }
0x186: {  	[tilespmem:s11], [sflag:$0x3] =	stream.linear.gather [hbm4b:s31+s1], $0x28, $0x38;
	[tilespmem:$0x1CC80] =	vst v63  }
0x187: {  	s11 =	ssub.s32 s18, s30;
	s18 =	sadd.s32 $0xE, s4  }
0x188: {  	s31 =	rddreg [dreg:$0x1e];
	s11 =	sand.u32 $0xFF, s11;
	s30 =	sand.u32 $0xFF, s18  }
0x189: {  	s31 =	sadd.s32 s2, s31;
	s11 =	sshll.u32 s11, $0x7;
	s30 =	smul.u32 $0xAB, s30  }
0x18a: {  	[tilespmem:s11], [sflag:$0x4] =	stream.linear.gather [hbm4b:s31+s1], $0x28, $0x38;
	[tilespmem:$0x1CC80] =	vst v63  }
0x18b: {  	s31 =	rddreg [dreg:$0x1d];
	s30 =	sshrl.u32 s30, $0xB  }
0x18c: {  	s11 =	sor.u32 $0x800, s11;
	s31 =	sadd.s32 s2, s31;
	s30 =	smul.u32 $0xC, s30  }
0x18d: {  	[tilespmem:s11], [sflag:$0x4] =	stream.linear.gather [hbm4b:s31+s1], $0x28, $0x38;
	[tilespmem:$0x1CC80] =	vst v63  }
0x18e: {  	s4 =	sadd.s32 $0xF, s4;
	s29 =	ssub.s32 s18, s30  }
0x18f: {  	s18 =	sand.u32 $0xFF, s4;
	s30 =	rddreg [dreg:$0x1c];
	s11 =	sand.u32 $0xFF, s29  }
0x190: {  	s30 =	sadd.s32 s2, s30;
	s29 =	smul.u32 $0xAB, s18;
	s11 =	sshll.u32 s11, $0x7  }
0x191: {  	[tilespmem:s11], [sflag:$0x5] =	stream.linear.gather [hbm4b:s30+s1], $0x28, $0x38;
	[tilespmem:$0x1CC80] =	vst v63  }
0x192: {  	s29 =	sshrl.u32 s29, $0xB;
	s30 =	rddreg [dreg:$0x1b]  }
0x193: {  	s11 =	sor.u32 $0x800, s11;
	s30 =	sadd.s32 s2, s30;
	s29 =	smul.u32 $0xC, s29  }
0x194: {  	[tilespmem:s11], [sflag:$0x5] =	stream.linear.gather [hbm4b:s30+s1], $0x28, $0x38;
	[tilespmem:$0x1CC80] =	vst v63  }
0x195: {  	s4 =	ssub.s32 s4, s29  }
0x196: {  	s18 =	rddreg [dreg:$0x1a];
	s4 =	sand.u32 $0xFF, s4  }
0x197: {  	s11 =	sadd.s32 s2, s18;
	s29 =	rddreg [dreg:$0x19];
	s4 =	sshll.u32 s4, $0x7  }
0x198: {  	[tilespmem:s4], [sflag:$0x6] =	stream.linear.gather [hbm4b:s11+s1], $0x28, $0x38;
	[tilespmem:$0x1CC80] =	vst v63  }
0x199: {  	s4 =	sor.u32 $0x800, s4;
	s11 =	sadd.s32 s2, s29  }
0x19a: {  	[tilespmem:s4], [sflag:$0x6] =	stream.linear.gather [hbm4b:s11+s1], $0x28, $0x38;
	[tilespmem:$0x1CC80] =	vst v63  }
0x19b: {  	s31 =	simm.s32 $0x2400;
	s30 =	simm.s32 $0x1000;
	s11 =	simm.s32 $0x3800  }
.LBB2_8:
0x19c: {  	s4 =	simm.s32 $0x7  }
0x19d: {  	_ =	swait.ge [sflag:s4], $0x1400  }
0x19e: {  	[sflag:s4] =	ssyncset.done $0x0  }
0x19f: {  	s5 =	sadd.s32 $0x800, s5;
	[sflag:s4] =	ssyncadd.s32 $0xFFFFEC00  }
0x1a0: {  	[spmem:s3] =	stream.indirect.scatter.add.f32 [tilespmem:s30], [sflag:$0xD], $0x80, s5, s22, $0xb8;
	[tilespmem:$0x1CC80] =	vst v63  }
0x1a1: {  	_ =	swait.ge [sflag:s12], $0x1400  }
0x1a2: {  	[sflag:s12] =	ssyncset.done $0x0  }
0x1a3: {  	s15 =	sadd.s32 $0x800, s15;
	[sflag:s12] =	ssyncadd.s32 $0xFFFFEC00  }
0x1a4: {  	[spmem:s3] =	stream.indirect.scatter.add.f32 [tilespmem:s31], [sflag:$0xE], $0x80, s15, s22, $0xb8;
	[tilespmem:$0x1CC80] =	vst v63  }
0x1a5: {  	_ =	swait.ge [sflag:s19], $0x1400  }
0x1a6: {  	[sflag:s19] =	ssyncset.done $0x0  }
0x1a7: {  	s18 =	sadd.s32 $0x800, s16;
	[sflag:s19] =	ssyncadd.s32 $0xFFFFEC00  }
0x1a8: {  	[spmem:s3] =	stream.indirect.scatter.add.f32 [tilespmem:s11], [sflag:$0xF], $0x80, s18, s22, $0xb8;
	[tilespmem:$0x1CC80] =	vst v63  }
0x1a9: {  	_ =	swait.ge [sflag:s20], $0x1400  }
0x1aa: {  	s29 =	simm.s32 $0x4C00;
	[sflag:s20] =	ssyncset.done $0x0  }
0x1ab: {  	s5 =	sadd.s32 $0x800, s17;
	s15 =	simm.s32 $0xB;
	[sflag:s20] =	ssyncadd.s32 $0xFFFFEC00  }
0x1ac: {  	[spmem:s3] =	stream.indirect.scatter.add.f32 [tilespmem:s29], [sflag:$0x10], $0x80, s5, s22, $0xb8;
	[tilespmem:$0x1CC80] =	vst v63  }
0x1ad: {  	_ =	swait.ge [sflag:s15], $0x1400  }
0x1ae: {  	s0 =	sadd.s32 $0x800, s0;
	s2 =	sadd.s32 $0x1E, s2;
	[sflag:s15] =	ssyncset.done $0x0  }
0x1af: {  	p1 =	sne.s32 s2, $0x4CE;
	s18 =	simm.s32 $0x6000;
	[sflag:s15] =	ssyncadd.s32 $0xFFFFEC00  }
0x1b0: {  	[spmem:s3] =	stream.indirect.scatter.add.f32 [tilespmem:s18], [sflag:$0x11], $0x80, s0, s22, $0xb8;
	[tilespmem:$0x1CC80] =	vst v63  }
.Ltmp4:
0x1b1: {  	s16 =	simm.s32 $0xC;
	(pc) =	sbr.rel @!p1 .LBB2_9-.Ltmp4, $4  }
0x1b2: {  	_ =	swait.ge [sflag:s16], $0x1400  }
0x1b3: {  	s4 =	smov.u32 s14;
	[sflag:s16] =	ssyncset.done $0x0  }
0x1b4: {  	s17 =	sadd.s32 $0x800, s26;
	s26 =	simm.s32 $0x7400;
	[sflag:s16] =	ssyncadd.s32 $0xFFFFEC00  }
0x1b5: {  	[spmem:s3] =	stream.indirect.scatter.add.f32 [tilespmem:s26], [sflag:$0x12], $0x80, s17, s22, $0xb8;
	[tilespmem:$0x1CC80] =	vst v63  }
.LBB2_4:
0x1b6: {  	s0 =	sadd.s32 $0x4, s4  }
0x1b7: {  	_ =	swait.ge [sflag:s13], $0x28;
	s5 =	sand.u32 $0xFF, s0  }
0x1b8: {  	[sflag:s13] =	ssyncset.done $0x0;
	s5 =	smul.u32 $0xAB, s5  }
0x1b9: {  	[sflag:s13] =	ssyncadd.s32 $0xFFFFFFD8  }
0x1ba: {  	_ =	swait.ge [sflag:s13], $0x28;
	s5 =	sshrl.u32 s5, $0xB  }
0x1bb: {  	[sflag:s13] =	ssyncset.done $0x0;
	s5 =	smul.u32 $0xC, s5  }
0x1bc: {  	[sflag:s13] =	ssyncadd.s32 $0xFFFFFFD8  }
0x1bd: {  	_ =	swait.ge [sflag:s7], $0x1400;
	s0 =	ssub.s32 s0, s5  }
0x1be: {  	[sflag:s7] =	ssyncset.done $0x0;
	s0 =	sand.u32 $0xFF, s0  }
0x1bf: {  	s16 =	sadd.s32 $0x5, s4;
	[sflag:s7] =	ssyncadd.s32 $0xFFFFEC00;
	s5 =	sshll.u32 s0, $0x7  }
0x1c0: {  	[tilespmem:s30], [sflag:$0x7] =	stream.indirect.gather [hbm4b:s6+s22], $0x80, s5, s22, $0xb8;
	[tilespmem:$0x1CC80] =	vst v63  }
0x1c1: {  	s14 =	sand.u32 $0xFF, s16;
	_ =	swait.ge [sflag:s8], $0x28  }
0x1c2: {  	s14 =	smul.u32 $0xAB, s14;
	[sflag:s8] =	ssyncset.done $0x0  }
0x1c3: {  	[sflag:s8] =	ssyncadd.s32 $0xFFFFFFD8  }
0x1c4: {  	s14 =	sshrl.u32 s14, $0xB;
	_ =	swait.ge [sflag:s8], $0x28  }
0x1c5: {  	s14 =	smul.u32 $0xC, s14;
	[sflag:s8] =	ssyncset.done $0x0  }
0x1c6: {  	[sflag:s8] =	ssyncadd.s32 $0xFFFFFFD8  }
0x1c7: {  	s0 =	ssub.s32 s16, s14;
	_ =	swait.ge [sflag:s21], $0x1400  }
0x1c8: {  	s0 =	sand.u32 $0xFF, s0;
	[sflag:s21] =	ssyncset.done $0x0  }
0x1c9: {  	s14 =	sadd.s32 $0x6, s4;
	s15 =	sshll.u32 s0, $0x7;
	[sflag:s21] =	ssyncadd.s32 $0xFFFFEC00  }
0x1ca: {  	[tilespmem:s31], [sflag:$0x8] =	stream.indirect.gather [hbm4b:s6+s22], $0x80, s15, s22, $0xb8;
	[tilespmem:$0x1CC80] =	vst v63  }
0x1cb: {  	s17 =	sand.u32 $0xFF, s14;
	_ =	swait.ge [sflag:s9], $0x28  }
0x1cc: {  	s0 =	smul.u32 $0xAB, s17;
	[sflag:s9] =	ssyncset.done $0x0  }
0x1cd: {  	[sflag:s9] =	ssyncadd.s32 $0xFFFFFFD8  }
0x1ce: {  	s0 =	sshrl.u32 s0, $0xB;
	_ =	swait.ge [sflag:s9], $0x28  }
0x1cf: {  	s0 =	smul.u32 $0xC, s0;
	[sflag:s9] =	ssyncset.done $0x0  }
0x1d0: {  	[sflag:s9] =	ssyncadd.s32 $0xFFFFFFD8  }
0x1d1: {  	s0 =	ssub.s32 s14, s0;
	_ =	swait.ge [sflag:s23], $0x1400  }
0x1d2: {  	s0 =	sand.u32 $0xFF, s0;
	[sflag:s23] =	ssyncset.done $0x0  }
0x1d3: {  	s26 =	sadd.s32 $0x7, s4;
	s16 =	sshll.u32 s0, $0x7;
	[sflag:s23] =	ssyncadd.s32 $0xFFFFEC00  }
0x1d4: {  	[tilespmem:s11], [sflag:$0x9] =	stream.indirect.gather [hbm4b:s6+s22], $0x80, s16, s22, $0xb8;
	[tilespmem:$0x1CC80] =	vst v63  }
0x1d5: {  	s17 =	sand.u32 $0xFF, s26;
	_ =	swait.ge [sflag:s10], $0x28  }
0x1d6: {  	s17 =	smul.u32 $0xAB, s17;
	[sflag:s10] =	ssyncset.done $0x0  }
0x1d7: {  	[sflag:s10] =	ssyncadd.s32 $0xFFFFFFD8  }
0x1d8: {  	s17 =	sshrl.u32 s17, $0xB;
	_ =	swait.ge [sflag:s10], $0x28  }
0x1d9: {  	s17 =	smul.u32 $0xC, s17;
	[sflag:s10] =	ssyncset.done $0x0  }
0x1da: {  	[sflag:s10] =	ssyncadd.s32 $0xFFFFFFD8  }
0x1db: {  	s0 =	ssub.s32 s26, s17;
	_ =	swait.ge [sflag:s24], $0x1400  }
0x1dc: {  	s0 =	sand.u32 $0xFF, s0;
	[sflag:s24] =	ssyncset.done $0x0  }
0x1dd: {  	s17 =	sshll.u32 s0, $0x7;
	s0 =	sadd.s32 $0x8, s4;
	[sflag:s24] =	ssyncadd.s32 $0xFFFFEC00  }
0x1de: {  	[tilespmem:s29], [sflag:$0xA] =	stream.indirect.gather [hbm4b:s6+s22], $0x80, s17, s22, $0xb8;
	[tilespmem:$0x1CC80] =	vst v63  }
0x1df: {  	s26 =	sand.u32 $0xFF, s0;
	_ =	swait.ge [sflag:s25], $0x28  }
0x1e0: {  	s26 =	smul.u32 $0xAB, s26;
	[sflag:s25] =	ssyncset.done $0x0  }
0x1e1: {  	[sflag:s25] =	ssyncadd.s32 $0xFFFFFFD8  }
0x1e2: {  	s26 =	sshrl.u32 s26, $0xB;
	_ =	swait.ge [sflag:s25], $0x28  }
0x1e3: {  	p1 =	seq.s32 s2, $0x0;
	s26 =	smul.u32 $0xC, s26;
	[sflag:s25] =	ssyncset.done $0x0  }
0x1e4: {  	s29 =	simm.s32 @!p1 $0x11;
	[sflag:s25] =	ssyncadd.s32 $0xFFFFFFD8  }
0x1e5: {  	s0 =	ssub.s32 s0, s26;
	_ =	swait.ge @!p1 [sflag:s29], $0x1400  }
0x1e6: {  	s0 =	sand.u32 $0xFF, s0;
	[sflag:s29] =	ssyncset.done @!p1 $0x0  }
0x1e7: {  	s0 =	sshll.u32 s0, $0x7;
	[sflag:s29] =	ssyncadd.s32 @!p1 $0xFFFFEC00  }
0x1e8: {  	[tilespmem:s18], [sflag:$0xB] =	stream.indirect.gather [hbm4b:s6+s22], $0x80, s0, s22, $0xb8;
	[tilespmem:$0x1CC80] =	vst v63  }
0x1e9: {  	p1 =	sne.s32 s2, $0x0;
	_ =	swait.ge [sflag:s28], $0x28  }
.Ltmp5:
0x1ea: {  	[sflag:s28] =	ssyncset.done $0x0;
	(pc) =	sbr.rel @!p1 .LBB2_5-.Ltmp5, $4  }
0x1eb: {  	[sflag:s28] =	ssyncadd.s32 $0xFFFFFFD8  }
0x1ec: {  	_ =	swait.ge [sflag:s28], $0x28  }
0x1ed: {  	[sflag:s28] =	ssyncset.done $0x0  }
0x1ee: {  	[sflag:s28] =	ssyncadd.s32 $0xFFFFFFD8  }
0x1ef: {  	s26 =	sadd.s32 $0x9, s4  }
0x1f0: {  	s29 =	sand.u32 $0xFF, s26  }
0x1f1: {  	s29 =	smul.u32 $0xAB, s29;
	_ =	sdelay $0x1  }
0x1f2: {  	s29 =	sshrl.u32 s29, $0xB  }
0x1f3: {  	p1 =	seq.s32 s2, $0x4B0;
	s29 =	smul.u32 $0xC, s29  }
.Ltmp6:
0x1f4: {  	s18 =	simm.s32 $0x12;
	(pc) =	sbr.rel @p1 .LBB2_8-.Ltmp6, $4  }
.Ltmp7:
0x1f5: {  	_ =	swait.ge [sflag:s18], $0x1400;
	s26 =	ssub.s32 s26, s29;
	(pc) =	sbr.rel @!p1 .LBB2_7-.Ltmp7, $4  }
0x1f6: {  	[sflag:s18] =	ssyncset.done $0x0;
	s26 =	sand.u32 $0xFF, s26  }
0x1f7: {  	[sflag:s18] =	ssyncadd.s32 $0xFFFFEC00;
	s29 =	simm.s32 $0x7400;
	s26 =	sshll.u32 s26, $0x7  }
0x1f8: {  	[tilespmem:s29], [sflag:$0xC] =	stream.indirect.gather [hbm4b:s6+s22], $0x80, s26, s22, $0xb8;
	[tilespmem:$0x1CC80] =	vst v63  }
0x1f9: {  	_ = 	snop  }
.LBB2_10:
0x1fa: {  	_ =	sfence.sel $0x180000  }
0x1fb: {  	[bflag:$0x0] =	sbarrier.arrive $0xFFFF  }
0x1fc: {  	_ =	strace $0x90000047  }
0x1fd: {  	s0 =	stileid.u32;
	[bflag:$0x2] =	sbarrier.arrive $0xFFFF  }
0x1fe: {  	p0 =	sne.s32 s0, $0x0;
	s0 =	rddreg [dreg:$0x3]  }
0x1ff: {  	s0 =	sadd.s32 @!p0 $0x100000, s0  }
0x200: {  	[sflag:s0] =	ssyncadd.tile.s32 @!p0 $0x1;
	_ =	shalt  }
.Lfunc_end2:
_tile_overlayer_lowered:
.L_overlay_start_2:
0x201: {  	(tag) =	ssettag $0x2  }
0x202: {  	s0 =	rddreg [dreg:$0x0];
	s2 =	stileid.u32  }
0x203: {  	s1 =	rddreg [dreg:$0x1];
	p0 =	sne.s32 s2, $0x0  }
0x204: {  	s3 =	rddreg [dreg:$0x2];
	[bflag:$0x3] =	sbarrier.arrive $0xFFFF;
	s2 =	simm.s32 @!p0 $0x1C14  }
0x205: {  	[timem:s3], [sflag:s2] =	dma.local @!p0 [hbm:s0], s1  }
0x206: {  	s0 =	simm.s32 @!p0 $0x14  }
0x207: {  	_ =	swait.ge @!p0 [sflag:s0], s1  }
0x208: {  	s1 =	ssub.s32 @!p0 $0x0, s1;
	[sflag:s0] =	ssyncset.done @!p0 $0x0  }
0x209: {  	[sflag:s0] =	ssyncadd.s32 @!p0 s1  }
0x20a: {  	[bflag:$0x3] =	sbarrier.arrive $0xFFFF  }
0x20b: {  	_ =	shalt  }

</sc_bundles>
